<compile_context>
chip_gen: v7x
topology: tpu7x:2x2x1
jax: 0.10.2.dev20260603
libtpu: 0.0.44.dev20260713+nightly
codegen_flags: <defaults>
</compile_context>

<pallas_src>
import functools

import jax
import jax.numpy as jnp
from jax import lax
from jax.experimental import pallas as pl
from jax.experimental.pallas import tpu as pltpu
from jax.experimental.pallas import tpu_sc as plsc

N = 10000
F = 256
H = 128
G = 128
E = 160000
MIN_NORM = 1e-15

CH = 128
BLKCH = 16
NBLKE = 5
CHUNKS = BLKCH * NBLKE
EPT = CH * CHUNKS
EP = EPT * 16
NCHUNK = EP // CH
SH_ROWS = 10240

BLK = 2000
NBLK = N // BLK

def _arcosh(t):
    return jnp.log(t + jnp.sqrt(jnp.maximum(t * t - 1.0, MIN_NORM)))


def _col_iota(d):
    return lax.broadcasted_iota(jnp.int32, (1, d), 1)


def _expmap0(u):
    col = _col_iota(u.shape[1])
    sp = jnp.where(col >= 1, u, 0.0)
    sumsq = jnp.sum(sp * sp, axis=1, keepdims=True)
    xn = jnp.maximum(jnp.sqrt(sumsq), MIN_NORM)
    ex = jnp.exp(xn)
    cosh = 0.5 * (ex + 1.0 / ex)
    sinh = 0.5 * (ex - 1.0 / ex)
    return jnp.where(col >= 1, sinh * sp / xn, cosh)


def _logmap0(xx):
    col = _col_iota(xx.shape[1])
    sp = jnp.where(col >= 1, xx, 0.0)
    sumsq = jnp.sum(sp * sp, axis=1, keepdims=True)
    yn = jnp.maximum(jnp.sqrt(sumsq), MIN_NORM)
    th = jnp.maximum(xx[:, 0:1], 1.0 + 1e-7)
    return jnp.where(col >= 1, _arcosh(th) * sp / yn, 0.0)


def _tc1_body(x_ref, out_ref):
    xt = _logmap0(x_ref[...])
    out_ref[0] = xt[:, :H]
    out_ref[1] = xt[:, H:]


def _tc1(x):
    return pl.pallas_call(
        _tc1_body,
        grid=(NBLK,),
        in_specs=[pl.BlockSpec((BLK, F), lambda i: (i, 0))],
        out_specs=pl.BlockSpec((2, BLK, H), lambda i: (0, i, 0)),
        out_shape=jax.ShapeDtypeStruct((2, N, H), jnp.float32),
    )(x)


def _sc_body(xt_hbm, src_hbm, dst_hbm, out_hbm, idx_s, idx_d,
             bufa, bufb, shacc, sem_ga, sem_gb, sem_aa, sem_ab):
    c = lax.axis_index("c")
    s = lax.axis_index("s")

    zv = jnp.zeros((16,), jnp.float32)

    def zrow(r, carry):
        for i in range(8):
            bufa[r, pl.ds(i * 16, 16)] = zv
        return carry

    lax.fori_loop(0, CH, zrow, 0)

    def zchunk(k, carry):
        pltpu.sync_copy(bufa, shacc.at[pl.ds((s * 5 + k) * CH, CH)])
        return carry

    lax.fori_loop(0, 5, zchunk, 0)
    plsc.subcore_barrier()

    bufs = (bufa, bufb)
    sg = (sem_ga, sem_gb)
    sa = (sem_aa, sem_ab)

    def block(b, carry):
        cb = s * CHUNKS + b * BLKCH
        pltpu.sync_copy(src_hbm.at[pl.ds(c * NCHUNK + cb, BLKCH)], idx_s)
        pltpu.sync_copy(dst_hbm.at[pl.ds(cb, BLKCH)], idx_d)

        hg = [pltpu.async_copy(xt_hbm.at[idx_s.at[j]], bufs[j], sg[j])
              for j in range(2)]
        ha = [None, None]
        for j in range(BLKCH):
            p = j % 2
            if j >= 1:
                ha[1 - p].wait()
                if j + 1 < BLKCH:
                    hg.append(pltpu.async_copy(
                        xt_hbm.at[idx_s.at[j + 1]], bufs[1 - p],
                        sg[1 - p]))
            hg[j].wait()
            ha[p] = pltpu.async_copy(bufs[p], shacc.at[idx_d.at[j]],
                                     sa[p], add=True)
        ha[(BLKCH - 1) % 2].wait()
        return carry

    lax.fori_loop(0, NBLKE, block, 0)
    plsc.subcore_barrier()

    def ochunk(j, carry):
        k = s + 16 * j

        @pl.when(k < 78)
        def _():
            pltpu.sync_copy(shacc.at[pl.ds(k * CH, CH)], bufa)
            pltpu.sync_copy(bufa, out_hbm.at[pl.ds(c * N + k * CH, CH)])

        @pl.when(k == 78)
        def _():
            pltpu.sync_copy(shacc.at[pl.ds(k * CH, 16)],
                            bufa.at[pl.ds(0, 16)])
            pltpu.sync_copy(bufa.at[pl.ds(0, 16)],
                            out_hbm.at[pl.ds(c * N + k * CH, 16)])

        return carry

    lax.fori_loop(0, 5, ochunk, 0)


def _sc_agg(xts, src2, dstq):
    mesh = plsc.VectorSubcoreMesh(core_axis_name="c", subcore_axis_name="s")
    k = functools.partial(
        pl.kernel,
        mesh=mesh,
        out_type=jax.ShapeDtypeStruct((2 * N, H), jnp.float32),
        scratch_types=[
            pltpu.VMEM((BLKCH, CH), jnp.int32),
            pltpu.VMEM((BLKCH, CH), jnp.int32),
            pltpu.VMEM((CH, H), jnp.float32),
            pltpu.VMEM((CH, H), jnp.float32),
            pltpu.VMEM_SHARED((SH_ROWS, H), jnp.float32),
            pltpu.SemaphoreType.DMA,
            pltpu.SemaphoreType.DMA,
            pltpu.SemaphoreType.DMA,
            pltpu.SemaphoreType.DMA,
        ],
    )(_sc_body)
    return k(xts, src2, dstq)


def _tc2_body(xt_ref, ag_ref, b_ref, w0_ref, b0_ref, w1_ref, b1_ref,
              wc_ref, bc_ref, hlog_ref, hprob_ref, pooled_ref):
    i = pl.program_id(0)
    xt = jnp.concatenate([xt_ref[0], xt_ref[1]], axis=1)
    ag = jnp.concatenate([ag_ref[0], ag_ref[1]], axis=1)
    h_tan = xt + ag
    h = _expmap0(h_tan)
    t1 = _logmap0(h)
    o1 = jnp.dot(t1, w0_ref[...], preferred_element_type=jnp.float32) \
        + b0_ref[...]
    h2 = _expmap0(o1)
    t2 = jnp.maximum(_logmap0(h2), 0.0)
    h3 = _expmap0(t2)
    t3 = _logmap0(h3)
    o2 = jnp.dot(t3, w1_ref[...], preferred_element_type=jnp.float32) \
        + b1_ref[...]
    h4 = _expmap0(o2)
    t4 = jnp.maximum(_logmap0(h4), 0.0)
    h5 = _expmap0(t4)
    ht = _logmap0(h5)

    b = b_ref[0]
    gi = lax.broadcasted_iota(jnp.int32, (G, 1), 0)
    oh = jnp.where(gi == b, 1.0, 0.0)
    part = jnp.dot(oh, ht, preferred_element_type=jnp.float32)

    @pl.when(i == 0)
    def _():
        pooled_ref[...] = part

    @pl.when(i > 0)
    def _():
        pooled_ref[...] += part

    @pl.when(i == NBLK - 1)
    def _():
        p = pooled_ref[...]
        he = _expmap0(p)
        xc = _logmap0(he)
        oc = jnp.dot(xc, wc_ref[...], preferred_element_type=jnp.float32) \
            + bc_ref[...]
        hc = _expmap0(oc)
        lg = _logmap0(hc)
        hlog_ref[...] = lg[:, 1:11]
        col = _col_iota(H)
        m = col < 11
        mx = jnp.max(jnp.where(m, lg, -jnp.inf), axis=1, keepdims=True)
        e = jnp.where(m, jnp.exp(lg - mx), 0.0)
        sm = e / jnp.sum(e, axis=1, keepdims=True)
        st = jnp.where(col >= 1, sm, 0.0)
        hp = _expmap0(st)
        hprob_ref[...] = hp[:, 1:11]


def _tc2(xt_split, ag_split, batch3, w0p, b0p, w1p, b1p, wcp, bcp):
    full = lambda r, c_: pl.BlockSpec((r, c_), lambda i: (0, 0))
    return pl.pallas_call(
        _tc2_body,
        grid=(NBLK,),
        in_specs=[
            pl.BlockSpec((2, BLK, H), lambda i: (0, i, 0)),
            pl.BlockSpec((2, BLK, H), lambda i: (0, i, 0)),
            pl.BlockSpec((1, 1, BLK), lambda i: (i, 0, 0)),
            full(F, H), full(1, H), full(H, H), full(1, H),
            full(H, H), full(1, H),
        ],
        out_specs=[
            pl.BlockSpec((G, 10), lambda i: (0, 0)),
            pl.BlockSpec((G, 10), lambda i: (0, 0)),
        ],
        out_shape=[
            jax.ShapeDtypeStruct((G, 10), jnp.float32),
            jax.ShapeDtypeStruct((G, 10), jnp.float32),
        ],
        scratch_shapes=[pltpu.VMEM((G, H), jnp.float32)],
    )(xt_split, ag_split, batch3, w0p, b0p, w1p, b1p, wcp, bcp)


def kernel(x, edge_index, batch, W0, b0, W1, b1, Wc, bc):
    w0p = jnp.zeros((F, H), jnp.float32).at[1:, 1:].set(W0.T)
    b0p = jnp.zeros((1, H), jnp.float32).at[0, 1:].set(b0)
    w1p = jnp.zeros((H, H), jnp.float32).at[1:, 1:].set(W1.T)
    b1p = jnp.zeros((1, H), jnp.float32).at[0, 1:].set(b1)
    wcp = jnp.zeros((H, H), jnp.float32).at[1:, 1:11].set(Wc.T)
    bcp = jnp.zeros((1, H), jnp.float32).at[0, 1:11].set(bc)

    src = edge_index[0]
    dst = edge_index[1]
    pad = EP - E
    srcp = jnp.concatenate([src, jnp.zeros((pad,), jnp.int32)])
    dstp = jnp.concatenate([dst, jnp.full((pad,), N, jnp.int32)])
    src2 = jnp.concatenate([srcp, srcp + N]).reshape(2 * NCHUNK, CH)
    dstq = dstp.reshape(NCHUNK, CH)

    xt_split = _tc1(x)
    xts = xt_split.reshape(2 * N, H)
    agg2 = _sc_agg(xts, src2, dstq)
    batch3 = batch.reshape(NBLK, 1, BLK)
    return _tc2(xt_split, agg2.reshape(2, N, H), batch3,
                w0p, b0p, w1p, b1p, wcp, bcp)

# --- scband reference (transcript-rebuilt; emitter-appended) ---
"""Pipeline reference for scband-classifier-7919919694416 (READ-ONLY COPY).

The authoritative reference and input builder live on the scoring server;
editing this copy changes nothing except your own understanding.
"""

import jax, jax.numpy as jnp
import numpy as np

MIN_NORM = 1e-15
N_NODES = 10000
N_EDGES = 160000
IN_FEAT = 256
HID = 128
NUM_GRAPHS = 128
NUM_CLASSES = 10
C = 1.0
GIN_EPS = 0.0


def arcosh(x):
    return jnp.log(x + jnp.sqrt(jnp.clip(x * x - 1.0, MIN_NORM, None)))


def expmap0(u, c):
    sqrtK = (1.0 / c) ** 0.5
    x = u[:, 1:]
    x_norm = jnp.clip(jnp.linalg.norm(x, axis=1, keepdims=True), MIN_NORM, None)
    theta = x_norm / sqrtK
    time = sqrtK * jnp.cosh(theta)
    space = sqrtK * jnp.sinh(theta) * x / x_norm
    return jnp.concatenate([time, space], axis=1)


def logmap0(x, c):
    sqrtK = (1.0 / c) ** 0.5
    y = x[:, 1:]
    y_norm = jnp.clip(jnp.linalg.norm(y, axis=1, keepdims=True), MIN_NORM, None)
    theta = jnp.clip(x[:, 0:1] / sqrtK, 1.0 + 1e-7, None)
    space = sqrtK * arcosh(theta) * y / y_norm
    return jnp.concatenate([jnp.zeros_like(x[:, 0:1]), space], axis=1)


def ntz(u):
    # normalize_tangent_zero: force time coordinate of tangent vector at origin to 0
    return jnp.concatenate([jnp.zeros_like(u[:, 0:1]), u[:, 1:]], axis=1)


def lorentz_linear(x, W, b, c):
    x_tan = logmap0(x, c)
    mx = x_tan[:, 1:] @ W.T + b
    out_tan = jnp.concatenate([jnp.zeros((x.shape[0], 1), x.dtype), mx], axis=1)
    return expmap0(out_tan, c)


def lorentz_act(x, act, c_in, c_out):
    xt = ntz(act(logmap0(x, c_in)))
    return expmap0(xt, c_out)


def setup_inputs(seed: int = 0):
    key = jax.random.key(seed)
    ks = jax.random.split(key, 10)
    # node features: random tangent vectors projected onto the hyperboloid
    x_tan = 0.01 * jax.random.normal(ks[0], (N_NODES, IN_FEAT), jnp.float32)
    x_tan = x_tan.at[:, 0].set(0.0)
    x = expmap0(x_tan, C)
    edge_index = jax.random.randint(ks[1], (2, N_EDGES), 0, N_NODES, dtype=jnp.int32)
    batch = jnp.sort(jax.random.randint(ks[2], (N_NODES,), 0, NUM_GRAPHS, dtype=jnp.int32))
    # GinMLP layer 0: LorentzLinear(in=255, out=128) -> weight [127, 255]
    W0 = 0.02 * jax.random.normal(ks[3], (HID - 1, IN_FEAT - 1), jnp.float32)
    b0 = 0.02 * jax.random.normal(ks[4], (HID - 1,), jnp.float32)
    # GinMLP layer 1: LorentzLinear(in=127, out=128) -> weight [127, 127]
    W1 = 0.02 * jax.random.normal(ks[5], (HID - 1, HID - 1), jnp.float32)
    b1 = 0.02 * jax.random.normal(ks[6], (HID - 1,), jnp.float32)
    # classifier: LorentzLinear(in=127, out=num_classes+1=11) -> weight [10, 127]
    Wc = 0.02 * jax.random.normal(ks[7], (NUM_CLASSES, HID - 1), jnp.float32)
    bc = 0.02 * jax.random.normal(ks[8], (NUM_CLASSES,), jnp.float32)
    return {"x": x, "edge_index": edge_index, "batch": batch, "W0": W0, "b0": b0, "W1": W1, "b1": b1, "Wc": Wc, "bc": bc}


def reference(x, edge_index, batch, W0, b0, W1, b1, Wc, bc):
    src = edge_index[0]
    dst = edge_index[1]
    # LorentzGIN: aggregate neighbor messages in the tangent space at the origin
    x_tan = logmap0(x, C)
    agg = jax.ops.segment_sum(x_tan[src], dst, num_segments=N_NODES)
    h_tan = (1.0 + GIN_EPS) * x_tan + agg
    h = expmap0(ntz(h_tan), C)
    # GinMLP: (LorentzLinear -> LorentzAct(ReLU)) x 2
    h = lorentz_linear(h, W0, b0, C)
    h = lorentz_act(h, jax.nn.relu, C, C)
    h = lorentz_linear(h, W1, b1, C)
    h = lorentz_act(h, jax.nn.relu, C, C)
    # readout: log map -> global_add_pool over graph assignment -> exp map
    ht = logmap0(h, C)
    pooled = jax.ops.segment_sum(ht, batch, num_segments=NUM_GRAPHS)
    h_exp = expmap0(ntz(pooled), C)
    # classifier head
    h_cls = lorentz_linear(h_exp, Wc, bc, C)
    h_log = logmap0(h_cls, C)
    h_prob = lorentz_act(h_cls, lambda t: jax.nn.softmax(t, axis=1), C, C)
    # num_classes > 2 branch: drop the Lorentz time coordinate
    return (h_log[:, 1:], h_prob[:, 1:])

if __name__ == "__main__":
    import jax
    _d = setup_inputs()
    print(jax.jit(kernel)(*tuple(_d.values())))

</pallas_src>

<mosaic_0001>
#map = affine_map<(d0, d1) -> (0, 0)>
module attributes {stable_mosaic.version = 14 : i64} {
  func.func @_sc_body(%arg0: i32, %arg1: i32, %arg2: memref<20000x128xf32, #tpu.memory_space<hbm>>, %arg3: memref<2560x128xi32, #tpu.memory_space<hbm>>, %arg4: memref<1280x128xi32, #tpu.memory_space<hbm>>, %arg5: memref<20000x128xf32, #tpu.memory_space<hbm>>, %arg6: memref<16x128xi32, #tpu.memory_space<vmem>>, %arg7: memref<16x128xi32, #tpu.memory_space<vmem>>, %arg8: memref<128x128xf32, #tpu.memory_space<vmem>>, %arg9: memref<128x128xf32, #tpu.memory_space<vmem>>, %arg10: memref<10240x128xf32, #tpu.memory_space<vmem_shared>>, %arg11: memref<!tpu.dma_semaphore, #tpu.memory_space<semaphore_mem>>, %arg12: memref<!tpu.dma_semaphore, #tpu.memory_space<semaphore_mem>>, %arg13: memref<!tpu.dma_semaphore, #tpu.memory_space<semaphore_mem>>, %arg14: memref<!tpu.dma_semaphore, #tpu.memory_space<semaphore_mem>>) attributes {dimension_semantics = [#tpu.dimension_semantics<core_parallel>, #tpu.dimension_semantics<subcore_parallel>], iteration_bounds = array<i64: 2, 16>, scalar_prefetch = 0 : i64, scratch_operands = 9 : i64, tpu.core_type = #tpu.core_type<sc_vector_subcore>, window_params = [{transform_indices = #map}, {transform_indices = #map}, {transform_indices = #map}, {transform_indices = #map}]} {
    %broadcast_in_dim3A = arith.constant 0.000000e+00 : f32
    %broadcast_in_dim3A_0 = vector.broadcast %broadcast_in_dim3A : f32 to vector<16xf32>
    %scan3A = arith.constant 0 : i32
    %scan3A_1 = arith.constant 0 : i32
    %scan3A_2 = arith.constant 128 : i32
    %scan3A_3 = arith.addi %scan3A_1, %scan3A_2 : i32
    %scan3A_4 = arith.constant 1 : i32
    scf.for %scan3A_25 = %scan3A_1 to %scan3A_3 step %scan3A_4  : i32 {
      %swap3A = arith.index_cast %scan3A_25 : i32 to index
      %swap3A_26 = arith.constant 0 : index
      %swap3A_27 = tpu.vector_load %arg8[%swap3A, %swap3A_26] {strides = array<i32>} : memref<128x128xf32, #tpu.memory_space<vmem>>, vector<1x16xf32>,
      %swap3A_28 = vector.shape_cast %swap3A_27 : vector<1x16xf32> to vector<16xf32>
      %swap3A_29 = vector.shape_cast %broadcast_in_dim3A_0 : vector<16xf32> to vector<1x16xf32>
      tpu.vector_store %arg8[%swap3A, %swap3A_26], %swap3A_29 {strides = array<i32>} : memref<128x128xf32, #tpu.memory_space<vmem>>, vector<1x16xf32>,
      %swap3A_30 = arith.index_cast %scan3A_25 : i32 to index
      %swap3A_31 = arith.constant 16 : index
      %swap3A_32 = tpu.vector_load %arg8[%swap3A_30, %swap3A_31] {strides = array<i32>} : memref<128x128xf32, #tpu.memory_space<vmem>>, vector<1x16xf32>,
      %swap3A_33 = vector.shape_cast %swap3A_32 : vector<1x16xf32> to vector<16xf32>
      %swap3A_34 = vector.shape_cast %broadcast_in_dim3A_0 : vector<16xf32> to vector<1x16xf32>
      tpu.vector_store %arg8[%swap3A_30, %swap3A_31], %swap3A_34 {strides = array<i32>} : memref<128x128xf32, #tpu.memory_space<vmem>>, vector<1x16xf32>,
      %swap3A_35 = arith.index_cast %scan3A_25 : i32 to index
      %swap3A_36 = arith.constant 32 : index
      %swap3A_37 = tpu.vector_load %arg8[%swap3A_35, %swap3A_36] {strides = array<i32>} : memref<128x128xf32, #tpu.memory_space<vmem>>, vector<1x16xf32>,
      %swap3A_38 = vector.shape_cast %swap3A_37 : vector<1x16xf32> to vector<16xf32>
      %swap3A_39 = vector.shape_cast %broadcast_in_dim3A_0 : vector<16xf32> to vector<1x16xf32>
      tpu.vector_store %arg8[%swap3A_35, %swap3A_36], %swap3A_39 {strides = array<i32>} : memref<128x128xf32, #tpu.memory_space<vmem>>, vector<1x16xf32>,
      %swap3A_40 = arith.index_cast %scan3A_25 : i32 to index
      %swap3A_41 = arith.constant 48 : index
      %swap3A_42 = tpu.vector_load %arg8[%swap3A_40, %swap3A_41] {strides = array<i32>} : memref<128x128xf32, #tpu.memory_space<vmem>>, vector<1x16xf32>,
      %swap3A_43 = vector.shape_cast %swap3A_42 : vector<1x16xf32> to vector<16xf32>
      %swap3A_44 = vector.shape_cast %broadcast_in_dim3A_0 : vector<16xf32> to vector<1x16xf32>
      tpu.vector_store %arg8[%swap3A_40, %swap3A_41], %swap3A_44 {strides = array<i32>} : memref<128x128xf32, #tpu.memory_space<vmem>>, vector<1x16xf32>,
      %swap3A_45 = arith.index_cast %scan3A_25 : i32 to index
      %swap3A_46 = arith.constant 64 : index
      %swap3A_47 = tpu.vector_load %arg8[%swap3A_45, %swap3A_46] {strides = array<i32>} : memref<128x128xf32, #tpu.memory_space<vmem>>, vector<1x16xf32>,
      %swap3A_48 = vector.shape_cast %swap3A_47 : vector<1x16xf32> to vector<16xf32>
      %swap3A_49 = vector.shape_cast %broadcast_in_dim3A_0 : vector<16xf32> to vector<1x16xf32>
      tpu.vector_store %arg8[%swap3A_45, %swap3A_46], %swap3A_49 {strides = array<i32>} : memref<128x128xf32, #tpu.memory_space<vmem>>, vector<1x16xf32>,
      %swap3A_50 = arith.index_cast %scan3A_25 : i32 to index
      %swap3A_51 = arith.constant 80 : index
      %swap3A_52 = tpu.vector_load %arg8[%swap3A_50, %swap3A_51] {strides = array<i32>} : memref<128x128xf32, #tpu.memory_space<vmem>>, vector<1x16xf32>,
      %swap3A_53 = vector.shape_cast %swap3A_52 : vector<1x16xf32> to vector<16xf32>
      %swap3A_54 = vector.shape_cast %broadcast_in_dim3A_0 : vector<16xf32> to vector<1x16xf32>
      tpu.vector_store %arg8[%swap3A_50, %swap3A_51], %swap3A_54 {strides = array<i32>} : memref<128x128xf32, #tpu.memory_space<vmem>>, vector<1x16xf32>,
      %swap3A_55 = arith.index_cast %scan3A_25 : i32 to index
      %swap3A_56 = arith.constant 96 : index
      %swap3A_57 = tpu.vector_load %arg8[%swap3A_55, %swap3A_56] {strides = array<i32>} : memref<128x128xf32, #tpu.memory_space<vmem>>, vector<1x16xf32>,
      %swap3A_58 = vector.shape_cast %swap3A_57 : vector<1x16xf32> to vector<16xf32>
      %swap3A_59 = vector.shape_cast %broadcast_in_dim3A_0 : vector<16xf32> to vector<1x16xf32>
      tpu.vector_store %arg8[%swap3A_55, %swap3A_56], %swap3A_59 {strides = array<i32>} : memref<128x128xf32, #tpu.memory_space<vmem>>, vector<1x16xf32>,
      %swap3A_60 = arith.index_cast %scan3A_25 : i32 to index
      %swap3A_61 = arith.constant 112 : index
      %swap3A_62 = tpu.vector_load %arg8[%swap3A_60, %swap3A_61] {strides = array<i32>} : memref<128x128xf32, #tpu.memory_space<vmem>>, vector<1x16xf32>,
      %swap3A_63 = vector.shape_cast %swap3A_62 : vector<1x16xf32> to vector<16xf32>
      %swap3A_64 = vector.shape_cast %broadcast_in_dim3A_0 : vector<16xf32> to vector<1x16xf32>
      tpu.vector_store %arg8[%swap3A_60, %swap3A_61], %swap3A_64 {strides = array<i32>} : memref<128x128xf32, #tpu.memory_space<vmem>>, vector<1x16xf32>,
    }
    %scan3A_5 = arith.constant 128 : i32
    %scan3A_6 = arith.constant 0 : i32
    %scan3A_7 = arith.constant 0 : i32
    %scan3A_8 = arith.constant 5 : i32
    %scan3A_9 = arith.addi %scan3A_7, %scan3A_8 : i32
    %scan3A_10 = arith.constant 1 : i32
    scf.for %scan3A_25 = %scan3A_7 to %scan3A_9 step %scan3A_10  : i32 {
      %mul3A = arith.constant 5 : i32
      %mul3A_26 = arith.muli %arg1, %mul3A : i32
      %add3A = arith.addi %mul3A_26, %scan3A_25 : i32
      %mul3A_27 = arith.constant 128 : i32
      %mul3A_28 = arith.muli %add3A, %mul3A_27 : i32
      "tpu.region"() ({
        %run_scoped3A = tpu.sem_alloc : memref<!tpu.dma_semaphore, #tpu.memory_space<semaphore_mem>>
        %dma_start3A = arith.constant 0 : i32
        %dma_start3A_29 = tpu.memref_slice %arg10[%mul3A_28, %dma_start3A] : memref<10240x128xf32, #tpu.memory_space<vmem_shared>> -> memref<128x128xf32, #tpu.memory_space<vmem_shared>>
        %dma_start3A_30 = arith.constant 0 : i32
        %dma_start3A_31 = tpu.memref_slice %arg10[%mul3A_28, %dma_start3A_30] : memref<10240x128xf32, #tpu.memory_space<vmem_shared>> -> memref<128x128xf32, #tpu.memory_space<vmem_shared>>
        tpu.enqueue_dma source(%arg8 : memref<128x128xf32, #tpu.memory_space<vmem>>) target(%dma_start3A_31 : memref<128x128xf32, #tpu.memory_space<vmem_shared>>) target_semaphore(%run_scoped3A : memref<!tpu.dma_semaphore, #tpu.memory_space<semaphore_mem>>)
        %dma_wait3A = arith.constant 0 : i32
        %dma_wait3A_32 = tpu.memref_slice %arg10[%mul3A_28, %dma_wait3A] : memref<10240x128xf32, #tpu.memory_space<vmem_shared>> -> memref<128x128xf32, #tpu.memory_space<vmem_shared>>
        %dma_wait3A_33 = arith.constant 0 : i32
        %dma_wait3A_34 = tpu.memref_slice %arg10[%mul3A_28, %dma_wait3A_33] : memref<10240x128xf32, #tpu.memory_space<vmem_shared>> -> memref<128x128xf32, #tpu.memory_space<vmem_shared>>
        tpu.wait_dma2 semaphore(%run_scoped3A : memref<!tpu.dma_semaphore, #tpu.memory_space<semaphore_mem>>) src(%arg8 : memref<128x128xf32, #tpu.memory_space<vmem>>) dst(%dma_wait3A_34 : memref<128x128xf32, #tpu.memory_space<vmem_shared>>)
        tpu.yield
      }) : () -> ()
    }
    %scan3A_11 = arith.constant 5 : i32
    %barrier3A = arith.constant 0 : index
    tpu.barrier barrier_id(%barrier3A)
    %scan3A_12 = arith.constant 0 : i32
    %scan3A_13 = arith.constant 0 : i32
    %scan3A_14 = arith.constant 5 : i32
    %scan3A_15 = arith.addi %scan3A_13, %scan3A_14 : i32
    %scan3A_16 = arith.constant 1 : i32
    scf.for %scan3A_25 = %scan3A_13 to %scan3A_15 step %scan3A_16  : i32 {
      %mul3A = arith.constant 80 : i32
      %mul3A_26 = arith.muli %arg1, %mul3A : i32
      %mul3A_27 = arith.constant 16 : i32
      %mul3A_28 = arith.muli %scan3A_25, %mul3A_27 : i32
      %add3A = arith.addi %mul3A_26, %mul3A_28 : i32
      %mul3A_29 = arith.constant 1280 : i32
      %mul3A_30 = arith.muli %arg0, %mul3A_29 : i32
      %add3A_31 = arith.addi %mul3A_30, %add3A : i32
      "tpu.region"() ({
        %run_scoped3A = tpu.sem_alloc : memref<!tpu.dma_semaphore, #tpu.memory_space<semaphore_mem>>
        %dma_start3A_478 = arith.constant 0 : i32
        %dma_start3A_479 = tpu.memref_slice %arg3[%add3A_31, %dma_start3A_478] : memref<2560x128xi32, #tpu.memory_space<hbm>> -> memref<16x128xi32, #tpu.memory_space<hbm>>
        %dma_start3A_480 = arith.constant 0 : i32
        %dma_start3A_481 = tpu.memref_slice %arg3[%add3A_31, %dma_start3A_480] : memref<2560x128xi32, #tpu.memory_space<hbm>> -> memref<16x128xi32, #tpu.memory_space<hbm>>
        tpu.enqueue_dma source(%dma_start3A_481 : memref<16x128xi32, #tpu.memory_space<hbm>>) target(%arg6 : memref<16x128xi32, #tpu.memory_space<vmem>>) target_semaphore(%run_scoped3A : memref<!tpu.dma_semaphore, #tpu.memory_space<semaphore_mem>>)
        %dma_wait3A_482 = arith.constant 0 : i32
        %dma_wait3A_483 = tpu.memref_slice %arg3[%add3A_31, %dma_wait3A_482] : memref<2560x128xi32, #tpu.memory_space<hbm>> -> memref<16x128xi32, #tpu.memory_space<hbm>>
        %dma_wait3A_484 = arith.constant 0 : i32
        %dma_wait3A_485 = tpu.memref_slice %arg3[%add3A_31, %dma_wait3A_484] : memref<2560x128xi32, #tpu.memory_space<hbm>> -> memref<16x128xi32, #tpu.memory_space<hbm>>
        tpu.wait_dma2 semaphore(%run_scoped3A : memref<!tpu.dma_semaphore, #tpu.memory_space<semaphore_mem>>) src(%dma_wait3A_485 : memref<16x128xi32, #tpu.memory_space<hbm>>) dst(%arg6 : memref<16x128xi32, #tpu.memory_space<vmem>>)
        tpu.yield
      }) : () -> ()
      "tpu.region"() ({
        %run_scoped3A = tpu.sem_alloc : memref<!tpu.dma_semaphore, #tpu.memory_space<semaphore_mem>>
        %dma_start3A_478 = arith.constant 0 : i32
        %dma_start3A_479 = tpu.memref_slice %arg4[%add3A, %dma_start3A_478] : memref<1280x128xi32, #tpu.memory_space<hbm>> -> memref<16x128xi32, #tpu.memory_space<hbm>>
        %dma_start3A_480 = arith.constant 0 : i32
        %dma_start3A_481 = tpu.memref_slice %arg4[%add3A, %dma_start3A_480] : memref<1280x128xi32, #tpu.memory_space<hbm>> -> memref<16x128xi32, #tpu.memory_space<hbm>>
        tpu.enqueue_dma source(%dma_start3A_481 : memref<16x128xi32, #tpu.memory_space<hbm>>) target(%arg7 : memref<16x128xi32, #tpu.memory_space<vmem>>) target_semaphore(%run_scoped3A : memref<!tpu.dma_semaphore, #tpu.memory_space<semaphore_mem>>)
        %dma_wait3A_482 = arith.constant 0 : i32
        %dma_wait3A_483 = tpu.memref_slice %arg4[%add3A, %dma_wait3A_482] : memref<1280x128xi32, #tpu.memory_space<hbm>> -> memref<16x128xi32, #tpu.memory_space<hbm>>
        %dma_wait3A_484 = arith.constant 0 : i32
        %dma_wait3A_485 = tpu.memref_slice %arg4[%add3A, %dma_wait3A_484] : memref<1280x128xi32, #tpu.memory_space<hbm>> -> memref<16x128xi32, #tpu.memory_space<hbm>>
        tpu.wait_dma2 semaphore(%run_scoped3A : memref<!tpu.dma_semaphore, #tpu.memory_space<semaphore_mem>>) src(%dma_wait3A_485 : memref<16x128xi32, #tpu.memory_space<hbm>>) dst(%arg7 : memref<16x128xi32, #tpu.memory_space<vmem>>)
        tpu.yield
      }) : () -> ()
      %dma_start3A = arith.constant 0 : i32
      %dma_start3A_32 = arith.constant 0 : i32
      %dma_start3A_33 = tpu.memref_slice %arg6[%dma_start3A, %dma_start3A_32] : memref<16x128xi32, #tpu.memory_space<vmem>> -> memref<1x128xi32, #tpu.memory_space<vmem>>
      %dma_start3A_34 = tpu.memref_squeeze %dma_start3A_33 : memref<1x128xi32, #tpu.memory_space<vmem>> -> memref<128xi32, #tpu.memory_space<vmem>>
      %dma_start3A_35 = arith.constant 0 : i32
      %dma_start3A_36 = arith.constant 0 : i32
      %dma_start3A_37 = tpu.memref_slice %arg2[%dma_start3A_35, %dma_start3A_36] : memref<20000x128xf32, #tpu.memory_space<hbm>> -> memref<20000x128xf32, #tpu.memory_space<hbm>>
      tpu.enqueue_indirect_dma source(%dma_start3A_37 : memref<20000x128xf32, #tpu.memory_space<hbm>>) target(%arg8 : memref<128x128xf32, #tpu.memory_space<vmem>>) offsets(%dma_start3A_34 : memref<128xi32, #tpu.memory_space<vmem>>) semaphore(%arg11 : memref<!tpu.dma_semaphore, #tpu.memory_space<semaphore_mem>>)
      %dma_start3A_38 = arith.constant 1 : i32
      %dma_start3A_39 = arith.constant 0 : i32
      %dma_start3A_40 = tpu.memref_slice %arg6[%dma_start3A_38, %dma_start3A_39] : memref<16x128xi32, #tpu.memory_space<vmem>> -> memref<1x128xi32, #tpu.memory_space<vmem>>
      %dma_start3A_41 = tpu.memref_squeeze %dma_start3A_40 : memref<1x128xi32, #tpu.memory_space<vmem>> -> memref<128xi32, #tpu.memory_space<vmem>>
      %dma_start3A_42 = arith.constant 0 : i32
      %dma_start3A_43 = arith.constant 0 : i32
      %dma_start3A_44 = tpu.memref_slice %arg2[%dma_start3A_42, %dma_start3A_43] : memref<20000x128xf32, #tpu.memory_space<hbm>> -> memref<20000x128xf32, #tpu.memory_space<hbm>>
      tpu.enqueue_indirect_dma source(%dma_start3A_44 : memref<20000x128xf32, #tpu.memory_space<hbm>>) target(%arg9 : memref<128x128xf32, #tpu.memory_space<vmem>>) offsets(%dma_start3A_41 : memref<128xi32, #tpu.memory_space<vmem>>) semaphore(%arg12 : memref<!tpu.dma_semaphore, #tpu.memory_space<semaphore_mem>>)
      %dma_wait3A = arith.constant 0 : i32
      %dma_wait3A_45 = arith.constant 0 : i32
      %dma_wait3A_46 = tpu.memref_slice %arg6[%dma_wait3A, %dma_wait3A_45] : memref<16x128xi32, #tpu.memory_space<vmem>> -> memref<1x128xi32, #tpu.memory_space<vmem>>
      %dma_wait3A_47 = tpu.memref_squeeze %dma_wait3A_46 : memref<1x128xi32, #tpu.memory_space<vmem>> -> memref<128xi32, #tpu.memory_space<vmem>>
      %dma_wait3A_48 = arith.constant 0 : i32
      %dma_wait3A_49 = arith.constant 0 : i32
      %dma_wait3A_50 = tpu.memref_slice %arg2[%dma_wait3A_48, %dma_wait3A_49] : memref<20000x128xf32, #tpu.memory_space<hbm>> -> memref<20000x128xf32, #tpu.memory_space<hbm>>
      tpu.wait_indirect_dma semaphore(%arg11 : memref<!tpu.dma_semaphore, #tpu.memory_space<semaphore_mem>>) src(%dma_wait3A_50 : memref<20000x128xf32, #tpu.memory_space<hbm>>) dst(%arg8 : memref<128x128xf32, #tpu.memory_space<vmem>>)
      %dma_start3A_51 = arith.constant 0 : i32
      %dma_start3A_52 = arith.constant 0 : i32
      %dma_start3A_53 = tpu.memref_slice %arg7[%dma_start3A_51, %dma_start3A_52] : memref<16x128xi32, #tpu.memory_space<vmem>> -> memref<1x128xi32, #tpu.memory_space<vmem>>
      %dma_start3A_54 = tpu.memref_squeeze %dma_start3A_53 : memref<1x128xi32, #tpu.memory_space<vmem>> -> memref<128xi32, #tpu.memory_space<vmem>>
      %dma_start3A_55 = arith.constant 0 : i32
      %dma_start3A_56 = arith.constant 0 : i32
      %dma_start3A_57 = tpu.memref_slice %arg10[%dma_start3A_55, %dma_start3A_56] : memref<10240x128xf32, #tpu.memory_space<vmem_shared>> -> memref<10240x128xf32, #tpu.memory_space<vmem_shared>>
      tpu.enqueue_indirect_dma source(%arg8 : memref<128x128xf32, #tpu.memory_space<vmem>>) target(%dma_start3A_57 : memref<10240x128xf32, #tpu.memory_space<vmem_shared>>) offsets(%dma_start3A_54 : memref<128xi32, #tpu.memory_space<vmem>>) semaphore(%arg13 : memref<!tpu.dma_semaphore, #tpu.memory_space<semaphore_mem>>) {add = true}
      %dma_wait3A_58 = arith.constant 0 : i32
      %dma_wait3A_59 = arith.constant 0 : i32
      %dma_wait3A_60 = tpu.memref_slice %arg7[%dma_wait3A_58, %dma_wait3A_59] : memref<16x128xi32, #tpu.memory_space<vmem>> -> memref<1x128xi32, #tpu.memory_space<vmem>>
      %dma_wait3A_61 = tpu.memref_squeeze %dma_wait3A_60 : memref<1x128xi32, #tpu.memory_space<vmem>> -> memref<128xi32, #tpu.memory_space<vmem>>
      %dma_wait3A_62 = arith.constant 0 : i32
      %dma_wait3A_63 = arith.constant 0 : i32
      %dma_wait3A_64 = tpu.memref_slice %arg10[%dma_wait3A_62, %dma_wait3A_63] : memref<10240x128xf32, #tpu.memory_space<vmem_shared>> -> memref<10240x128xf32, #tpu.memory_space<vmem_shared>>
      tpu.wait_indirect_dma semaphore(%arg13 : memref<!tpu.dma_semaphore, #tpu.memory_space<semaphore_mem>>) src(%arg8 : memref<128x128xf32, #tpu.memory_space<vmem>>) dst(%dma_wait3A_64 : memref<10240x128xf32, #tpu.memory_space<vmem_shared>>)
      %dma_start3A_65 = arith.constant 2 : i32
      %dma_start3A_66 = arith.constant 0 : i32
      %dma_start3A_67 = tpu.memref_slice %arg6[%dma_start3A_65, %dma_start3A_66] : memref<16x128xi32, #tpu.memory_space<vmem>> -> memref<1x128xi32, #tpu.memory_space<vmem>>
      %dma_start3A_68 = tpu.memref_squeeze %dma_start3A_67 : memref<1x128xi32, #tpu.memory_space<vmem>> -> memref<128xi32, #tpu.memory_space<vmem>>
      %dma_start3A_69 = arith.constant 0 : i32
      %dma_start3A_70 = arith.constant 0 : i32
      %dma_start3A_71 = tpu.memref_slice %arg2[%dma_start3A_69, %dma_start3A_70] : memref<20000x128xf32, #tpu.memory_space<hbm>> -> memref<20000x128xf32, #tpu.memory_space<hbm>>
      tpu.enqueue_indirect_dma source(%dma_start3A_71 : memref<20000x128xf32, #tpu.memory_space<hbm>>) target(%arg8 : memref<128x128xf32, #tpu.memory_space<vmem>>) offsets(%dma_start3A_68 : memref<128xi32, #tpu.memory_space<vmem>>) semaphore(%arg11 : memref<!tpu.dma_semaphore, #tpu.memory_space<semaphore_mem>>)
      %dma_wait3A_72 = arith.constant 1 : i32
      %dma_wait3A_73 = arith.constant 0 : i32
      %dma_wait3A_74 = tpu.memref_slice %arg6[%dma_wait3A_72, %dma_wait3A_73] : memref<16x128xi32, #tpu.memory_space<vmem>> -> memref<1x128xi32, #tpu.memory_space<vmem>>
      %dma_wait3A_75 = tpu.memref_squeeze %dma_wait3A_74 : memref<1x128xi32, #tpu.memory_space<vmem>> -> memref<128xi32, #tpu.memory_space<vmem>>
      %dma_wait3A_76 = arith.constant 0 : i32
      %dma_wait3A_77 = arith.constant 0 : i32
      %dma_wait3A_78 = tpu.memref_slice %arg2[%dma_wait3A_76, %dma_wait3A_77] : memref<20000x128xf32, #tpu.memory_space<hbm>> -> memref<20000x128xf32, #tpu.memory_space<hbm>>
      tpu.wait_indirect_dma semaphore(%arg12 : memref<!tpu.dma_semaphore, #tpu.memory_space<semaphore_mem>>) src(%dma_wait3A_78 : memref<20000x128xf32, #tpu.memory_space<hbm>>) dst(%arg9 : memref<128x128xf32, #tpu.memory_space<vmem>>)
      %dma_start3A_79 = arith.constant 1 : i32
      %dma_start3A_80 = arith.constant 0 : i32
      %dma_start3A_81 = tpu.memref_slice %arg7[%dma_start3A_79, %dma_start3A_80] : memref<16x128xi32, #tpu.memory_space<vmem>> -> memref<1x128xi32, #tpu.memory_space<vmem>>
      %dma_start3A_82 = tpu.memref_squeeze %dma_start3A_81 : memref<1x128xi32, #tpu.memory_space<vmem>> -> memref<128xi32, #tpu.memory_space<vmem>>
      %dma_start3A_83 = arith.constant 0 : i32
      %dma_start3A_84 = arith.constant 0 : i32
      %dma_start3A_85 = tpu.memref_slice %arg10[%dma_start3A_83, %dma_start3A_84] : memref<10240x128xf32, #tpu.memory_space<vmem_shared>> -> memref<10240x128xf32, #tpu.memory_space<vmem_shared>>
      tpu.enqueue_indirect_dma source(%arg9 : memref<128x128xf32, #tpu.memory_space<vmem>>) target(%dma_start3A_85 : memref<10240x128xf32, #tpu.memory_space<vmem_shared>>) offsets(%dma_start3A_82 : memref<128xi32, #tpu.memory_space<vmem>>) semaphore(%arg14 : memref<!tpu.dma_semaphore, #tpu.memory_space<semaphore_mem>>) {add = true}
      %dma_wait3A_86 = arith.constant 1 : i32
      %dma_wait3A_87 = arith.constant 0 : i32
      %dma_wait3A_88 = tpu.memref_slice %arg7[%dma_wait3A_86, %dma_wait3A_87] : memref<16x128xi32, #tpu.memory_space<vmem>> -> memref<1x128xi32, #tpu.memory_space<vmem>>
      %dma_wait3A_89 = tpu.memref_squeeze %dma_wait3A_88 : memref<1x128xi32, #tpu.memory_space<vmem>> -> memref<128xi32, #tpu.memory_space<vmem>>
      %dma_wait3A_90 = arith.constant 0 : i32
      %dma_wait3A_91 = arith.constant 0 : i32
      %dma_wait3A_92 = tpu.memref_slice %arg10[%dma_wait3A_90, %dma_wait3A_91] : memref<10240x128xf32, #tpu.memory_space<vmem_shared>> -> memref<10240x128xf32, #tpu.memory_space<vmem_shared>>
      tpu.wait_indirect_dma semaphore(%arg14 : memref<!tpu.dma_semaphore, #tpu.memory_space<semaphore_mem>>) src(%arg9 : memref<128x128xf32, #tpu.memory_space<vmem>>) dst(%dma_wait3A_92 : memref<10240x128xf32, #tpu.memory_space<vmem_shared>>)
      %dma_start3A_93 = arith.constant 3 : i32
      %dma_start3A_94 = arith.constant 0 : i32
      %dma_start3A_95 = tpu.memref_slice %arg6[%dma_start3A_93, %dma_start3A_94] : memref<16x128xi32, #tpu.memory_space<vmem>> -> memref<1x128xi32, #tpu.memory_space<vmem>>
      %dma_start3A_96 = tpu.memref_squeeze %dma_start3A_95 : memref<1x128xi32, #tpu.memory_space<vmem>> -> memref<128xi32, #tpu.memory_space<vmem>>
      %dma_start3A_97 = arith.constant 0 : i32
      %dma_start3A_98 = arith.constant 0 : i32
      %dma_start3A_99 = tpu.memref_slice %arg2[%dma_start3A_97, %dma_start3A_98] : memref<20000x128xf32, #tpu.memory_space<hbm>> -> memref<20000x128xf32, #tpu.memory_space<hbm>>
      tpu.enqueue_indirect_dma source(%dma_start3A_99 : memref<20000x128xf32, #tpu.memory_space<hbm>>) target(%arg9 : memref<128x128xf32, #tpu.memory_space<vmem>>) offsets(%dma_start3A_96 : memref<128xi32, #tpu.memory_space<vmem>>) semaphore(%arg12 : memref<!tpu.dma_semaphore, #tpu.memory_space<semaphore_mem>>)
      %dma_wait3A_100 = arith.constant 2 : i32
      %dma_wait3A_101 = arith.constant 0 : i32
      %dma_wait3A_102 = tpu.memref_slice %arg6[%dma_wait3A_100, %dma_wait3A_101] : memref<16x128xi32, #tpu.memory_space<vmem>> -> memref<1x128xi32, #tpu.memory_space<vmem>>
      %dma_wait3A_103 = tpu.memref_squeeze %dma_wait3A_102 : memref<1x128xi32, #tpu.memory_space<vmem>> -> memref<128xi32, #tpu.memory_space<vmem>>
      %dma_wait3A_104 = arith.constant 0 : i32
      %dma_wait3A_105 = arith.constant 0 : i32
      %dma_wait3A_106 = tpu.memref_slice %arg2[%dma_wait3A_104, %dma_wait3A_105] : memref<20000x128xf32, #tpu.memory_space<hbm>> -> memref<20000x128xf32, #tpu.memory_space<hbm>>
      tpu.wait_indirect_dma semaphore(%arg11 : memref<!tpu.dma_semaphore, #tpu.memory_space<semaphore_mem>>) src(%dma_wait3A_106 : memref<20000x128xf32, #tpu.memory_space<hbm>>) dst(%arg8 : memref<128x128xf32, #tpu.memory_space<vmem>>)
      %dma_start3A_107 = arith.constant 2 : i32
      %dma_start3A_108 = arith.constant 0 : i32
      %dma_start3A_109 = tpu.memref_slice %arg7[%dma_start3A_107, %dma_start3A_108] : memref<16x128xi32, #tpu.memory_space<vmem>> -> memref<1x128xi32, #tpu.memory_space<vmem>>
      %dma_start3A_110 = tpu.memref_squeeze %dma_start3A_109 : memref<1x128xi32, #tpu.memory_space<vmem>> -> memref<128xi32, #tpu.memory_space<vmem>>
      %dma_start3A_111 = arith.constant 0 : i32
      %dma_start3A_112 = arith.constant 0 : i32
      %dma_start3A_113 = tpu.memref_slice %arg10[%dma_start3A_111, %dma_start3A_112] : memref<10240x128xf32, #tpu.memory_space<vmem_shared>> -> memref<10240x128xf32, #tpu.memory_space<vmem_shared>>
      tpu.enqueue_indirect_dma source(%arg8 : memref<128x128xf32, #tpu.memory_space<vmem>>) target(%dma_start3A_113 : memref<10240x128xf32, #tpu.memory_space<vmem_shared>>) offsets(%dma_start3A_110 : memref<128xi32, #tpu.memory_space<vmem>>) semaphore(%arg13 : memref<!tpu.dma_semaphore, #tpu.memory_space<semaphore_mem>>) {add = true}
      %dma_wait3A_114 = arith.constant 2 : i32
      %dma_wait3A_115 = arith.constant 0 : i32
      %dma_wait3A_116 = tpu.memref_slice %arg7[%dma_wait3A_114, %dma_wait3A_115] : memref<16x128xi32, #tpu.memory_space<vmem>> -> memref<1x128xi32, #tpu.memory_space<vmem>>
      %dma_wait3A_117 = tpu.memref_squeeze %dma_wait3A_116 : memref<1x128xi32, #tpu.memory_space<vmem>> -> memref<128xi32, #tpu.memory_space<vmem>>
      %dma_wait3A_118 = arith.constant 0 : i32
      %dma_wait3A_119 = arith.constant 0 : i32
      %dma_wait3A_120 = tpu.memref_slice %arg10[%dma_wait3A_118, %dma_wait3A_119] : memref<10240x128xf32, #tpu.memory_space<vmem_shared>> -> memref<10240x128xf32, #tpu.memory_space<vmem_shared>>
      tpu.wait_indirect_dma semaphore(%arg13 : memref<!tpu.dma_semaphore, #tpu.memory_space<semaphore_mem>>) src(%arg8 : memref<128x128xf32, #tpu.memory_space<vmem>>) dst(%dma_wait3A_120 : memref<10240x128xf32, #tpu.memory_space<vmem_shared>>)
      %dma_start3A_121 = arith.constant 4 : i32
      %dma_start3A_122 = arith.constant 0 : i32
      %dma_start3A_123 = tpu.memref_slice %arg6[%dma_start3A_121, %dma_start3A_122] : memref<16x128xi32, #tpu.memory_space<vmem>> -> memref<1x128xi32, #tpu.memory_space<vmem>>
      %dma_start3A_124 = tpu.memref_squeeze %dma_start3A_123 : memref<1x128xi32, #tpu.memory_space<vmem>> -> memref<128xi32, #tpu.memory_space<vmem>>
      %dma_start3A_125 = arith.constant 0 : i32
      %dma_start3A_126 = arith.constant 0 : i32
      %dma_start3A_127 = tpu.memref_slice %arg2[%dma_start3A_125, %dma_start3A_126] : memref<20000x128xf32, #tpu.memory_space<hbm>> -> memref<20000x128xf32, #tpu.memory_space<hbm>>
      tpu.enqueue_indirect_dma source(%dma_start3A_127 : memref<20000x128xf32, #tpu.memory_space<hbm>>) target(%arg8 : memref<128x128xf32, #tpu.memory_space<vmem>>) offsets(%dma_start3A_124 : memref<128xi32, #tpu.memory_space<vmem>>) semaphore(%arg11 : memref<!tpu.dma_semaphore, #tpu.memory_space<semaphore_mem>>)
      %dma_wait3A_128 = arith.constant 3 : i32
      %dma_wait3A_129 = arith.constant 0 : i32
      %dma_wait3A_130 = tpu.memref_slice %arg6[%dma_wait3A_128, %dma_wait3A_129] : memref<16x128xi32, #tpu.memory_space<vmem>> -> memref<1x128xi32, #tpu.memory_space<vmem>>
      %dma_wait3A_131 = tpu.memref_squeeze %dma_wait3A_130 : memref<1x128xi32, #tpu.memory_space<vmem>> -> memref<128xi32, #tpu.memory_space<vmem>>
      %dma_wait3A_132 = arith.constant 0 : i32
      %dma_wait3A_133 = arith.constant 0 : i32
      %dma_wait3A_134 = tpu.memref_slice %arg2[%dma_wait3A_132, %dma_wait3A_133] : memref<20000x128xf32, #tpu.memory_space<hbm>> -> memref<20000x128xf32, #tpu.memory_space<hbm>>
      tpu.wait_indirect_dma semaphore(%arg12 : memref<!tpu.dma_semaphore, #tpu.memory_space<semaphore_mem>>) src(%dma_wait3A_134 : memref<20000x128xf32, #tpu.memory_space<hbm>>) dst(%arg9 : memref<128x128xf32, #tpu.memory_space<vmem>>)
      %dma_start3A_135 = arith.constant 3 : i32
      %dma_start3A_136 = arith.constant 0 : i32
      %dma_start3A_137 = tpu.memref_slice %arg7[%dma_start3A_135, %dma_start3A_136] : memref<16x128xi32, #tpu.memory_space<vmem>> -> memref<1x128xi32, #tpu.memory_space<vmem>>
      %dma_start3A_138 = tpu.memref_squeeze %dma_start3A_137 : memref<1x128xi32, #tpu.memory_space<vmem>> -> memref<128xi32, #tpu.memory_space<vmem>>
      %dma_start3A_139 = arith.constant 0 : i32
      %dma_start3A_140 = arith.constant 0 : i32
      %dma_start3A_141 = tpu.memref_slice %arg10[%dma_start3A_139, %dma_start3A_140] : memref<10240x128xf32, #tpu.memory_space<vmem_shared>> -> memref<10240x128xf32, #tpu.memory_space<vmem_shared>>
      tpu.enqueue_indirect_dma source(%arg9 : memref<128x128xf32, #tpu.memory_space<vmem>>) target(%dma_start3A_141 : memref<10240x128xf32, #tpu.memory_space<vmem_shared>>) offsets(%dma_start3A_138 : memref<128xi32, #tpu.memory_space<vmem>>) semaphore(%arg14 : memref<!tpu.dma_semaphore, #tpu.memory_space<semaphore_mem>>) {add = true}
      %dma_wait3A_142 = arith.constant 3 : i32
      %dma_wait3A_143 = arith.constant 0 : i32
      %dma_wait3A_144 = tpu.memref_slice %arg7[%dma_wait3A_142, %dma_wait3A_143] : memref<16x128xi32, #tpu.memory_space<vmem>> -> memref<1x128xi32, #tpu.memory_space<vmem>>
      %dma_wait3A_145 = tpu.memref_squeeze %dma_wait3A_144 : memref<1x128xi32, #tpu.memory_space<vmem>> -> memref<128xi32, #tpu.memory_space<vmem>>
      %dma_wait3A_146 = arith.constant 0 : i32
      %dma_wait3A_147 = arith.constant 0 : i32
      %dma_wait3A_148 = tpu.memref_slice %arg10[%dma_wait3A_146, %dma_wait3A_147] : memref<10240x128xf32, #tpu.memory_space<vmem_shared>> -> memref<10240x128xf32, #tpu.memory_space<vmem_shared>>
      tpu.wait_indirect_dma semaphore(%arg14 : memref<!tpu.dma_semaphore, #tpu.memory_space<semaphore_mem>>) src(%arg9 : memref<128x128xf32, #tpu.memory_space<vmem>>) dst(%dma_wait3A_148 : memref<10240x128xf32, #tpu.memory_space<vmem_shared>>)
      %dma_start3A_149 = arith.constant 5 : i32
      %dma_start3A_150 = arith.constant 0 : i32
      %dma_start3A_151 = tpu.memref_slice %arg6[%dma_start3A_149, %dma_start3A_150] : memref<16x128xi32, #tpu.memory_space<vmem>> -> memref<1x128xi32, #tpu.memory_space<vmem>>
      %dma_start3A_152 = tpu.memref_squeeze %dma_start3A_151 : memref<1x128xi32, #tpu.memory_space<vmem>> -> memref<128xi32, #tpu.memory_space<vmem>>
      %dma_start3A_153 = arith.constant 0 : i32
      %dma_start3A_154 = arith.constant 0 : i32
      %dma_start3A_155 = tpu.memref_slice %arg2[%dma_start3A_153, %dma_start3A_154] : memref<20000x128xf32, #tpu.memory_space<hbm>> -> memref<20000x128xf32, #tpu.memory_space<hbm>>
      tpu.enqueue_indirect_dma source(%dma_start3A_155 : memref<20000x128xf32, #tpu.memory_space<hbm>>) target(%arg9 : memref<128x128xf32, #tpu.memory_space<vmem>>) offsets(%dma_start3A_152 : memref<128xi32, #tpu.memory_space<vmem>>) semaphore(%arg12 : memref<!tpu.dma_semaphore, #tpu.memory_space<semaphore_mem>>)
      %dma_wait3A_156 = arith.constant 4 : i32
      %dma_wait3A_157 = arith.constant 0 : i32
      %dma_wait3A_158 = tpu.memref_slice %arg6[%dma_wait3A_156, %dma_wait3A_157] : memref<16x128xi32, #tpu.memory_space<vmem>> -> memref<1x128xi32, #tpu.memory_space<vmem>>
      %dma_wait3A_159 = tpu.memref_squeeze %dma_wait3A_158 : memref<1x128xi32, #tpu.memory_space<vmem>> -> memref<128xi32, #tpu.memory_space<vmem>>
      %dma_wait3A_160 = arith.constant 0 : i32
      %dma_wait3A_161 = arith.constant 0 : i32
      %dma_wait3A_162 = tpu.memref_slice %arg2[%dma_wait3A_160, %dma_wait3A_161] : memref<20000x128xf32, #tpu.memory_space<hbm>> -> memref<20000x128xf32, #tpu.memory_space<hbm>>
      tpu.wait_indirect_dma semaphore(%arg11 : memref<!tpu.dma_semaphore, #tpu.memory_space<semaphore_mem>>) src(%dma_wait3A_162 : memref<20000x128xf32, #tpu.memory_space<hbm>>) dst(%arg8 : memref<128x128xf32, #tpu.memory_space<vmem>>)
      %dma_start3A_163 = arith.constant 4 : i32
      %dma_start3A_164 = arith.constant 0 : i32
      %dma_start3A_165 = tpu.memref_slice %arg7[%dma_start3A_163, %dma_start3A_164] : memref<16x128xi32, #tpu.memory_space<vmem>> -> memref<1x128xi32, #tpu.memory_space<vmem>>
      %dma_start3A_166 = tpu.memref_squeeze %dma_start3A_165 : memref<1x128xi32, #tpu.memory_space<vmem>> -> memref<128xi32, #tpu.memory_space<vmem>>
      %dma_start3A_167 = arith.constant 0 : i32
      %dma_start3A_168 = arith.constant 0 : i32
      %dma_start3A_169 = tpu.memref_slice %arg10[%dma_start3A_167, %dma_start3A_168] : memref<10240x128xf32, #tpu.memory_space<vmem_shared>> -> memref<10240x128xf32, #tpu.memory_space<vmem_shared>>
      tpu.enqueue_indirect_dma source(%arg8 : memref<128x128xf32, #tpu.memory_space<vmem>>) target(%dma_start3A_169 : memref<10240x128xf32, #tpu.memory_space<vmem_shared>>) offsets(%dma_start3A_166 : memref<128xi32, #tpu.memory_space<vmem>>) semaphore(%arg13 : memref<!tpu.dma_semaphore, #tpu.memory_space<semaphore_mem>>) {add = true}
      %dma_wait3A_170 = arith.constant 4 : i32
      %dma_wait3A_171 = arith.constant 0 : i32
      %dma_wait3A_172 = tpu.memref_slice %arg7[%dma_wait3A_170, %dma_wait3A_171] : memref<16x128xi32, #tpu.memory_space<vmem>> -> memref<1x128xi32, #tpu.memory_space<vmem>>
      %dma_wait3A_173 = tpu.memref_squeeze %dma_wait3A_172 : memref<1x128xi32, #tpu.memory_space<vmem>> -> memref<128xi32, #tpu.memory_space<vmem>>
      %dma_wait3A_174 = arith.constant 0 : i32
      %dma_wait3A_175 = arith.constant 0 : i32
      %dma_wait3A_176 = tpu.memref_slice %arg10[%dma_wait3A_174, %dma_wait3A_175] : memref<10240x128xf32, #tpu.memory_space<vmem_shared>> -> memref<10240x128xf32, #tpu.memory_space<vmem_shared>>
      tpu.wait_indirect_dma semaphore(%arg13 : memref<!tpu.dma_semaphore, #tpu.memory_space<semaphore_mem>>) src(%arg8 : memref<128x128xf32, #tpu.memory_space<vmem>>) dst(%dma_wait3A_176 : memref<10240x128xf32, #tpu.memory_space<vmem_shared>>)
      %dma_start3A_177 = arith.constant 6 : i32
      %dma_start3A_178 = arith.constant 0 : i32
      %dma_start3A_179 = tpu.memref_slice %arg6[%dma_start3A_177, %dma_start3A_178] : memref<16x128xi32, #tpu.memory_space<vmem>> -> memref<1x128xi32, #tpu.memory_space<vmem>>
      %dma_start3A_180 = tpu.memref_squeeze %dma_start3A_179 : memref<1x128xi32, #tpu.memory_space<vmem>> -> memref<128xi32, #tpu.memory_space<vmem>>
      %dma_start3A_181 = arith.constant 0 : i32
      %dma_start3A_182 = arith.constant 0 : i32
      %dma_start3A_183 = tpu.memref_slice %arg2[%dma_start3A_181, %dma_start3A_182] : memref<20000x128xf32, #tpu.memory_space<hbm>> -> memref<20000x128xf32, #tpu.memory_space<hbm>>
      tpu.enqueue_indirect_dma source(%dma_start3A_183 : memref<20000x128xf32, #tpu.memory_space<hbm>>) target(%arg8 : memref<128x128xf32, #tpu.memory_space<vmem>>) offsets(%dma_start3A_180 : memref<128xi32, #tpu.memory_space<vmem>>) semaphore(%arg11 : memref<!tpu.dma_semaphore, #tpu.memory_space<semaphore_mem>>)
      %dma_wait3A_184 = arith.constant 5 : i32
      %dma_wait3A_185 = arith.constant 0 : i32
      %dma_wait3A_186 = tpu.memref_slice %arg6[%dma_wait3A_184, %dma_wait3A_185] : memref<16x128xi32, #tpu.memory_space<vmem>> -> memref<1x128xi32, #tpu.memory_space<vmem>>
      %dma_wait3A_187 = tpu.memref_squeeze %dma_wait3A_186 : memref<1x128xi32, #tpu.memory_space<vmem>> -> memref<128xi32, #tpu.memory_space<vmem>>
      %dma_wait3A_188 = arith.constant 0 : i32
      %dma_wait3A_189 = arith.constant 0 : i32
      %dma_wait3A_190 = tpu.memref_slice %arg2[%dma_wait3A_188, %dma_wait3A_189] : memref<20000x128xf32, #tpu.memory_space<hbm>> -> memref<20000x128xf32, #tpu.memory_space<hbm>>
      tpu.wait_indirect_dma semaphore(%arg12 : memref<!tpu.dma_semaphore, #tpu.memory_space<semaphore_mem>>) src(%dma_wait3A_190 : memref<20000x128xf32, #tpu.memory_space<hbm>>) dst(%arg9 : memref<128x128xf32, #tpu.memory_space<vmem>>)
      %dma_start3A_191 = arith.constant 5 : i32
      %dma_start3A_192 = arith.constant 0 : i32
      %dma_start3A_193 = tpu.memref_slice %arg7[%dma_start3A_191, %dma_start3A_192] : memref<16x128xi32, #tpu.memory_space<vmem>> -> memref<1x128xi32, #tpu.memory_space<vmem>>
      %dma_start3A_194 = tpu.memref_squeeze %dma_start3A_193 : memref<1x128xi32, #tpu.memory_space<vmem>> -> memref<128xi32, #tpu.memory_space<vmem>>
      %dma_start3A_195 = arith.constant 0 : i32
      %dma_start3A_196 = arith.constant 0 : i32
      %dma_start3A_197 = tpu.memref_slice %arg10[%dma_start3A_195, %dma_start3A_196] : memref<10240x128xf32, #tpu.memory_space<vmem_shared>> -> memref<10240x128xf32, #tpu.memory_space<vmem_shared>>
      tpu.enqueue_indirect_dma source(%arg9 : memref<128x128xf32, #tpu.memory_space<vmem>>) target(%dma_start3A_197 : memref<10240x128xf32, #tpu.memory_space<vmem_shared>>) offsets(%dma_start3A_194 : memref<128xi32, #tpu.memory_space<vmem>>) semaphore(%arg14 : memref<!tpu.dma_semaphore, #tpu.memory_space<semaphore_mem>>) {add = true}
      %dma_wait3A_198 = arith.constant 5 : i32
      %dma_wait3A_199 = arith.constant 0 : i32
      %dma_wait3A_200 = tpu.memref_slice %arg7[%dma_wait3A_198, %dma_wait3A_199] : memref<16x128xi32, #tpu.memory_space<vmem>> -> memref<1x128xi32, #tpu.memory_space<vmem>>
      %dma_wait3A_201 = tpu.memref_squeeze %dma_wait3A_200 : memref<1x128xi32, #tpu.memory_space<vmem>> -> memref<128xi32, #tpu.memory_space<vmem>>
      %dma_wait3A_202 = arith.constant 0 : i32
      %dma_wait3A_203 = arith.constant 0 : i32
      %dma_wait3A_204 = tpu.memref_slice %arg10[%dma_wait3A_202, %dma_wait3A_203] : memref<10240x128xf32, #tpu.memory_space<vmem_shared>> -> memref<10240x128xf32, #tpu.memory_space<vmem_shared>>
      tpu.wait_indirect_dma semaphore(%arg14 : memref<!tpu.dma_semaphore, #tpu.memory_space<semaphore_mem>>) src(%arg9 : memref<128x128xf32, #tpu.memory_space<vmem>>) dst(%dma_wait3A_204 : memref<10240x128xf32, #tpu.memory_space<vmem_shared>>)
      %dma_start3A_205 = arith.constant 7 : i32
      %dma_start3A_206 = arith.constant 0 : i32
      %dma_start3A_207 = tpu.memref_slice %arg6[%dma_start3A_205, %dma_start3A_206] : memref<16x128xi32, #tpu.memory_space<vmem>> -> memref<1x128xi32, #tpu.memory_space<vmem>>
      %dma_start3A_208 = tpu.memref_squeeze %dma_start3A_207 : memref<1x128xi32, #tpu.memory_space<vmem>> -> memref<128xi32, #tpu.memory_space<vmem>>
      %dma_start3A_209 = arith.constant 0 : i32
      %dma_start3A_210 = arith.constant 0 : i32
      %dma_start3A_211 = tpu.memref_slice %arg2[%dma_start3A_209, %dma_start3A_210] : memref<20000x128xf32, #tpu.memory_space<hbm>> -> memref<20000x128xf32, #tpu.memory_space<hbm>>
      tpu.enqueue_indirect_dma source(%dma_start3A_211 : memref<20000x128xf32, #tpu.memory_space<hbm>>) target(%arg9 : memref<128x128xf32, #tpu.memory_space<vmem>>) offsets(%dma_start3A_208 : memref<128xi32, #tpu.memory_space<vmem>>) semaphore(%arg12 : memref<!tpu.dma_semaphore, #tpu.memory_space<semaphore_mem>>)
      %dma_wait3A_212 = arith.constant 6 : i32
      %dma_wait3A_213 = arith.constant 0 : i32
      %dma_wait3A_214 = tpu.memref_slice %arg6[%dma_wait3A_212, %dma_wait3A_213] : memref<16x128xi32, #tpu.memory_space<vmem>> -> memref<1x128xi32, #tpu.memory_space<vmem>>
      %dma_wait3A_215 = tpu.memref_squeeze %dma_wait3A_214 : memref<1x128xi32, #tpu.memory_space<vmem>> -> memref<128xi32, #tpu.memory_space<vmem>>
      %dma_wait3A_216 = arith.constant 0 : i32
      %dma_wait3A_217 = arith.constant 0 : i32
      %dma_wait3A_218 = tpu.memref_slice %arg2[%dma_wait3A_216, %dma_wait3A_217] : memref<20000x128xf32, #tpu.memory_space<hbm>> -> memref<20000x128xf32, #tpu.memory_space<hbm>>
      tpu.wait_indirect_dma semaphore(%arg11 : memref<!tpu.dma_semaphore, #tpu.memory_space<semaphore_mem>>) src(%dma_wait3A_218 : memref<20000x128xf32, #tpu.memory_space<hbm>>) dst(%arg8 : memref<128x128xf32, #tpu.memory_space<vmem>>)
      %dma_start3A_219 = arith.constant 6 : i32
      %dma_start3A_220 = arith.constant 0 : i32
      %dma_start3A_221 = tpu.memref_slice %arg7[%dma_start3A_219, %dma_start3A_220] : memref<16x128xi32, #tpu.memory_space<vmem>> -> memref<1x128xi32, #tpu.memory_space<vmem>>
      %dma_start3A_222 = tpu.memref_squeeze %dma_start3A_221 : memref<1x128xi32, #tpu.memory_space<vmem>> -> memref<128xi32, #tpu.memory_space<vmem>>
      %dma_start3A_223 = arith.constant 0 : i32
      %dma_start3A_224 = arith.constant 0 : i32
      %dma_start3A_225 = tpu.memref_slice %arg10[%dma_start3A_223, %dma_start3A_224] : memref<10240x128xf32, #tpu.memory_space<vmem_shared>> -> memref<10240x128xf32, #tpu.memory_space<vmem_shared>>
      tpu.enqueue_indirect_dma source(%arg8 : memref<128x128xf32, #tpu.memory_space<vmem>>) target(%dma_start3A_225 : memref<10240x128xf32, #tpu.memory_space<vmem_shared>>) offsets(%dma_start3A_222 : memref<128xi32, #tpu.memory_space<vmem>>) semaphore(%arg13 : memref<!tpu.dma_semaphore, #tpu.memory_space<semaphore_mem>>) {add = true}
      %dma_wait3A_226 = arith.constant 6 : i32
      %dma_wait3A_227 = arith.constant 0 : i32
      %dma_wait3A_228 = tpu.memref_slice %arg7[%dma_wait3A_226, %dma_wait3A_227] : memref<16x128xi32, #tpu.memory_space<vmem>> -> memref<1x128xi32, #tpu.memory_space<vmem>>
      %dma_wait3A_229 = tpu.memref_squeeze %dma_wait3A_228 : memref<1x128xi32, #tpu.memory_space<vmem>> -> memref<128xi32, #tpu.memory_space<vmem>>
      %dma_wait3A_230 = arith.constant 0 : i32
      %dma_wait3A_231 = arith.constant 0 : i32
      %dma_wait3A_232 = tpu.memref_slice %arg10[%dma_wait3A_230, %dma_wait3A_231] : memref<10240x128xf32, #tpu.memory_space<vmem_shared>> -> memref<10240x128xf32, #tpu.memory_space<vmem_shared>>
      tpu.wait_indirect_dma semaphore(%arg13 : memref<!tpu.dma_semaphore, #tpu.memory_space<semaphore_mem>>) src(%arg8 : memref<128x128xf32, #tpu.memory_space<vmem>>) dst(%dma_wait3A_232 : memref<10240x128xf32, #tpu.memory_space<vmem_shared>>)
      %dma_start3A_233 = arith.constant 8 : i32
      %dma_start3A_234 = arith.constant 0 : i32
      %dma_start3A_235 = tpu.memref_slice %arg6[%dma_start3A_233, %dma_start3A_234] : memref<16x128xi32, #tpu.memory_space<vmem>> -> memref<1x128xi32, #tpu.memory_space<vmem>>
      %dma_start3A_236 = tpu.memref_squeeze %dma_start3A_235 : memref<1x128xi32, #tpu.memory_space<vmem>> -> memref<128xi32, #tpu.memory_space<vmem>>
      %dma_start3A_237 = arith.constant 0 : i32
      %dma_start3A_238 = arith.constant 0 : i32
      %dma_start3A_239 = tpu.memref_slice %arg2[%dma_start3A_237, %dma_start3A_238] : memref<20000x128xf32, #tpu.memory_space<hbm>> -> memref<20000x128xf32, #tpu.memory_space<hbm>>
      tpu.enqueue_indirect_dma source(%dma_start3A_239 : memref<20000x128xf32, #tpu.memory_space<hbm>>) target(%arg8 : memref<128x128xf32, #tpu.memory_space<vmem>>) offsets(%dma_start3A_236 : memref<128xi32, #tpu.memory_space<vmem>>) semaphore(%arg11 : memref<!tpu.dma_semaphore, #tpu.memory_space<semaphore_mem>>)
      %dma_wait3A_240 = arith.constant 7 : i32
      %dma_wait3A_241 = arith.constant 0 : i32
      %dma_wait3A_242 = tpu.memref_slice %arg6[%dma_wait3A_240, %dma_wait3A_241] : memref<16x128xi32, #tpu.memory_space<vmem>> -> memref<1x128xi32, #tpu.memory_space<vmem>>
      %dma_wait3A_243 = tpu.memref_squeeze %dma_wait3A_242 : memref<1x128xi32, #tpu.memory_space<vmem>> -> memref<128xi32, #tpu.memory_space<vmem>>
      %dma_wait3A_244 = arith.constant 0 : i32
      %dma_wait3A_245 = arith.constant 0 : i32
      %dma_wait3A_246 = tpu.memref_slice %arg2[%dma_wait3A_244, %dma_wait3A_245] : memref<20000x128xf32, #tpu.memory_space<hbm>> -> memref<20000x128xf32, #tpu.memory_space<hbm>>
      tpu.wait_indirect_dma semaphore(%arg12 : memref<!tpu.dma_semaphore, #tpu.memory_space<semaphore_mem>>) src(%dma_wait3A_246 : memref<20000x128xf32, #tpu.memory_space<hbm>>) dst(%arg9 : memref<128x128xf32, #tpu.memory_space<vmem>>)
      %dma_start3A_247 = arith.constant 7 : i32
      %dma_start3A_248 = arith.constant 0 : i32
      %dma_start3A_249 = tpu.memref_slice %arg7[%dma_start3A_247, %dma_start3A_248] : memref<16x128xi32, #tpu.memory_space<vmem>> -> memref<1x128xi32, #tpu.memory_space<vmem>>
      %dma_start3A_250 = tpu.memref_squeeze %dma_start3A_249 : memref<1x128xi32, #tpu.memory_space<vmem>> -> memref<128xi32, #tpu.memory_space<vmem>>
      %dma_start3A_251 = arith.constant 0 : i32
      %dma_start3A_252 = arith.constant 0 : i32
      %dma_start3A_253 = tpu.memref_slice %arg10[%dma_start3A_251, %dma_start3A_252] : memref<10240x128xf32, #tpu.memory_space<vmem_shared>> -> memref<10240x128xf32, #tpu.memory_space<vmem_shared>>
      tpu.enqueue_indirect_dma source(%arg9 : memref<128x128xf32, #tpu.memory_space<vmem>>) target(%dma_start3A_253 : memref<10240x128xf32, #tpu.memory_space<vmem_shared>>) offsets(%dma_start3A_250 : memref<128xi32, #tpu.memory_space<vmem>>) semaphore(%arg14 : memref<!tpu.dma_semaphore, #tpu.memory_space<semaphore_mem>>) {add = true}
      %dma_wait3A_254 = arith.constant 7 : i32
      %dma_wait3A_255 = arith.constant 0 : i32
      %dma_wait3A_256 = tpu.memref_slice %arg7[%dma_wait3A_254, %dma_wait3A_255] : memref<16x128xi32, #tpu.memory_space<vmem>> -> memref<1x128xi32, #tpu.memory_space<vmem>>
      %dma_wait3A_257 = tpu.memref_squeeze %dma_wait3A_256 : memref<1x128xi32, #tpu.memory_space<vmem>> -> memref<128xi32, #tpu.memory_space<vmem>>
      %dma_wait3A_258 = arith.constant 0 : i32
      %dma_wait3A_259 = arith.constant 0 : i32
      %dma_wait3A_260 = tpu.memref_slice %arg10[%dma_wait3A_258, %dma_wait3A_259] : memref<10240x128xf32, #tpu.memory_space<vmem_shared>> -> memref<10240x128xf32, #tpu.memory_space<vmem_shared>>
      tpu.wait_indirect_dma semaphore(%arg14 : memref<!tpu.dma_semaphore, #tpu.memory_space<semaphore_mem>>) src(%arg9 : memref<128x128xf32, #tpu.memory_space<vmem>>) dst(%dma_wait3A_260 : memref<10240x128xf32, #tpu.memory_space<vmem_shared>>)
      %dma_start3A_261 = arith.constant 9 : i32
      %dma_start3A_262 = arith.constant 0 : i32
      %dma_start3A_263 = tpu.memref_slice %arg6[%dma_start3A_261, %dma_start3A_262] : memref<16x128xi32, #tpu.memory_space<vmem>> -> memref<1x128xi32, #tpu.memory_space<vmem>>
      %dma_start3A_264 = tpu.memref_squeeze %dma_start3A_263 : memref<1x128xi32, #tpu.memory_space<vmem>> -> memref<128xi32, #tpu.memory_space<vmem>>
      %dma_start3A_265 = arith.constant 0 : i32
      %dma_start3A_266 = arith.constant 0 : i32
      %dma_start3A_267 = tpu.memref_slice %arg2[%dma_start3A_265, %dma_start3A_266] : memref<20000x128xf32, #tpu.memory_space<hbm>> -> memref<20000x128xf32, #tpu.memory_space<hbm>>
      tpu.enqueue_indirect_dma source(%dma_start3A_267 : memref<20000x128xf32, #tpu.memory_space<hbm>>) target(%arg9 : memref<128x128xf32, #tpu.memory_space<vmem>>) offsets(%dma_start3A_264 : memref<128xi32, #tpu.memory_space<vmem>>) semaphore(%arg12 : memref<!tpu.dma_semaphore, #tpu.memory_space<semaphore_mem>>)
      %dma_wait3A_268 = arith.constant 8 : i32
      %dma_wait3A_269 = arith.constant 0 : i32
      %dma_wait3A_270 = tpu.memref_slice %arg6[%dma_wait3A_268, %dma_wait3A_269] : memref<16x128xi32, #tpu.memory_space<vmem>> -> memref<1x128xi32, #tpu.memory_space<vmem>>
      %dma_wait3A_271 = tpu.memref_squeeze %dma_wait3A_270 : memref<1x128xi32, #tpu.memory_space<vmem>> -> memref<128xi32, #tpu.memory_space<vmem>>
      %dma_wait3A_272 = arith.constant 0 : i32
      %dma_wait3A_273 = arith.constant 0 : i32
      %dma_wait3A_274 = tpu.memref_slice %arg2[%dma_wait3A_272, %dma_wait3A_273] : memref<20000x128xf32, #tpu.memory_space<hbm>> -> memref<20000x128xf32, #tpu.memory_space<hbm>>
      tpu.wait_indirect_dma semaphore(%arg11 : memref<!tpu.dma_semaphore, #tpu.memory_space<semaphore_mem>>) src(%dma_wait3A_274 : memref<20000x128xf32, #tpu.memory_space<hbm>>) dst(%arg8 : memref<128x128xf32, #tpu.memory_space<vmem>>)
      %dma_start3A_275 = arith.constant 8 : i32
      %dma_start3A_276 = arith.constant 0 : i32
      %dma_start3A_277 = tpu.memref_slice %arg7[%dma_start3A_275, %dma_start3A_276] : memref<16x128xi32, #tpu.memory_space<vmem>> -> memref<1x128xi32, #tpu.memory_space<vmem>>
      %dma_start3A_278 = tpu.memref_squeeze %dma_start3A_277 : memref<1x128xi32, #tpu.memory_space<vmem>> -> memref<128xi32, #tpu.memory_space<vmem>>
      %dma_start3A_279 = arith.constant 0 : i32
      %dma_start3A_280 = arith.constant 0 : i32
      %dma_start3A_281 = tpu.memref_slice %arg10[%dma_start3A_279, %dma_start3A_280] : memref<10240x128xf32, #tpu.memory_space<vmem_shared>> -> memref<10240x128xf32, #tpu.memory_space<vmem_shared>>
      tpu.enqueue_indirect_dma source(%arg8 : memref<128x128xf32, #tpu.memory_space<vmem>>) target(%dma_start3A_281 : memref<10240x128xf32, #tpu.memory_space<vmem_shared>>) offsets(%dma_start3A_278 : memref<128xi32, #tpu.memory_space<vmem>>) semaphore(%arg13 : memref<!tpu.dma_semaphore, #tpu.memory_space<semaphore_mem>>) {add = true}
      %dma_wait3A_282 = arith.constant 8 : i32
      %dma_wait3A_283 = arith.constant 0 : i32
      %dma_wait3A_284 = tpu.memref_slice %arg7[%dma_wait3A_282, %dma_wait3A_283] : memref<16x128xi32, #tpu.memory_space<vmem>> -> memref<1x128xi32, #tpu.memory_space<vmem>>
      %dma_wait3A_285 = tpu.memref_squeeze %dma_wait3A_284 : memref<1x128xi32, #tpu.memory_space<vmem>> -> memref<128xi32, #tpu.memory_space<vmem>>
      %dma_wait3A_286 = arith.constant 0 : i32
      %dma_wait3A_287 = arith.constant 0 : i32
      %dma_wait3A_288 = tpu.memref_slice %arg10[%dma_wait3A_286, %dma_wait3A_287] : memref<10240x128xf32, #tpu.memory_space<vmem_shared>> -> memref<10240x128xf32, #tpu.memory_space<vmem_shared>>
      tpu.wait_indirect_dma semaphore(%arg13 : memref<!tpu.dma_semaphore, #tpu.memory_space<semaphore_mem>>) src(%arg8 : memref<128x128xf32, #tpu.memory_space<vmem>>) dst(%dma_wait3A_288 : memref<10240x128xf32, #tpu.memory_space<vmem_shared>>)
      %dma_start3A_289 = arith.constant 10 : i32
      %dma_start3A_290 = arith.constant 0 : i32
      %dma_start3A_291 = tpu.memref_slice %arg6[%dma_start3A_289, %dma_start3A_290] : memref<16x128xi32, #tpu.memory_space<vmem>> -> memref<1x128xi32, #tpu.memory_space<vmem>>
      %dma_start3A_292 = tpu.memref_squeeze %dma_start3A_291 : memref<1x128xi32, #tpu.memory_space<vmem>> -> memref<128xi32, #tpu.memory_space<vmem>>
      %dma_start3A_293 = arith.constant 0 : i32
      %dma_start3A_294 = arith.constant 0 : i32
      %dma_start3A_295 = tpu.memref_slice %arg2[%dma_start3A_293, %dma_start3A_294] : memref<20000x128xf32, #tpu.memory_space<hbm>> -> memref<20000x128xf32, #tpu.memory_space<hbm>>
      tpu.enqueue_indirect_dma source(%dma_start3A_295 : memref<20000x128xf32, #tpu.memory_space<hbm>>) target(%arg8 : memref<128x128xf32, #tpu.memory_space<vmem>>) offsets(%dma_start3A_292 : memref<128xi32, #tpu.memory_space<vmem>>) semaphore(%arg11 : memref<!tpu.dma_semaphore, #tpu.memory_space<semaphore_mem>>)
      %dma_wait3A_296 = arith.constant 9 : i32
      %dma_wait3A_297 = arith.constant 0 : i32
      %dma_wait3A_298 = tpu.memref_slice %arg6[%dma_wait3A_296, %dma_wait3A_297] : memref<16x128xi32, #tpu.memory_space<vmem>> -> memref<1x128xi32, #tpu.memory_space<vmem>>
      %dma_wait3A_299 = tpu.memref_squeeze %dma_wait3A_298 : memref<1x128xi32, #tpu.memory_space<vmem>> -> memref<128xi32, #tpu.memory_space<vmem>>
      %dma_wait3A_300 = arith.constant 0 : i32
      %dma_wait3A_301 = arith.constant 0 : i32
      %dma_wait3A_302 = tpu.memref_slice %arg2[%dma_wait3A_300, %dma_wait3A_301] : memref<20000x128xf32, #tpu.memory_space<hbm>> -> memref<20000x128xf32, #tpu.memory_space<hbm>>
      tpu.wait_indirect_dma semaphore(%arg12 : memref<!tpu.dma_semaphore, #tpu.memory_space<semaphore_mem>>) src(%dma_wait3A_302 : memref<20000x128xf32, #tpu.memory_space<hbm>>) dst(%arg9 : memref<128x128xf32, #tpu.memory_space<vmem>>)
      %dma_start3A_303 = arith.constant 9 : i32
      %dma_start3A_304 = arith.constant 0 : i32
      %dma_start3A_305 = tpu.memref_slice %arg7[%dma_start3A_303, %dma_start3A_304] : memref<16x128xi32, #tpu.memory_space<vmem>> -> memref<1x128xi32, #tpu.memory_space<vmem>>
      %dma_start3A_306 = tpu.memref_squeeze %dma_start3A_305 : memref<1x128xi32, #tpu.memory_space<vmem>> -> memref<128xi32, #tpu.memory_space<vmem>>
      %dma_start3A_307 = arith.constant 0 : i32
      %dma_start3A_308 = arith.constant 0 : i32
      %dma_start3A_309 = tpu.memref_slice %arg10[%dma_start3A_307, %dma_start3A_308] : memref<10240x128xf32, #tpu.memory_space<vmem_shared>> -> memref<10240x128xf32, #tpu.memory_space<vmem_shared>>
      tpu.enqueue_indirect_dma source(%arg9 : memref<128x128xf32, #tpu.memory_space<vmem>>) target(%dma_start3A_309 : memref<10240x128xf32, #tpu.memory_space<vmem_shared>>) offsets(%dma_start3A_306 : memref<128xi32, #tpu.memory_space<vmem>>) semaphore(%arg14 : memref<!tpu.dma_semaphore, #tpu.memory_space<semaphore_mem>>) {add = true}
      %dma_wait3A_310 = arith.constant 9 : i32
      %dma_wait3A_311 = arith.constant 0 : i32
      %dma_wait3A_312 = tpu.memref_slice %arg7[%dma_wait3A_310, %dma_wait3A_311] : memref<16x128xi32, #tpu.memory_space<vmem>> -> memref<1x128xi32, #tpu.memory_space<vmem>>
      %dma_wait3A_313 = tpu.memref_squeeze %dma_wait3A_312 : memref<1x128xi32, #tpu.memory_space<vmem>> -> memref<128xi32, #tpu.memory_space<vmem>>
      %dma_wait3A_314 = arith.constant 0 : i32
      %dma_wait3A_315 = arith.constant 0 : i32
      %dma_wait3A_316 = tpu.memref_slice %arg10[%dma_wait3A_314, %dma_wait3A_315] : memref<10240x128xf32, #tpu.memory_space<vmem_shared>> -> memref<10240x128xf32, #tpu.memory_space<vmem_shared>>
      tpu.wait_indirect_dma semaphore(%arg14 : memref<!tpu.dma_semaphore, #tpu.memory_space<semaphore_mem>>) src(%arg9 : memref<128x128xf32, #tpu.memory_space<vmem>>) dst(%dma_wait3A_316 : memref<10240x128xf32, #tpu.memory_space<vmem_shared>>)
      %dma_start3A_317 = arith.constant 11 : i32
      %dma_start3A_318 = arith.constant 0 : i32
      %dma_start3A_319 = tpu.memref_slice %arg6[%dma_start3A_317, %dma_start3A_318] : memref<16x128xi32, #tpu.memory_space<vmem>> -> memref<1x128xi32, #tpu.memory_space<vmem>>
      %dma_start3A_320 = tpu.memref_squeeze %dma_start3A_319 : memref<1x128xi32, #tpu.memory_space<vmem>> -> memref<128xi32, #tpu.memory_space<vmem>>
      %dma_start3A_321 = arith.constant 0 : i32
      %dma_start3A_322 = arith.constant 0 : i32
      %dma_start3A_323 = tpu.memref_slice %arg2[%dma_start3A_321, %dma_start3A_322] : memref<20000x128xf32, #tpu.memory_space<hbm>> -> memref<20000x128xf32, #tpu.memory_space<hbm>>
      tpu.enqueue_indirect_dma source(%dma_start3A_323 : memref<20000x128xf32, #tpu.memory_space<hbm>>) target(%arg9 : memref<128x128xf32, #tpu.memory_space<vmem>>) offsets(%dma_start3A_320 : memref<128xi32, #tpu.memory_space<vmem>>) semaphore(%arg12 : memref<!tpu.dma_semaphore, #tpu.memory_space<semaphore_mem>>)
      %dma_wait3A_324 = arith.constant 10 : i32
      %dma_wait3A_325 = arith.constant 0 : i32
      %dma_wait3A_326 = tpu.memref_slice %arg6[%dma_wait3A_324, %dma_wait3A_325] : memref<16x128xi32, #tpu.memory_space<vmem>> -> memref<1x128xi32, #tpu.memory_space<vmem>>
      %dma_wait3A_327 = tpu.memref_squeeze %dma_wait3A_326 : memref<1x128xi32, #tpu.memory_space<vmem>> -> memref<128xi32, #tpu.memory_space<vmem>>
      %dma_wait3A_328 = arith.constant 0 : i32
      %dma_wait3A_329 = arith.constant 0 : i32
      %dma_wait3A_330 = tpu.memref_slice %arg2[%dma_wait3A_328, %dma_wait3A_329] : memref<20000x128xf32, #tpu.memory_space<hbm>> -> memref<20000x128xf32, #tpu.memory_space<hbm>>
      tpu.wait_indirect_dma semaphore(%arg11 : memref<!tpu.dma_semaphore, #tpu.memory_space<semaphore_mem>>) src(%dma_wait3A_330 : memref<20000x128xf32, #tpu.memory_space<hbm>>) dst(%arg8 : memref<128x128xf32, #tpu.memory_space<vmem>>)
      %dma_start3A_331 = arith.constant 10 : i32
      %dma_start3A_332 = arith.constant 0 : i32
      %dma_start3A_333 = tpu.memref_slice %arg7[%dma_start3A_331, %dma_start3A_332] : memref<16x128xi32, #tpu.memory_space<vmem>> -> memref<1x128xi32, #tpu.memory_space<vmem>>
      %dma_start3A_334 = tpu.memref_squeeze %dma_start3A_333 : memref<1x128xi32, #tpu.memory_space<vmem>> -> memref<128xi32, #tpu.memory_space<vmem>>
      %dma_start3A_335 = arith.constant 0 : i32
      %dma_start3A_336 = arith.constant 0 : i32
      %dma_start3A_337 = tpu.memref_slice %arg10[%dma_start3A_335, %dma_start3A_336] : memref<10240x128xf32, #tpu.memory_space<vmem_shared>> -> memref<10240x128xf32, #tpu.memory_space<vmem_shared>>
      tpu.enqueue_indirect_dma source(%arg8 : memref<128x128xf32, #tpu.memory_space<vmem>>) target(%dma_start3A_337 : memref<10240x128xf32, #tpu.memory_space<vmem_shared>>) offsets(%dma_start3A_334 : memref<128xi32, #tpu.memory_space<vmem>>) semaphore(%arg13 : memref<!tpu.dma_semaphore, #tpu.memory_space<semaphore_mem>>) {add = true}
      %dma_wait3A_338 = arith.constant 10 : i32
      %dma_wait3A_339 = arith.constant 0 : i32
      %dma_wait3A_340 = tpu.memref_slice %arg7[%dma_wait3A_338, %dma_wait3A_339] : memref<16x128xi32, #tpu.memory_space<vmem>> -> memref<1x128xi32, #tpu.memory_space<vmem>>
      %dma_wait3A_341 = tpu.memref_squeeze %dma_wait3A_340 : memref<1x128xi32, #tpu.memory_space<vmem>> -> memref<128xi32, #tpu.memory_space<vmem>>
      %dma_wait3A_342 = arith.constant 0 : i32
      %dma_wait3A_343 = arith.constant 0 : i32
      %dma_wait3A_344 = tpu.memref_slice %arg10[%dma_wait3A_342, %dma_wait3A_343] : memref<10240x128xf32, #tpu.memory_space<vmem_shared>> -> memref<10240x128xf32, #tpu.memory_space<vmem_shared>>
      tpu.wait_indirect_dma semaphore(%arg13 : memref<!tpu.dma_semaphore, #tpu.memory_space<semaphore_mem>>) src(%arg8 : memref<128x128xf32, #tpu.memory_space<vmem>>) dst(%dma_wait3A_344 : memref<10240x128xf32, #tpu.memory_space<vmem_shared>>)
      %dma_start3A_345 = arith.constant 12 : i32
      %dma_start3A_346 = arith.constant 0 : i32
      %dma_start3A_347 = tpu.memref_slice %arg6[%dma_start3A_345, %dma_start3A_346] : memref<16x128xi32, #tpu.memory_space<vmem>> -> memref<1x128xi32, #tpu.memory_space<vmem>>
      %dma_start3A_348 = tpu.memref_squeeze %dma_start3A_347 : memref<1x128xi32, #tpu.memory_space<vmem>> -> memref<128xi32, #tpu.memory_space<vmem>>
      %dma_start3A_349 = arith.constant 0 : i32
      %dma_start3A_350 = arith.constant 0 : i32
      %dma_start3A_351 = tpu.memref_slice %arg2[%dma_start3A_349, %dma_start3A_350] : memref<20000x128xf32, #tpu.memory_space<hbm>> -> memref<20000x128xf32, #tpu.memory_space<hbm>>
      tpu.enqueue_indirect_dma source(%dma_start3A_351 : memref<20000x128xf32, #tpu.memory_space<hbm>>) target(%arg8 : memref<128x128xf32, #tpu.memory_space<vmem>>) offsets(%dma_start3A_348 : memref<128xi32, #tpu.memory_space<vmem>>) semaphore(%arg11 : memref<!tpu.dma_semaphore, #tpu.memory_space<semaphore_mem>>)
      %dma_wait3A_352 = arith.constant 11 : i32
      %dma_wait3A_353 = arith.constant 0 : i32
      %dma_wait3A_354 = tpu.memref_slice %arg6[%dma_wait3A_352, %dma_wait3A_353] : memref<16x128xi32, #tpu.memory_space<vmem>> -> memref<1x128xi32, #tpu.memory_space<vmem>>
      %dma_wait3A_355 = tpu.memref_squeeze %dma_wait3A_354 : memref<1x128xi32, #tpu.memory_space<vmem>> -> memref<128xi32, #tpu.memory_space<vmem>>
      %dma_wait3A_356 = arith.constant 0 : i32
      %dma_wait3A_357 = arith.constant 0 : i32
      %dma_wait3A_358 = tpu.memref_slice %arg2[%dma_wait3A_356, %dma_wait3A_357] : memref<20000x128xf32, #tpu.memory_space<hbm>> -> memref<20000x128xf32, #tpu.memory_space<hbm>>
      tpu.wait_indirect_dma semaphore(%arg12 : memref<!tpu.dma_semaphore, #tpu.memory_space<semaphore_mem>>) src(%dma_wait3A_358 : memref<20000x128xf32, #tpu.memory_space<hbm>>) dst(%arg9 : memref<128x128xf32, #tpu.memory_space<vmem>>)
      %dma_start3A_359 = arith.constant 11 : i32
      %dma_start3A_360 = arith.constant 0 : i32
      %dma_start3A_361 = tpu.memref_slice %arg7[%dma_start3A_359, %dma_start3A_360] : memref<16x128xi32, #tpu.memory_space<vmem>> -> memref<1x128xi32, #tpu.memory_space<vmem>>
      %dma_start3A_362 = tpu.memref_squeeze %dma_start3A_361 : memref<1x128xi32, #tpu.memory_space<vmem>> -> memref<128xi32, #tpu.memory_space<vmem>>
      %dma_start3A_363 = arith.constant 0 : i32
      %dma_start3A_364 = arith.constant 0 : i32
      %dma_start3A_365 = tpu.memref_slice %arg10[%dma_start3A_363, %dma_start3A_364] : memref<10240x128xf32, #tpu.memory_space<vmem_shared>> -> memref<10240x128xf32, #tpu.memory_space<vmem_shared>>
      tpu.enqueue_indirect_dma source(%arg9 : memref<128x128xf32, #tpu.memory_space<vmem>>) target(%dma_start3A_365 : memref<10240x128xf32, #tpu.memory_space<vmem_shared>>) offsets(%dma_start3A_362 : memref<128xi32, #tpu.memory_space<vmem>>) semaphore(%arg14 : memref<!tpu.dma_semaphore, #tpu.memory_space<semaphore_mem>>) {add = true}
      %dma_wait3A_366 = arith.constant 11 : i32
      %dma_wait3A_367 = arith.constant 0 : i32
      %dma_wait3A_368 = tpu.memref_slice %arg7[%dma_wait3A_366, %dma_wait3A_367] : memref<16x128xi32, #tpu.memory_space<vmem>> -> memref<1x128xi32, #tpu.memory_space<vmem>>
      %dma_wait3A_369 = tpu.memref_squeeze %dma_wait3A_368 : memref<1x128xi32, #tpu.memory_space<vmem>> -> memref<128xi32, #tpu.memory_space<vmem>>
      %dma_wait3A_370 = arith.constant 0 : i32
      %dma_wait3A_371 = arith.constant 0 : i32
      %dma_wait3A_372 = tpu.memref_slice %arg10[%dma_wait3A_370, %dma_wait3A_371] : memref<10240x128xf32, #tpu.memory_space<vmem_shared>> -> memref<10240x128xf32, #tpu.memory_space<vmem_shared>>
      tpu.wait_indirect_dma semaphore(%arg14 : memref<!tpu.dma_semaphore, #tpu.memory_space<semaphore_mem>>) src(%arg9 : memref<128x128xf32, #tpu.memory_space<vmem>>) dst(%dma_wait3A_372 : memref<10240x128xf32, #tpu.memory_space<vmem_shared>>)
      %dma_start3A_373 = arith.constant 13 : i32
      %dma_start3A_374 = arith.constant 0 : i32
      %dma_start3A_375 = tpu.memref_slice %arg6[%dma_start3A_373, %dma_start3A_374] : memref<16x128xi32, #tpu.memory_space<vmem>> -> memref<1x128xi32, #tpu.memory_space<vmem>>
      %dma_start3A_376 = tpu.memref_squeeze %dma_start3A_375 : memref<1x128xi32, #tpu.memory_space<vmem>> -> memref<128xi32, #tpu.memory_space<vmem>>
      %dma_start3A_377 = arith.constant 0 : i32
      %dma_start3A_378 = arith.constant 0 : i32
      %dma_start3A_379 = tpu.memref_slice %arg2[%dma_start3A_377, %dma_start3A_378] : memref<20000x128xf32, #tpu.memory_space<hbm>> -> memref<20000x128xf32, #tpu.memory_space<hbm>>
      tpu.enqueue_indirect_dma source(%dma_start3A_379 : memref<20000x128xf32, #tpu.memory_space<hbm>>) target(%arg9 : memref<128x128xf32, #tpu.memory_space<vmem>>) offsets(%dma_start3A_376 : memref<128xi32, #tpu.memory_space<vmem>>) semaphore(%arg12 : memref<!tpu.dma_semaphore, #tpu.memory_space<semaphore_mem>>)
      %dma_wait3A_380 = arith.constant 12 : i32
      %dma_wait3A_381 = arith.constant 0 : i32
      %dma_wait3A_382 = tpu.memref_slice %arg6[%dma_wait3A_380, %dma_wait3A_381] : memref<16x128xi32, #tpu.memory_space<vmem>> -> memref<1x128xi32, #tpu.memory_space<vmem>>
      %dma_wait3A_383 = tpu.memref_squeeze %dma_wait3A_382 : memref<1x128xi32, #tpu.memory_space<vmem>> -> memref<128xi32, #tpu.memory_space<vmem>>
      %dma_wait3A_384 = arith.constant 0 : i32
      %dma_wait3A_385 = arith.constant 0 : i32
      %dma_wait3A_386 = tpu.memref_slice %arg2[%dma_wait3A_384, %dma_wait3A_385] : memref<20000x128xf32, #tpu.memory_space<hbm>> -> memref<20000x128xf32, #tpu.memory_space<hbm>>
      tpu.wait_indirect_dma semaphore(%arg11 : memref<!tpu.dma_semaphore, #tpu.memory_space<semaphore_mem>>) src(%dma_wait3A_386 : memref<20000x128xf32, #tpu.memory_space<hbm>>) dst(%arg8 : memref<128x128xf32, #tpu.memory_space<vmem>>)
      %dma_start3A_387 = arith.constant 12 : i32
      %dma_start3A_388 = arith.constant 0 : i32
      %dma_start3A_389 = tpu.memref_slice %arg7[%dma_start3A_387, %dma_start3A_388] : memref<16x128xi32, #tpu.memory_space<vmem>> -> memref<1x128xi32, #tpu.memory_space<vmem>>
      %dma_start3A_390 = tpu.memref_squeeze %dma_start3A_389 : memref<1x128xi32, #tpu.memory_space<vmem>> -> memref<128xi32, #tpu.memory_space<vmem>>
      %dma_start3A_391 = arith.constant 0 : i32
      %dma_start3A_392 = arith.constant 0 : i32
      %dma_start3A_393 = tpu.memref_slice %arg10[%dma_start3A_391, %dma_start3A_392] : memref<10240x128xf32, #tpu.memory_space<vmem_shared>> -> memref<10240x128xf32, #tpu.memory_space<vmem_shared>>
      tpu.enqueue_indirect_dma source(%arg8 : memref<128x128xf32, #tpu.memory_space<vmem>>) target(%dma_start3A_393 : memref<10240x128xf32, #tpu.memory_space<vmem_shared>>) offsets(%dma_start3A_390 : memref<128xi32, #tpu.memory_space<vmem>>) semaphore(%arg13 : memref<!tpu.dma_semaphore, #tpu.memory_space<semaphore_mem>>) {add = true}
      %dma_wait3A_394 = arith.constant 12 : i32
      %dma_wait3A_395 = arith.constant 0 : i32
      %dma_wait3A_396 = tpu.memref_slice %arg7[%dma_wait3A_394, %dma_wait3A_395] : memref<16x128xi32, #tpu.memory_space<vmem>> -> memref<1x128xi32, #tpu.memory_space<vmem>>
      %dma_wait3A_397 = tpu.memref_squeeze %dma_wait3A_396 : memref<1x128xi32, #tpu.memory_space<vmem>> -> memref<128xi32, #tpu.memory_space<vmem>>
      %dma_wait3A_398 = arith.constant 0 : i32
      %dma_wait3A_399 = arith.constant 0 : i32
      %dma_wait3A_400 = tpu.memref_slice %arg10[%dma_wait3A_398, %dma_wait3A_399] : memref<10240x128xf32, #tpu.memory_space<vmem_shared>> -> memref<10240x128xf32, #tpu.memory_space<vmem_shared>>
      tpu.wait_indirect_dma semaphore(%arg13 : memref<!tpu.dma_semaphore, #tpu.memory_space<semaphore_mem>>) src(%arg8 : memref<128x128xf32, #tpu.memory_space<vmem>>) dst(%dma_wait3A_400 : memref<10240x128xf32, #tpu.memory_space<vmem_shared>>)
      %dma_start3A_401 = arith.constant 14 : i32
      %dma_start3A_402 = arith.constant 0 : i32
      %dma_start3A_403 = tpu.memref_slice %arg6[%dma_start3A_401, %dma_start3A_402] : memref<16x128xi32, #tpu.memory_space<vmem>> -> memref<1x128xi32, #tpu.memory_space<vmem>>
      %dma_start3A_404 = tpu.memref_squeeze %dma_start3A_403 : memref<1x128xi32, #tpu.memory_space<vmem>> -> memref<128xi32, #tpu.memory_space<vmem>>
      %dma_start3A_405 = arith.constant 0 : i32
      %dma_start3A_406 = arith.constant 0 : i32
      %dma_start3A_407 = tpu.memref_slice %arg2[%dma_start3A_405, %dma_start3A_406] : memref<20000x128xf32, #tpu.memory_space<hbm>> -> memref<20000x128xf32, #tpu.memory_space<hbm>>
      tpu.enqueue_indirect_dma source(%dma_start3A_407 : memref<20000x128xf32, #tpu.memory_space<hbm>>) target(%arg8 : memref<128x128xf32, #tpu.memory_space<vmem>>) offsets(%dma_start3A_404 : memref<128xi32, #tpu.memory_space<vmem>>) semaphore(%arg11 : memref<!tpu.dma_semaphore, #tpu.memory_space<semaphore_mem>>)
      %dma_wait3A_408 = arith.constant 13 : i32
      %dma_wait3A_409 = arith.constant 0 : i32
      %dma_wait3A_410 = tpu.memref_slice %arg6[%dma_wait3A_408, %dma_wait3A_409] : memref<16x128xi32, #tpu.memory_space<vmem>> -> memref<1x128xi32, #tpu.memory_space<vmem>>
      %dma_wait3A_411 = tpu.memref_squeeze %dma_wait3A_410 : memref<1x128xi32, #tpu.memory_space<vmem>> -> memref<128xi32, #tpu.memory_space<vmem>>
      %dma_wait3A_412 = arith.constant 0 : i32
      %dma_wait3A_413 = arith.constant 0 : i32
      %dma_wait3A_414 = tpu.memref_slice %arg2[%dma_wait3A_412, %dma_wait3A_413] : memref<20000x128xf32, #tpu.memory_space<hbm>> -> memref<20000x128xf32, #tpu.memory_space<hbm>>
      tpu.wait_indirect_dma semaphore(%arg12 : memref<!tpu.dma_semaphore, #tpu.memory_space<semaphore_mem>>) src(%dma_wait3A_414 : memref<20000x128xf32, #tpu.memory_space<hbm>>) dst(%arg9 : memref<128x128xf32, #tpu.memory_space<vmem>>)
      %dma_start3A_415 = arith.constant 13 : i32
      %dma_start3A_416 = arith.constant 0 : i32
      %dma_start3A_417 = tpu.memref_slice %arg7[%dma_start3A_415, %dma_start3A_416] : memref<16x128xi32, #tpu.memory_space<vmem>> -> memref<1x128xi32, #tpu.memory_space<vmem>>
      %dma_start3A_418 = tpu.memref_squeeze %dma_start3A_417 : memref<1x128xi32, #tpu.memory_space<vmem>> -> memref<128xi32, #tpu.memory_space<vmem>>
      %dma_start3A_419 = arith.constant 0 : i32
      %dma_start3A_420 = arith.constant 0 : i32
      %dma_start3A_421 = tpu.memref_slice %arg10[%dma_start3A_419, %dma_start3A_420] : memref<10240x128xf32, #tpu.memory_space<vmem_shared>> -> memref<10240x128xf32, #tpu.memory_space<vmem_shared>>
      tpu.enqueue_indirect_dma source(%arg9 : memref<128x128xf32, #tpu.memory_space<vmem>>) target(%dma_start3A_421 : memref<10240x128xf32, #tpu.memory_space<vmem_shared>>) offsets(%dma_start3A_418 : memref<128xi32, #tpu.memory_space<vmem>>) semaphore(%arg14 : memref<!tpu.dma_semaphore, #tpu.memory_space<semaphore_mem>>) {add = true}
      %dma_wait3A_422 = arith.constant 13 : i32
      %dma_wait3A_423 = arith.constant 0 : i32
      %dma_wait3A_424 = tpu.memref_slice %arg7[%dma_wait3A_422, %dma_wait3A_423] : memref<16x128xi32, #tpu.memory_space<vmem>> -> memref<1x128xi32, #tpu.memory_space<vmem>>
      %dma_wait3A_425 = tpu.memref_squeeze %dma_wait3A_424 : memref<1x128xi32, #tpu.memory_space<vmem>> -> memref<128xi32, #tpu.memory_space<vmem>>
      %dma_wait3A_426 = arith.constant 0 : i32
      %dma_wait3A_427 = arith.constant 0 : i32
      %dma_wait3A_428 = tpu.memref_slice %arg10[%dma_wait3A_426, %dma_wait3A_427] : memref<10240x128xf32, #tpu.memory_space<vmem_shared>> -> memref<10240x128xf32, #tpu.memory_space<vmem_shared>>
      tpu.wait_indirect_dma semaphore(%arg14 : memref<!tpu.dma_semaphore, #tpu.memory_space<semaphore_mem>>) src(%arg9 : memref<128x128xf32, #tpu.memory_space<vmem>>) dst(%dma_wait3A_428 : memref<10240x128xf32, #tpu.memory_space<vmem_shared>>)
      %dma_start3A_429 = arith.constant 15 : i32
      %dma_start3A_430 = arith.constant 0 : i32
      %dma_start3A_431 = tpu.memref_slice %arg6[%dma_start3A_429, %dma_start3A_430] : memref<16x128xi32, #tpu.memory_space<vmem>> -> memref<1x128xi32, #tpu.memory_space<vmem>>
      %dma_start3A_432 = tpu.memref_squeeze %dma_start3A_431 : memref<1x128xi32, #tpu.memory_space<vmem>> -> memref<128xi32, #tpu.memory_space<vmem>>
      %dma_start3A_433 = arith.constant 0 : i32
      %dma_start3A_434 = arith.constant 0 : i32
      %dma_start3A_435 = tpu.memref_slice %arg2[%dma_start3A_433, %dma_start3A_434] : memref<20000x128xf32, #tpu.memory_space<hbm>> -> memref<20000x128xf32, #tpu.memory_space<hbm>>
      tpu.enqueue_indirect_dma source(%dma_start3A_435 : memref<20000x128xf32, #tpu.memory_space<hbm>>) target(%arg9 : memref<128x128xf32, #tpu.memory_space<vmem>>) offsets(%dma_start3A_432 : memref<128xi32, #tpu.memory_space<vmem>>) semaphore(%arg12 : memref<!tpu.dma_semaphore, #tpu.memory_space<semaphore_mem>>)
      %dma_wait3A_436 = arith.constant 14 : i32
      %dma_wait3A_437 = arith.constant 0 : i32
      %dma_wait3A_438 = tpu.memref_slice %arg6[%dma_wait3A_436, %dma_wait3A_437] : memref<16x128xi32, #tpu.memory_space<vmem>> -> memref<1x128xi32, #tpu.memory_space<vmem>>
      %dma_wait3A_439 = tpu.memref_squeeze %dma_wait3A_438 : memref<1x128xi32, #tpu.memory_space<vmem>> -> memref<128xi32, #tpu.memory_space<vmem>>
      %dma_wait3A_440 = arith.constant 0 : i32
      %dma_wait3A_441 = arith.constant 0 : i32
      %dma_wait3A_442 = tpu.memref_slice %arg2[%dma_wait3A_440, %dma_wait3A_441] : memref<20000x128xf32, #tpu.memory_space<hbm>> -> memref<20000x128xf32, #tpu.memory_space<hbm>>
      tpu.wait_indirect_dma semaphore(%arg11 : memref<!tpu.dma_semaphore, #tpu.memory_space<semaphore_mem>>) src(%dma_wait3A_442 : memref<20000x128xf32, #tpu.memory_space<hbm>>) dst(%arg8 : memref<128x128xf32, #tpu.memory_space<vmem>>)
      %dma_start3A_443 = arith.constant 14 : i32
      %dma_start3A_444 = arith.constant 0 : i32
      %dma_start3A_445 = tpu.memref_slice %arg7[%dma_start3A_443, %dma_start3A_444] : memref<16x128xi32, #tpu.memory_space<vmem>> -> memref<1x128xi32, #tpu.memory_space<vmem>>
      %dma_start3A_446 = tpu.memref_squeeze %dma_start3A_445 : memref<1x128xi32, #tpu.memory_space<vmem>> -> memref<128xi32, #tpu.memory_space<vmem>>
      %dma_start3A_447 = arith.constant 0 : i32
      %dma_start3A_448 = arith.constant 0 : i32
      %dma_start3A_449 = tpu.memref_slice %arg10[%dma_start3A_447, %dma_start3A_448] : memref<10240x128xf32, #tpu.memory_space<vmem_shared>> -> memref<10240x128xf32, #tpu.memory_space<vmem_shared>>
      tpu.enqueue_indirect_dma source(%arg8 : memref<128x128xf32, #tpu.memory_space<vmem>>) target(%dma_start3A_449 : memref<10240x128xf32, #tpu.memory_space<vmem_shared>>) offsets(%dma_start3A_446 : memref<128xi32, #tpu.memory_space<vmem>>) semaphore(%arg13 : memref<!tpu.dma_semaphore, #tpu.memory_space<semaphore_mem>>) {add = true}
      %dma_wait3A_450 = arith.constant 14 : i32
      %dma_wait3A_451 = arith.constant 0 : i32
      %dma_wait3A_452 = tpu.memref_slice %arg7[%dma_wait3A_450, %dma_wait3A_451] : memref<16x128xi32, #tpu.memory_space<vmem>> -> memref<1x128xi32, #tpu.memory_space<vmem>>
      %dma_wait3A_453 = tpu.memref_squeeze %dma_wait3A_452 : memref<1x128xi32, #tpu.memory_space<vmem>> -> memref<128xi32, #tpu.memory_space<vmem>>
      %dma_wait3A_454 = arith.constant 0 : i32
      %dma_wait3A_455 = arith.constant 0 : i32
      %dma_wait3A_456 = tpu.memref_slice %arg10[%dma_wait3A_454, %dma_wait3A_455] : memref<10240x128xf32, #tpu.memory_space<vmem_shared>> -> memref<10240x128xf32, #tpu.memory_space<vmem_shared>>
      tpu.wait_indirect_dma semaphore(%arg13 : memref<!tpu.dma_semaphore, #tpu.memory_space<semaphore_mem>>) src(%arg8 : memref<128x128xf32, #tpu.memory_space<vmem>>) dst(%dma_wait3A_456 : memref<10240x128xf32, #tpu.memory_space<vmem_shared>>)
      %dma_wait3A_457 = arith.constant 15 : i32
      %dma_wait3A_458 = arith.constant 0 : i32
      %dma_wait3A_459 = tpu.memref_slice %arg6[%dma_wait3A_457, %dma_wait3A_458] : memref<16x128xi32, #tpu.memory_space<vmem>> -> memref<1x128xi32, #tpu.memory_space<vmem>>
      %dma_wait3A_460 = tpu.memref_squeeze %dma_wait3A_459 : memref<1x128xi32, #tpu.memory_space<vmem>> -> memref<128xi32, #tpu.memory_space<vmem>>
      %dma_wait3A_461 = arith.constant 0 : i32
      %dma_wait3A_462 = arith.constant 0 : i32
      %dma_wait3A_463 = tpu.memref_slice %arg2[%dma_wait3A_461, %dma_wait3A_462] : memref<20000x128xf32, #tpu.memory_space<hbm>> -> memref<20000x128xf32, #tpu.memory_space<hbm>>
      tpu.wait_indirect_dma semaphore(%arg12 : memref<!tpu.dma_semaphore, #tpu.memory_space<semaphore_mem>>) src(%dma_wait3A_463 : memref<20000x128xf32, #tpu.memory_space<hbm>>) dst(%arg9 : memref<128x128xf32, #tpu.memory_space<vmem>>)
      %dma_start3A_464 = arith.constant 15 : i32
      %dma_start3A_465 = arith.constant 0 : i32
      %dma_start3A_466 = tpu.memref_slice %arg7[%dma_start3A_464, %dma_start3A_465] : memref<16x128xi32, #tpu.memory_space<vmem>> -> memref<1x128xi32, #tpu.memory_space<vmem>>
      %dma_start3A_467 = tpu.memref_squeeze %dma_start3A_466 : memref<1x128xi32, #tpu.memory_space<vmem>> -> memref<128xi32, #tpu.memory_space<vmem>>
      %dma_start3A_468 = arith.constant 0 : i32
      %dma_start3A_469 = arith.constant 0 : i32
      %dma_start3A_470 = tpu.memref_slice %arg10[%dma_start3A_468, %dma_start3A_469] : memref<10240x128xf32, #tpu.memory_space<vmem_shared>> -> memref<10240x128xf32, #tpu.memory_space<vmem_shared>>
      tpu.enqueue_indirect_dma source(%arg9 : memref<128x128xf32, #tpu.memory_space<vmem>>) target(%dma_start3A_470 : memref<10240x128xf32, #tpu.memory_space<vmem_shared>>) offsets(%dma_start3A_467 : memref<128xi32, #tpu.memory_space<vmem>>) semaphore(%arg14 : memref<!tpu.dma_semaphore, #tpu.memory_space<semaphore_mem>>) {add = true}
      %dma_wait3A_471 = arith.constant 15 : i32
      %dma_wait3A_472 = arith.constant 0 : i32
      %dma_wait3A_473 = tpu.memref_slice %arg7[%dma_wait3A_471, %dma_wait3A_472] : memref<16x128xi32, #tpu.memory_space<vmem>> -> memref<1x128xi32, #tpu.memory_space<vmem>>
      %dma_wait3A_474 = tpu.memref_squeeze %dma_wait3A_473 : memref<1x128xi32, #tpu.memory_space<vmem>> -> memref<128xi32, #tpu.memory_space<vmem>>
      %dma_wait3A_475 = arith.constant 0 : i32
      %dma_wait3A_476 = arith.constant 0 : i32
      %dma_wait3A_477 = tpu.memref_slice %arg10[%dma_wait3A_475, %dma_wait3A_476] : memref<10240x128xf32, #tpu.memory_space<vmem_shared>> -> memref<10240x128xf32, #tpu.memory_space<vmem_shared>>
      tpu.wait_indirect_dma semaphore(%arg14 : memref<!tpu.dma_semaphore, #tpu.memory_space<semaphore_mem>>) src(%arg9 : memref<128x128xf32, #tpu.memory_space<vmem>>) dst(%dma_wait3A_477 : memref<10240x128xf32, #tpu.memory_space<vmem_shared>>)
    }
    %scan3A_17 = arith.constant 5 : i32
    %barrier3A_18 = arith.constant 0 : index
    tpu.barrier barrier_id(%barrier3A_18)
    %scan3A_19 = arith.constant 0 : i32
    %scan3A_20 = arith.constant 0 : i32
    %scan3A_21 = arith.constant 5 : i32
    %scan3A_22 = arith.addi %scan3A_20, %scan3A_21 : i32
    %scan3A_23 = arith.constant 1 : i32
    scf.for %scan3A_25 = %scan3A_20 to %scan3A_22 step %scan3A_23  : i32 {
      %mul3A = arith.constant 16 : i32
      %mul3A_26 = arith.muli %mul3A, %scan3A_25 : i32
      %add3A = arith.addi %arg1, %mul3A_26 : i32
      %lt3A = arith.constant 78 : i32
      %lt3A_27 = arith.cmpi slt, %add3A, %lt3A : i32
      %convert_element_type3A = arith.extui %lt3A_27 : i1 to i32
      %cond3A = arith.constant 0 : i32
      %cond3A_28 = arith.cmpi ne, %convert_element_type3A, %cond3A : i32
      scf.if %cond3A_28 {
        %mul3A_33 = arith.constant 128 : i32
        %mul3A_34 = arith.muli %add3A, %mul3A_33 : i32
        "tpu.region"() ({
          %run_scoped3A = tpu.sem_alloc : memref<!tpu.dma_semaphore, #tpu.memory_space<semaphore_mem>>
          %dma_start3A = arith.constant 0 : i32
          %dma_start3A_40 = tpu.memref_slice %arg10[%mul3A_34, %dma_start3A] : memref<10240x128xf32, #tpu.memory_space<vmem_shared>> -> memref<128x128xf32, #tpu.memory_space<vmem_shared>>
          %dma_start3A_41 = arith.constant 0 : i32
          %dma_start3A_42 = tpu.memref_slice %arg10[%mul3A_34, %dma_start3A_41] : memref<10240x128xf32, #tpu.memory_space<vmem_shared>> -> memref<128x128xf32, #tpu.memory_space<vmem_shared>>
          tpu.enqueue_dma source(%dma_start3A_42 : memref<128x128xf32, #tpu.memory_space<vmem_shared>>) target(%arg8 : memref<128x128xf32, #tpu.memory_space<vmem>>) target_semaphore(%run_scoped3A : memref<!tpu.dma_semaphore, #tpu.memory_space<semaphore_mem>>)
          %dma_wait3A = arith.constant 0 : i32
          %dma_wait3A_43 = tpu.memref_slice %arg10[%mul3A_34, %dma_wait3A] : memref<10240x128xf32, #tpu.memory_space<vmem_shared>> -> memref<128x128xf32, #tpu.memory_space<vmem_shared>>
          %dma_wait3A_44 = arith.constant 0 : i32
          %dma_wait3A_45 = tpu.memref_slice %arg10[%mul3A_34, %dma_wait3A_44] : memref<10240x128xf32, #tpu.memory_space<vmem_shared>> -> memref<128x128xf32, #tpu.memory_space<vmem_shared>>
          tpu.wait_dma2 semaphore(%run_scoped3A : memref<!tpu.dma_semaphore, #tpu.memory_space<semaphore_mem>>) src(%dma_wait3A_45 : memref<128x128xf32, #tpu.memory_space<vmem_shared>>) dst(%arg8 : memref<128x128xf32, #tpu.memory_space<vmem>>)
          tpu.yield
        }) : () -> ()
        %mul3A_35 = arith.constant 10000 : i32
        %mul3A_36 = arith.muli %arg0, %mul3A_35 : i32
        %mul3A_37 = arith.constant 128 : i32
        %mul3A_38 = arith.muli %add3A, %mul3A_37 : i32
        %add3A_39 = arith.addi %mul3A_36, %mul3A_38 : i32
        "tpu.region"() ({
          %run_scoped3A = tpu.sem_alloc : memref<!tpu.dma_semaphore, #tpu.memory_space<semaphore_mem>>
          %dma_start3A = arith.constant 0 : i32
          %dma_start3A_40 = tpu.memref_slice %arg5[%add3A_39, %dma_start3A] : memref<20000x128xf32, #tpu.memory_space<hbm>> -> memref<128x128xf32, #tpu.memory_space<hbm>>
          %dma_start3A_41 = arith.constant 0 : i32
          %dma_start3A_42 = tpu.memref_slice %arg5[%add3A_39, %dma_start3A_41] : memref<20000x128xf32, #tpu.memory_space<hbm>> -> memref<128x128xf32, #tpu.memory_space<hbm>>
          tpu.enqueue_dma source(%arg8 : memref<128x128xf32, #tpu.memory_space<vmem>>) target(%dma_start3A_42 : memref<128x128xf32, #tpu.memory_space<hbm>>) target_semaphore(%run_scoped3A : memref<!tpu.dma_semaphore, #tpu.memory_space<semaphore_mem>>)
          %dma_wait3A = arith.constant 0 : i32
          %dma_wait3A_43 = tpu.memref_slice %arg5[%add3A_39, %dma_wait3A] : memref<20000x128xf32, #tpu.memory_space<hbm>> -> memref<128x128xf32, #tpu.memory_space<hbm>>
          %dma_wait3A_44 = arith.constant 0 : i32
          %dma_wait3A_45 = tpu.memref_slice %arg5[%add3A_39, %dma_wait3A_44] : memref<20000x128xf32, #tpu.memory_space<hbm>> -> memref<128x128xf32, #tpu.memory_space<hbm>>
          tpu.wait_dma2 semaphore(%run_scoped3A : memref<!tpu.dma_semaphore, #tpu.memory_space<semaphore_mem>>) src(%arg8 : memref<128x128xf32, #tpu.memory_space<vmem>>) dst(%dma_wait3A_45 : memref<128x128xf32, #tpu.memory_space<hbm>>)
          tpu.yield
        }) : () -> ()
      } else {
      }
      %eq3A = arith.constant 78 : i32
      %eq3A_29 = arith.cmpi eq, %add3A, %eq3A : i32
      %convert_element_type3A_30 = arith.extui %eq3A_29 : i1 to i32
      %cond3A_31 = arith.constant 0 : i32
      %cond3A_32 = arith.cmpi ne, %convert_element_type3A_30, %cond3A_31 : i32
      scf.if %cond3A_32 {
        %mul3A_33 = arith.constant 128 : i32
        %mul3A_34 = arith.muli %add3A, %mul3A_33 : i32
        "tpu.region"() ({
          %run_scoped3A = tpu.sem_alloc : memref<!tpu.dma_semaphore, #tpu.memory_space<semaphore_mem>>
          %dma_start3A = arith.constant 0 : i32
          %dma_start3A_40 = arith.constant 0 : i32
          %dma_start3A_41 = tpu.memref_slice %arg8[%dma_start3A, %dma_start3A_40] : memref<128x128xf32, #tpu.memory_space<vmem>> -> memref<16x128xf32, #tpu.memory_space<vmem>>
          %dma_start3A_42 = arith.constant 0 : i32
          %dma_start3A_43 = tpu.memref_slice %arg10[%mul3A_34, %dma_start3A_42] : memref<10240x128xf32, #tpu.memory_space<vmem_shared>> -> memref<16x128xf32, #tpu.memory_space<vmem_shared>>
          %dma_start3A_44 = arith.constant 0 : i32
          %dma_start3A_45 = arith.constant 0 : i32
          %dma_start3A_46 = tpu.memref_slice %arg8[%dma_start3A_44, %dma_start3A_45] : memref<128x128xf32, #tpu.memory_space<vmem>> -> memref<16x128xf32, #tpu.memory_space<vmem>>
          %dma_start3A_47 = arith.constant 0 : i32
          %dma_start3A_48 = tpu.memref_slice %arg10[%mul3A_34, %dma_start3A_47] : memref<10240x128xf32, #tpu.memory_space<vmem_shared>> -> memref<16x128xf32, #tpu.memory_space<vmem_shared>>
          tpu.enqueue_dma source(%dma_start3A_48 : memref<16x128xf32, #tpu.memory_space<vmem_shared>>) target(%dma_start3A_46 : memref<16x128xf32, #tpu.memory_space<vmem>>) target_semaphore(%run_scoped3A : memref<!tpu.dma_semaphore, #tpu.memory_space<semaphore_mem>>)
          %dma_wait3A = arith.constant 0 : i32
          %dma_wait3A_49 = arith.constant 0 : i32
          %dma_wait3A_50 = tpu.memref_slice %arg8[%dma_wait3A, %dma_wait3A_49] : memref<128x128xf32, #tpu.memory_space<vmem>> -> memref<16x128xf32, #tpu.memory_space<vmem>>
          %dma_wait3A_51 = arith.constant 0 : i32
          %dma_wait3A_52 = tpu.memref_slice %arg10[%mul3A_34, %dma_wait3A_51] : memref<10240x128xf32, #tpu.memory_space<vmem_shared>> -> memref<16x128xf32, #tpu.memory_space<vmem_shared>>
          %dma_wait3A_53 = arith.constant 0 : i32
          %dma_wait3A_54 = arith.constant 0 : i32
          %dma_wait3A_55 = tpu.memref_slice %arg8[%dma_wait3A_53, %dma_wait3A_54] : memref<128x128xf32, #tpu.memory_space<vmem>> -> memref<16x128xf32, #tpu.memory_space<vmem>>
          %dma_wait3A_56 = arith.constant 0 : i32
          %dma_wait3A_57 = tpu.memref_slice %arg10[%mul3A_34, %dma_wait3A_56] : memref<10240x128xf32, #tpu.memory_space<vmem_shared>> -> memref<16x128xf32, #tpu.memory_space<vmem_shared>>
          tpu.wait_dma2 semaphore(%run_scoped3A : memref<!tpu.dma_semaphore, #tpu.memory_space<semaphore_mem>>) src(%dma_wait3A_57 : memref<16x128xf32, #tpu.memory_space<vmem_shared>>) dst(%dma_wait3A_55 : memref<16x128xf32, #tpu.memory_space<vmem>>)
          tpu.yield
        }) : () -> ()
        %mul3A_35 = arith.constant 10000 : i32
        %mul3A_36 = arith.muli %arg0, %mul3A_35 : i32
        %mul3A_37 = arith.constant 128 : i32
        %mul3A_38 = arith.muli %add3A, %mul3A_37 : i32
        %add3A_39 = arith.addi %mul3A_36, %mul3A_38 : i32
        "tpu.region"() ({
          %run_scoped3A = tpu.sem_alloc : memref<!tpu.dma_semaphore, #tpu.memory_space<semaphore_mem>>
          %dma_start3A = arith.constant 0 : i32
          %dma_start3A_40 = arith.constant 0 : i32
          %dma_start3A_41 = tpu.memref_slice %arg8[%dma_start3A, %dma_start3A_40] : memref<128x128xf32, #tpu.memory_space<vmem>> -> memref<16x128xf32, #tpu.memory_space<vmem>>
          %dma_start3A_42 = arith.constant 0 : i32
          %dma_start3A_43 = tpu.memref_slice %arg5[%add3A_39, %dma_start3A_42] : memref<20000x128xf32, #tpu.memory_space<hbm>> -> memref<16x128xf32, #tpu.memory_space<hbm>>
          %dma_start3A_44 = arith.constant 0 : i32
          %dma_start3A_45 = tpu.memref_slice %arg5[%add3A_39, %dma_start3A_44] : memref<20000x128xf32, #tpu.memory_space<hbm>> -> memref<16x128xf32, #tpu.memory_space<hbm>>
          %dma_start3A_46 = arith.constant 0 : i32
          %dma_start3A_47 = arith.constant 0 : i32
          %dma_start3A_48 = tpu.memref_slice %arg8[%dma_start3A_46, %dma_start3A_47] : memref<128x128xf32, #tpu.memory_space<vmem>> -> memref<16x128xf32, #tpu.memory_space<vmem>>
          tpu.enqueue_dma source(%dma_start3A_48 : memref<16x128xf32, #tpu.memory_space<vmem>>) target(%dma_start3A_45 : memref<16x128xf32, #tpu.memory_space<hbm>>) target_semaphore(%run_scoped3A : memref<!tpu.dma_semaphore, #tpu.memory_space<semaphore_mem>>)
          %dma_wait3A = arith.constant 0 : i32
          %dma_wait3A_49 = arith.constant 0 : i32
          %dma_wait3A_50 = tpu.memref_slice %arg8[%dma_wait3A, %dma_wait3A_49] : memref<128x128xf32, #tpu.memory_space<vmem>> -> memref<16x128xf32, #tpu.memory_space<vmem>>
          %dma_wait3A_51 = arith.constant 0 : i32
          %dma_wait3A_52 = tpu.memref_slice %arg5[%add3A_39, %dma_wait3A_51] : memref<20000x128xf32, #tpu.memory_space<hbm>> -> memref<16x128xf32, #tpu.memory_space<hbm>>
          %dma_wait3A_53 = arith.constant 0 : i32
          %dma_wait3A_54 = tpu.memref_slice %arg5[%add3A_39, %dma_wait3A_53] : memref<20000x128xf32, #tpu.memory_space<hbm>> -> memref<16x128xf32, #tpu.memory_space<hbm>>
          %dma_wait3A_55 = arith.constant 0 : i32
          %dma_wait3A_56 = arith.constant 0 : i32
          %dma_wait3A_57 = tpu.memref_slice %arg8[%dma_wait3A_55, %dma_wait3A_56] : memref<128x128xf32, #tpu.memory_space<vmem>> -> memref<16x128xf32, #tpu.memory_space<vmem>>
          tpu.wait_dma2 semaphore(%run_scoped3A : memref<!tpu.dma_semaphore, #tpu.memory_space<semaphore_mem>>) src(%dma_wait3A_57 : memref<16x128xf32, #tpu.memory_space<vmem>>) dst(%dma_wait3A_54 : memref<16x128xf32, #tpu.memory_space<hbm>>)
          tpu.yield
        }) : () -> ()
      } else {
      }
    }
    %scan3A_24 = arith.constant 5 : i32
    return
  }
}

module attributes {stable_mosaic.version = 14 : i64} {
  func.func @_tc1_body(%arg0: i32, %arg1: memref<2000x256xf32, #tpu.memory_space<vmem>>, %arg2: memref<2x2000x128xf32, #tpu.memory_space<vmem>>) attributes {dimension_semantics = [#tpu.dimension_semantics<arbitrary>], iteration_bounds = array<i64: 5>, scalar_prefetch = 0 : i64, scratch_operands = 0 : i64, tpu.core_type = #tpu.core_type<tc>, window_params = [{transform_indices = @transform_0, window_bounds = array<i64: 2000, 256>}, {transform_indices = @transform_1, window_bounds = array<i64: 2, 2000, 128>}]} {
    %get3A = arith.constant 0 : index
    %get3A_0 = arith.constant 0 : index
    %get3A_1 = vector.load %arg1[%get3A, %get3A_0] : memref<2000x256xf32, #tpu.memory_space<vmem>>, vector<2000x256xf32>
    %iota3A = tpu.iota {dimensions = array<i32: 1>} : vector<1x256xi32>
    %ge3A = arith.constant 1 : i32
    %ge3A_2 = vector.broadcast %ge3A : i32 to vector<1x256xi32>
    %ge3A_3 = arith.cmpi sge, %iota3A, %ge3A_2 : vector<1x256xi32>
    %jit3A = arith.constant 0.000000e+00 : f32
    %broadcast_in_dim3A = vector.shape_cast %ge3A_3 : vector<1x256xi1> to vector<1x256xi1>
    %broadcast_in_dim3A_4 = vector.broadcast %broadcast_in_dim3A : vector<1x256xi1> to vector<2000x256xi1>
    %broadcast_in_dim3A_5 = vector.broadcast %jit3A : f32 to vector<2000x256xf32>
    %select_n3A = arith.select %broadcast_in_dim3A_4, %get3A_1, %broadcast_in_dim3A_5 : vector<2000x256xi1>, vector<2000x256xf32>
    %mul3A = arith.mulf %select_n3A, %select_n3A : vector<2000x256xf32>
    %reduce_sum3A = arith.constant dense<0.000000e+00> : vector<2000xf32>
    %reduce_sum3A_6 = vector.multi_reduction <add>, %mul3A, %reduce_sum3A [1] : vector<2000x256xf32> to vector<2000xf32>
    %broadcast_in_dim3A_7 = vector.shape_cast %reduce_sum3A_6 : vector<2000xf32> to vector<2000x1xf32>
    %sqrt3A = math.sqrt %broadcast_in_dim3A_7 : vector<2000x1xf32>
    %max3A = arith.constant 1.000000e-15 : f32
    %max3A_8 = vector.broadcast %max3A : f32 to vector<2000x1xf32>
    %max3A_9 = arith.maximumf %sqrt3A, %max3A_8 : vector<2000x1xf32>
    %slice3A = vector.extract_strided_slice %get3A_1 {offsets = [0, 0], sizes = [2000, 1], strides = [1, 1]} : vector<2000x256xf32> to vector<2000x1xf32>
    %max3A_10 = arith.constant 1.00000012 : f32
    %max3A_11 = vector.broadcast %max3A_10 : f32 to vector<2000x1xf32>
    %max3A_12 = arith.maximumf %slice3A, %max3A_11 : vector<2000x1xf32>
    %ge3A_13 = arith.constant 1 : i32
    %ge3A_14 = vector.broadcast %ge3A_13 : i32 to vector<1x256xi32>
    %ge3A_15 = arith.cmpi sge, %iota3A, %ge3A_14 : vector<1x256xi32>
    %mul3A_16 = arith.mulf %max3A_12, %max3A_12 : vector<2000x1xf32>
    %sub3A = arith.constant 1.000000e+00 : f32
    %sub3A_17 = vector.broadcast %sub3A : f32 to vector<2000x1xf32>
    %sub3A_18 = arith.subf %mul3A_16, %sub3A_17 : vector<2000x1xf32>
    %max3A_19 = arith.constant 1.000000e-15 : f32
    %max3A_20 = vector.broadcast %max3A_19 : f32 to vector<2000x1xf32>
    %max3A_21 = arith.maximumf %sub3A_18, %max3A_20 : vector<2000x1xf32>
    %sqrt3A_22 = math.sqrt %max3A_21 : vector<2000x1xf32>
    %add3A = arith.addf %max3A_12, %sqrt3A_22 : vector<2000x1xf32>
    %log3A = math.log %add3A : vector<2000x1xf32>
    %mul3A_23 = vector.broadcast %log3A : vector<2000x1xf32> to vector<2000x256xf32>
    %mul3A_24 = arith.mulf %mul3A_23, %select_n3A : vector<2000x256xf32>
    %div3A = vector.broadcast %max3A_9 : vector<2000x1xf32> to vector<2000x256xf32>
    %div3A_25 = arith.divf %mul3A_24, %div3A : vector<2000x256xf32>
    %jit3A_26 = arith.constant 0.000000e+00 : f32
    %broadcast_in_dim3A_27 = vector.shape_cast %ge3A_15 : vector<1x256xi1> to vector<1x256xi1>
    %broadcast_in_dim3A_28 = vector.broadcast %broadcast_in_dim3A_27 : vector<1x256xi1> to vector<2000x256xi1>
    %broadcast_in_dim3A_29 = vector.broadcast %jit3A_26 : f32 to vector<2000x256xf32>
    %select_n3A_30 = arith.select %broadcast_in_dim3A_28, %div3A_25, %broadcast_in_dim3A_29 : vector<2000x256xi1>, vector<2000x256xf32>
    %slice3A_31 = vector.extract_strided_slice %select_n3A_30 {offsets = [0, 0], sizes = [2000, 128], strides = [1, 1]} : vector<2000x256xf32> to vector<2000x128xf32>
    %swap3A = arith.constant 0 : index
    %swap3A_32 = arith.constant 0 : index
    %swap3A_33 = arith.constant 0 : index
    %swap3A_34 = vector.load %arg2[%swap3A, %swap3A_32, %swap3A_33] : memref<2x2000x128xf32, #tpu.memory_space<vmem>>, vector<1x2000x128xf32>
    %swap3A_35 = vector.shape_cast %swap3A_34 : vector<1x2000x128xf32> to vector<2000x128xf32>
    %swap3A_36 = vector.shape_cast %slice3A_31 : vector<2000x128xf32> to vector<1x2000x128xf32>
    tpu.vector_store %arg2[%swap3A, %swap3A_32, %swap3A_33], %swap3A_36 {strides = array<i32>} : memref<2x2000x128xf32, #tpu.memory_space<vmem>>, vector<1x2000x128xf32>,
    %slice3A_37 = vector.extract_strided_slice %select_n3A_30 {offsets = [0, 128], sizes = [2000, 128], strides = [1, 1]} : vector<2000x256xf32> to vector<2000x128xf32>
    %swap3A_38 = arith.constant 1 : index
    %swap3A_39 = arith.constant 0 : index
    %swap3A_40 = arith.constant 0 : index
    %swap3A_41 = vector.load %arg2[%swap3A_38, %swap3A_39, %swap3A_40] : memref<2x2000x128xf32, #tpu.memory_space<vmem>>, vector<1x2000x128xf32>
    %swap3A_42 = vector.shape_cast %swap3A_41 : vector<1x2000x128xf32> to vector<2000x128xf32>
    %swap3A_43 = vector.shape_cast %slice3A_37 : vector<2000x128xf32> to vector<1x2000x128xf32>
    tpu.vector_store %arg2[%swap3A_38, %swap3A_39, %swap3A_40], %swap3A_43 {strides = array<i32>} : memref<2x2000x128xf32, #tpu.memory_space<vmem>>, vector<1x2000x128xf32>,
    return
  }
  func.func @transform_0(%arg0: i32) -> (i32, i32) {
    %c0_i32 = arith.constant 0 : i32
    %c0_i32_0 = arith.constant 0 : i32
    return %arg0, %c0_i32 : i32, i32
  }
  func.func @transform_1(%arg0: i32) -> (i32, i32, i32) {
    %c0_i32 = arith.constant 0 : i32
    %c0_i32_0 = arith.constant 0 : i32
    %c0_i32_1 = arith.constant 0 : i32
    return %c0_i32, %arg0, %c0_i32_0 : i32, i32, i32
  }
}

module attributes {stable_mosaic.version = 14 : i64} {
  func.func @_tc2_body(%arg0: i32, %arg1: memref<2x2000x128xf32, #tpu.memory_space<vmem>>, %arg2: memref<2x2000x128xf32, #tpu.memory_space<vmem>>, %arg3: memref<1x1x2000xi32, #tpu.memory_space<vmem>>, %arg4: memref<256x128xf32, #tpu.memory_space<vmem>>, %arg5: memref<1x128xf32, #tpu.memory_space<vmem>>, %arg6: memref<128x128xf32, #tpu.memory_space<vmem>>, %arg7: memref<1x128xf32, #tpu.memory_space<vmem>>, %arg8: memref<128x128xf32, #tpu.memory_space<vmem>>, %arg9: memref<1x128xf32, #tpu.memory_space<vmem>>, %arg10: memref<128x10xf32, #tpu.memory_space<vmem>>, %arg11: memref<128x10xf32, #tpu.memory_space<vmem>>, %arg12: memref<128x128xf32, #tpu.memory_space<vmem>>) attributes {dimension_semantics = [#tpu.dimension_semantics<arbitrary>], iteration_bounds = array<i64: 5>, scalar_prefetch = 0 : i64, scratch_operands = 1 : i64, tpu.core_type = #tpu.core_type<tc>, window_params = [{transform_indices = @transform_0, window_bounds = array<i64: 2, 2000, 128>}, {transform_indices = @transform_1, window_bounds = array<i64: 2, 2000, 128>}, {transform_indices = @transform_2, window_bounds = array<i64: 1, 1, 2000>}, {pipeline_mode = #tpu.pipeline_mode<synchronous>, transform_indices = @transform_3, window_bounds = array<i64: 256, 128>}, {pipeline_mode = #tpu.pipeline_mode<synchronous>, transform_indices = @transform_4, window_bounds = array<i64: 1, 128>}, {pipeline_mode = #tpu.pipeline_mode<synchronous>, transform_indices = @transform_5, window_bounds = array<i64: 128, 128>}, {pipeline_mode = #tpu.pipeline_mode<synchronous>, transform_indices = @transform_6, window_bounds = array<i64: 1, 128>}, {pipeline_mode = #tpu.pipeline_mode<synchronous>, transform_indices = @transform_7, window_bounds = array<i64: 128, 128>}, {pipeline_mode = #tpu.pipeline_mode<synchronous>, transform_indices = @transform_8, window_bounds = array<i64: 1, 128>}, {pipeline_mode = #tpu.pipeline_mode<synchronous>, transform_indices = @transform_9, window_bounds = array<i64: 128, 10>}, {pipeline_mode = #tpu.pipeline_mode<synchronous>, transform_indices = @transform_10, window_bounds = array<i64: 128, 10>}]} {
    %get3A = arith.constant 0 : index
    %get3A_0 = arith.constant 0 : index
    %get3A_1 = arith.constant 0 : index
    %get3A_2 = vector.load %arg1[%get3A, %get3A_0, %get3A_1] : memref<2x2000x128xf32, #tpu.memory_space<vmem>>, vector<1x2000x128xf32>
    %get3A_3 = vector.shape_cast %get3A_2 : vector<1x2000x128xf32> to vector<2000x128xf32>
    %get3A_4 = arith.constant 1 : index
    %get3A_5 = arith.constant 0 : index
    %get3A_6 = arith.constant 0 : index
    %get3A_7 = vector.load %arg1[%get3A_4, %get3A_5, %get3A_6] : memref<2x2000x128xf32, #tpu.memory_space<vmem>>, vector<1x2000x128xf32>
    %get3A_8 = vector.shape_cast %get3A_7 : vector<1x2000x128xf32> to vector<2000x128xf32>
    %concatenate3A = tpu.concatenate %get3A_3, %get3A_8 in 1 : vector<2000x128xf32>, vector<2000x128xf32> -> vector<2000x256xf32>
    %get3A_9 = arith.constant 0 : index
    %get3A_10 = arith.constant 0 : index
    %get3A_11 = arith.constant 0 : index
    %get3A_12 = vector.load %arg2[%get3A_9, %get3A_10, %get3A_11] : memref<2x2000x128xf32, #tpu.memory_space<vmem>>, vector<1x2000x128xf32>
    %get3A_13 = vector.shape_cast %get3A_12 : vector<1x2000x128xf32> to vector<2000x128xf32>
    %get3A_14 = arith.constant 1 : index
    %get3A_15 = arith.constant 0 : index
    %get3A_16 = arith.constant 0 : index
    %get3A_17 = vector.load %arg2[%get3A_14, %get3A_15, %get3A_16] : memref<2x2000x128xf32, #tpu.memory_space<vmem>>, vector<1x2000x128xf32>
    %get3A_18 = vector.shape_cast %get3A_17 : vector<1x2000x128xf32> to vector<2000x128xf32>
    %concatenate3A_19 = tpu.concatenate %get3A_13, %get3A_18 in 1 : vector<2000x128xf32>, vector<2000x128xf32> -> vector<2000x256xf32>
    %add3A = arith.addf %concatenate3A, %concatenate3A_19 : vector<2000x256xf32>
    %iota3A = tpu.iota {dimensions = array<i32: 1>} : vector<1x256xi32>
    %ge3A = arith.constant 1 : i32
    %ge3A_20 = vector.broadcast %ge3A : i32 to vector<1x256xi32>
    %ge3A_21 = arith.cmpi sge, %iota3A, %ge3A_20 : vector<1x256xi32>
    %jit3A = arith.constant 0.000000e+00 : f32
    %broadcast_in_dim3A = vector.shape_cast %ge3A_21 : vector<1x256xi1> to vector<1x256xi1>
    %broadcast_in_dim3A_22 = vector.broadcast %broadcast_in_dim3A : vector<1x256xi1> to vector<2000x256xi1>
    %broadcast_in_dim3A_23 = vector.broadcast %jit3A : f32 to vector<2000x256xf32>
    %select_n3A = arith.select %broadcast_in_dim3A_22, %add3A, %broadcast_in_dim3A_23 : vector<2000x256xi1>, vector<2000x256xf32>
    %mul3A = arith.mulf %select_n3A, %select_n3A : vector<2000x256xf32>
    %reduce_sum3A = arith.constant dense<0.000000e+00> : vector<2000xf32>
    %reduce_sum3A_24 = vector.multi_reduction <add>, %mul3A, %reduce_sum3A [1] : vector<2000x256xf32> to vector<2000xf32>
    %broadcast_in_dim3A_25 = vector.shape_cast %reduce_sum3A_24 : vector<2000xf32> to vector<2000x1xf32>
    %sqrt3A = math.sqrt %broadcast_in_dim3A_25 : vector<2000x1xf32>
    %max3A = arith.constant 1.000000e-15 : f32
    %max3A_26 = vector.broadcast %max3A : f32 to vector<2000x1xf32>
    %max3A_27 = arith.maximumf %sqrt3A, %max3A_26 : vector<2000x1xf32>
    %exp3A = math.exp %max3A_27 : vector<2000x1xf32>
    %div3A = arith.constant 1.000000e+00 : f32
    %div3A_28 = vector.broadcast %div3A : f32 to vector<2000x1xf32>
    %div3A_29 = arith.divf %div3A_28, %exp3A : vector<2000x1xf32>
    %add3A_30 = arith.addf %exp3A, %div3A_29 : vector<2000x1xf32>
    %mul3A_31 = arith.constant 5.000000e-01 : f32
    %mul3A_32 = vector.broadcast %mul3A_31 : f32 to vector<2000x1xf32>
    %mul3A_33 = arith.mulf %mul3A_32, %add3A_30 : vector<2000x1xf32>
    %div3A_34 = arith.constant 1.000000e+00 : f32
    %div3A_35 = vector.broadcast %div3A_34 : f32 to vector<2000x1xf32>
    %div3A_36 = arith.divf %div3A_35, %exp3A : vector<2000x1xf32>
    %sub3A = arith.subf %exp3A, %div3A_36 : vector<2000x1xf32>
    %mul3A_37 = arith.constant 5.000000e-01 : f32
    %mul3A_38 = vector.broadcast %mul3A_37 : f32 to vector<2000x1xf32>
    %mul3A_39 = arith.mulf %mul3A_38, %sub3A : vector<2000x1xf32>
    %ge3A_40 = arith.constant 1 : i32
    %ge3A_41 = vector.broadcast %ge3A_40 : i32 to vector<1x256xi32>
    %ge3A_42 = arith.cmpi sge, %iota3A, %ge3A_41 : vector<1x256xi32>
    %mul3A_43 = vector.broadcast %mul3A_39 : vector<2000x1xf32> to vector<2000x256xf32>
    %mul3A_44 = arith.mulf %mul3A_43, %select_n3A : vector<2000x256xf32>
    %div3A_45 = vector.broadcast %max3A_27 : vector<2000x1xf32> to vector<2000x256xf32>
    %div3A_46 = arith.divf %mul3A_44, %div3A_45 : vector<2000x256xf32>
    %broadcast_in_dim3A_47 = vector.shape_cast %ge3A_42 : vector<1x256xi1> to vector<1x256xi1>
    %broadcast_in_dim3A_48 = vector.broadcast %broadcast_in_dim3A_47 : vector<1x256xi1> to vector<2000x256xi1>
    %broadcast_in_dim3A_49 = vector.shape_cast %mul3A_33 : vector<2000x1xf32> to vector<2000x1xf32>
    %broadcast_in_dim3A_50 = vector.broadcast %broadcast_in_dim3A_49 : vector<2000x1xf32> to vector<2000x256xf32>
    %select_n3A_51 = arith.select %broadcast_in_dim3A_48, %div3A_46, %broadcast_in_dim3A_50 : vector<2000x256xi1>, vector<2000x256xf32>
    %iota3A_52 = tpu.iota {dimensions = array<i32: 1>} : vector<1x256xi32>
    %ge3A_53 = arith.constant 1 : i32
    %ge3A_54 = vector.broadcast %ge3A_53 : i32 to vector<1x256xi32>
    %ge3A_55 = arith.cmpi sge, %iota3A_52, %ge3A_54 : vector<1x256xi32>
    %jit3A_56 = arith.constant 0.000000e+00 : f32
    %broadcast_in_dim3A_57 = vector.shape_cast %ge3A_55 : vector<1x256xi1> to vector<1x256xi1>
    %broadcast_in_dim3A_58 = vector.broadcast %broadcast_in_dim3A_57 : vector<1x256xi1> to vector<2000x256xi1>
    %broadcast_in_dim3A_59 = vector.broadcast %jit3A_56 : f32 to vector<2000x256xf32>
    %select_n3A_60 = arith.select %broadcast_in_dim3A_58, %select_n3A_51, %broadcast_in_dim3A_59 : vector<2000x256xi1>, vector<2000x256xf32>
    %mul3A_61 = arith.mulf %select_n3A_60, %select_n3A_60 : vector<2000x256xf32>
    %reduce_sum3A_62 = arith.constant dense<0.000000e+00> : vector<2000xf32>
    %reduce_sum3A_63 = vector.multi_reduction <add>, %mul3A_61, %reduce_sum3A_62 [1] : vector<2000x256xf32> to vector<2000xf32>
    %broadcast_in_dim3A_64 = vector.shape_cast %reduce_sum3A_63 : vector<2000xf32> to vector<2000x1xf32>
    %sqrt3A_65 = math.sqrt %broadcast_in_dim3A_64 : vector<2000x1xf32>
    %max3A_66 = arith.constant 1.000000e-15 : f32
    %max3A_67 = vector.broadcast %max3A_66 : f32 to vector<2000x1xf32>
    %max3A_68 = arith.maximumf %sqrt3A_65, %max3A_67 : vector<2000x1xf32>
    %slice3A = vector.extract_strided_slice %select_n3A_51 {offsets = [0, 0], sizes = [2000, 1], strides = [1, 1]} : vector<2000x256xf32> to vector<2000x1xf32>
    %max3A_69 = arith.constant 1.00000012 : f32
    %max3A_70 = vector.broadcast %max3A_69 : f32 to vector<2000x1xf32>
    %max3A_71 = arith.maximumf %slice3A, %max3A_70 : vector<2000x1xf32>
    %ge3A_72 = arith.constant 1 : i32
    %ge3A_73 = vector.broadcast %ge3A_72 : i32 to vector<1x256xi32>
    %ge3A_74 = arith.cmpi sge, %iota3A_52, %ge3A_73 : vector<1x256xi32>
    %mul3A_75 = arith.mulf %max3A_71, %max3A_71 : vector<2000x1xf32>
    %sub3A_76 = arith.constant 1.000000e+00 : f32
    %sub3A_77 = vector.broadcast %sub3A_76 : f32 to vector<2000x1xf32>
    %sub3A_78 = arith.subf %mul3A_75, %sub3A_77 : vector<2000x1xf32>
    %max3A_79 = arith.constant 1.000000e-15 : f32
    %max3A_80 = vector.broadcast %max3A_79 : f32 to vector<2000x1xf32>
    %max3A_81 = arith.maximumf %sub3A_78, %max3A_80 : vector<2000x1xf32>
    %sqrt3A_82 = math.sqrt %max3A_81 : vector<2000x1xf32>
    %add3A_83 = arith.addf %max3A_71, %sqrt3A_82 : vector<2000x1xf32>
    %log3A = math.log %add3A_83 : vector<2000x1xf32>
    %mul3A_84 = vector.broadcast %log3A : vector<2000x1xf32> to vector<2000x256xf32>
    %mul3A_85 = arith.mulf %mul3A_84, %select_n3A_60 : vector<2000x256xf32>
    %div3A_86 = vector.broadcast %max3A_68 : vector<2000x1xf32> to vector<2000x256xf32>
    %div3A_87 = arith.divf %mul3A_85, %div3A_86 : vector<2000x256xf32>
    %jit3A_88 = arith.constant 0.000000e+00 : f32
    %broadcast_in_dim3A_89 = vector.shape_cast %ge3A_74 : vector<1x256xi1> to vector<1x256xi1>
    %broadcast_in_dim3A_90 = vector.broadcast %broadcast_in_dim3A_89 : vector<1x256xi1> to vector<2000x256xi1>
    %broadcast_in_dim3A_91 = vector.broadcast %jit3A_88 : f32 to vector<2000x256xf32>
    %select_n3A_92 = arith.select %broadcast_in_dim3A_90, %div3A_87, %broadcast_in_dim3A_91 : vector<2000x256xi1>, vector<2000x256xf32>
    %get3A_93 = arith.constant 0 : index
    %get3A_94 = arith.constant 0 : index
    %get3A_95 = vector.load %arg4[%get3A_93, %get3A_94] : memref<256x128xf32, #tpu.memory_space<vmem>>, vector<256x128xf32>
    %dot_general3A = arith.constant dense<0.000000e+00> : vector<2000x128xf32>
    %dot_general3A_96 = tpu.matmul %select_n3A_92, %get3A_95, %dot_general3A {dimension_numbers = #tpu.dot_dimension_numbers<[1], [0], [0], [1], [0, 0, 1, 1], [], []>, transpose_lhs_hint = false} : vector<2000x256xf32>, vector<256x128xf32>, vector<2000x128xf32> -> vector<2000x128xf32>
    %get3A_97 = arith.constant 0 : index
    %get3A_98 = arith.constant 0 : index
    %get3A_99 = vector.load %arg5[%get3A_97, %get3A_98] : memref<1x128xf32, #tpu.memory_space<vmem>>, vector<1x128xf32>
    %add3A_100 = vector.broadcast %get3A_99 : vector<1x128xf32> to vector<2000x128xf32>
    %add3A_101 = arith.addf %dot_general3A_96, %add3A_100 : vector<2000x128xf32>
    %iota3A_102 = tpu.iota {dimensions = array<i32: 1>} : vector<1x128xi32>
    %ge3A_103 = arith.constant 1 : i32
    %ge3A_104 = vector.broadcast %ge3A_103 : i32 to vector<1x128xi32>
    %ge3A_105 = arith.cmpi sge, %iota3A_102, %ge3A_104 : vector<1x128xi32>
    %jit3A_106 = arith.constant 0.000000e+00 : f32
    %broadcast_in_dim3A_107 = vector.shape_cast %ge3A_105 : vector<1x128xi1> to vector<1x128xi1>
    %broadcast_in_dim3A_108 = vector.broadcast %broadcast_in_dim3A_107 : vector<1x128xi1> to vector<2000x128xi1>
    %broadcast_in_dim3A_109 = vector.broadcast %jit3A_106 : f32 to vector<2000x128xf32>
    %select_n3A_110 = arith.select %broadcast_in_dim3A_108, %add3A_101, %broadcast_in_dim3A_109 : vector<2000x128xi1>, vector<2000x128xf32>
    %mul3A_111 = arith.mulf %select_n3A_110, %select_n3A_110 : vector<2000x128xf32>
    %reduce_sum3A_112 = arith.constant dense<0.000000e+00> : vector<2000xf32>
    %reduce_sum3A_113 = vector.multi_reduction <add>, %mul3A_111, %reduce_sum3A_112 [1] : vector<2000x128xf32> to vector<2000xf32>
    %broadcast_in_dim3A_114 = vector.shape_cast %reduce_sum3A_113 : vector<2000xf32> to vector<2000x1xf32>
    %sqrt3A_115 = math.sqrt %broadcast_in_dim3A_114 : vector<2000x1xf32>
    %max3A_116 = arith.constant 1.000000e-15 : f32
    %max3A_117 = vector.broadcast %max3A_116 : f32 to vector<2000x1xf32>
    %max3A_118 = arith.maximumf %sqrt3A_115, %max3A_117 : vector<2000x1xf32>
    %exp3A_119 = math.exp %max3A_118 : vector<2000x1xf32>
    %div3A_120 = arith.constant 1.000000e+00 : f32
    %div3A_121 = vector.broadcast %div3A_120 : f32 to vector<2000x1xf32>
    %div3A_122 = arith.divf %div3A_121, %exp3A_119 : vector<2000x1xf32>
    %add3A_123 = arith.addf %exp3A_119, %div3A_122 : vector<2000x1xf32>
    %mul3A_124 = arith.constant 5.000000e-01 : f32
    %mul3A_125 = vector.broadcast %mul3A_124 : f32 to vector<2000x1xf32>
    %mul3A_126 = arith.mulf %mul3A_125, %add3A_123 : vector<2000x1xf32>
    %div3A_127 = arith.constant 1.000000e+00 : f32
    %div3A_128 = vector.broadcast %div3A_127 : f32 to vector<2000x1xf32>
    %div3A_129 = arith.divf %div3A_128, %exp3A_119 : vector<2000x1xf32>
    %sub3A_130 = arith.subf %exp3A_119, %div3A_129 : vector<2000x1xf32>
    %mul3A_131 = arith.constant 5.000000e-01 : f32
    %mul3A_132 = vector.broadcast %mul3A_131 : f32 to vector<2000x1xf32>
    %mul3A_133 = arith.mulf %mul3A_132, %sub3A_130 : vector<2000x1xf32>
    %ge3A_134 = arith.constant 1 : i32
    %ge3A_135 = vector.broadcast %ge3A_134 : i32 to vector<1x128xi32>
    %ge3A_136 = arith.cmpi sge, %iota3A_102, %ge3A_135 : vector<1x128xi32>
    %mul3A_137 = vector.broadcast %mul3A_133 : vector<2000x1xf32> to vector<2000x128xf32>
    %mul3A_138 = arith.mulf %mul3A_137, %select_n3A_110 : vector<2000x128xf32>
    %div3A_139 = vector.broadcast %max3A_118 : vector<2000x1xf32> to vector<2000x128xf32>
    %div3A_140 = arith.divf %mul3A_138, %div3A_139 : vector<2000x128xf32>
    %broadcast_in_dim3A_141 = vector.shape_cast %ge3A_136 : vector<1x128xi1> to vector<1x128xi1>
    %broadcast_in_dim3A_142 = vector.broadcast %broadcast_in_dim3A_141 : vector<1x128xi1> to vector<2000x128xi1>
    %broadcast_in_dim3A_143 = vector.shape_cast %mul3A_126 : vector<2000x1xf32> to vector<2000x1xf32>
    %broadcast_in_dim3A_144 = vector.broadcast %broadcast_in_dim3A_143 : vector<2000x1xf32> to vector<2000x128xf32>
    %select_n3A_145 = arith.select %broadcast_in_dim3A_142, %div3A_140, %broadcast_in_dim3A_144 : vector<2000x128xi1>, vector<2000x128xf32>
    %iota3A_146 = tpu.iota {dimensions = array<i32: 1>} : vector<1x128xi32>
    %ge3A_147 = arith.constant 1 : i32
    %ge3A_148 = vector.broadcast %ge3A_147 : i32 to vector<1x128xi32>
    %ge3A_149 = arith.cmpi sge, %iota3A_146, %ge3A_148 : vector<1x128xi32>
    %jit3A_150 = arith.constant 0.000000e+00 : f32
    %broadcast_in_dim3A_151 = vector.shape_cast %ge3A_149 : vector<1x128xi1> to vector<1x128xi1>
    %broadcast_in_dim3A_152 = vector.broadcast %broadcast_in_dim3A_151 : vector<1x128xi1> to vector<2000x128xi1>
    %broadcast_in_dim3A_153 = vector.broadcast %jit3A_150 : f32 to vector<2000x128xf32>
    %select_n3A_154 = arith.select %broadcast_in_dim3A_152, %select_n3A_145, %broadcast_in_dim3A_153 : vector<2000x128xi1>, vector<2000x128xf32>
    %mul3A_155 = arith.mulf %select_n3A_154, %select_n3A_154 : vector<2000x128xf32>
    %reduce_sum3A_156 = arith.constant dense<0.000000e+00> : vector<2000xf32>
    %reduce_sum3A_157 = vector.multi_reduction <add>, %mul3A_155, %reduce_sum3A_156 [1] : vector<2000x128xf32> to vector<2000xf32>
    %broadcast_in_dim3A_158 = vector.shape_cast %reduce_sum3A_157 : vector<2000xf32> to vector<2000x1xf32>
    %sqrt3A_159 = math.sqrt %broadcast_in_dim3A_158 : vector<2000x1xf32>
    %max3A_160 = arith.constant 1.000000e-15 : f32
    %max3A_161 = vector.broadcast %max3A_160 : f32 to vector<2000x1xf32>
    %max3A_162 = arith.maximumf %sqrt3A_159, %max3A_161 : vector<2000x1xf32>
    %slice3A_163 = vector.extract_strided_slice %select_n3A_145 {offsets = [0, 0], sizes = [2000, 1], strides = [1, 1]} : vector<2000x128xf32> to vector<2000x1xf32>
    %max3A_164 = arith.constant 1.00000012 : f32
    %max3A_165 = vector.broadcast %max3A_164 : f32 to vector<2000x1xf32>
    %max3A_166 = arith.maximumf %slice3A_163, %max3A_165 : vector<2000x1xf32>
    %ge3A_167 = arith.constant 1 : i32
    %ge3A_168 = vector.broadcast %ge3A_167 : i32 to vector<1x128xi32>
    %ge3A_169 = arith.cmpi sge, %iota3A_146, %ge3A_168 : vector<1x128xi32>
    %mul3A_170 = arith.mulf %max3A_166, %max3A_166 : vector<2000x1xf32>
    %sub3A_171 = arith.constant 1.000000e+00 : f32
    %sub3A_172 = vector.broadcast %sub3A_171 : f32 to vector<2000x1xf32>
    %sub3A_173 = arith.subf %mul3A_170, %sub3A_172 : vector<2000x1xf32>
    %max3A_174 = arith.constant 1.000000e-15 : f32
    %max3A_175 = vector.broadcast %max3A_174 : f32 to vector<2000x1xf32>
    %max3A_176 = arith.maximumf %sub3A_173, %max3A_175 : vector<2000x1xf32>
    %sqrt3A_177 = math.sqrt %max3A_176 : vector<2000x1xf32>
    %add3A_178 = arith.addf %max3A_166, %sqrt3A_177 : vector<2000x1xf32>
    %log3A_179 = math.log %add3A_178 : vector<2000x1xf32>
    %mul3A_180 = vector.broadcast %log3A_179 : vector<2000x1xf32> to vector<2000x128xf32>
    %mul3A_181 = arith.mulf %mul3A_180, %select_n3A_154 : vector<2000x128xf32>
    %div3A_182 = vector.broadcast %max3A_162 : vector<2000x1xf32> to vector<2000x128xf32>
    %div3A_183 = arith.divf %mul3A_181, %div3A_182 : vector<2000x128xf32>
    %jit3A_184 = arith.constant 0.000000e+00 : f32
    %broadcast_in_dim3A_185 = vector.shape_cast %ge3A_169 : vector<1x128xi1> to vector<1x128xi1>
    %broadcast_in_dim3A_186 = vector.broadcast %broadcast_in_dim3A_185 : vector<1x128xi1> to vector<2000x128xi1>
    %broadcast_in_dim3A_187 = vector.broadcast %jit3A_184 : f32 to vector<2000x128xf32>
    %select_n3A_188 = arith.select %broadcast_in_dim3A_186, %div3A_183, %broadcast_in_dim3A_187 : vector<2000x128xi1>, vector<2000x128xf32>
    %max3A_189 = arith.constant 0.000000e+00 : f32
    %max3A_190 = vector.broadcast %max3A_189 : f32 to vector<2000x128xf32>
    %max3A_191 = arith.maximumf %select_n3A_188, %max3A_190 : vector<2000x128xf32>
    %iota3A_192 = tpu.iota {dimensions = array<i32: 1>} : vector<1x128xi32>
    %ge3A_193 = arith.constant 1 : i32
    %ge3A_194 = vector.broadcast %ge3A_193 : i32 to vector<1x128xi32>
    %ge3A_195 = arith.cmpi sge, %iota3A_192, %ge3A_194 : vector<1x128xi32>
    %jit3A_196 = arith.constant 0.000000e+00 : f32
    %broadcast_in_dim3A_197 = vector.shape_cast %ge3A_195 : vector<1x128xi1> to vector<1x128xi1>
    %broadcast_in_dim3A_198 = vector.broadcast %broadcast_in_dim3A_197 : vector<1x128xi1> to vector<2000x128xi1>
    %broadcast_in_dim3A_199 = vector.broadcast %jit3A_196 : f32 to vector<2000x128xf32>
    %select_n3A_200 = arith.select %broadcast_in_dim3A_198, %max3A_191, %broadcast_in_dim3A_199 : vector<2000x128xi1>, vector<2000x128xf32>
    %mul3A_201 = arith.mulf %select_n3A_200, %select_n3A_200 : vector<2000x128xf32>
    %reduce_sum3A_202 = arith.constant dense<0.000000e+00> : vector<2000xf32>
    %reduce_sum3A_203 = vector.multi_reduction <add>, %mul3A_201, %reduce_sum3A_202 [1] : vector<2000x128xf32> to vector<2000xf32>
    %broadcast_in_dim3A_204 = vector.shape_cast %reduce_sum3A_203 : vector<2000xf32> to vector<2000x1xf32>
    %sqrt3A_205 = math.sqrt %broadcast_in_dim3A_204 : vector<2000x1xf32>
    %max3A_206 = arith.constant 1.000000e-15 : f32
    %max3A_207 = vector.broadcast %max3A_206 : f32 to vector<2000x1xf32>
    %max3A_208 = arith.maximumf %sqrt3A_205, %max3A_207 : vector<2000x1xf32>
    %exp3A_209 = math.exp %max3A_208 : vector<2000x1xf32>
    %div3A_210 = arith.constant 1.000000e+00 : f32
    %div3A_211 = vector.broadcast %div3A_210 : f32 to vector<2000x1xf32>
    %div3A_212 = arith.divf %div3A_211, %exp3A_209 : vector<2000x1xf32>
    %add3A_213 = arith.addf %exp3A_209, %div3A_212 : vector<2000x1xf32>
    %mul3A_214 = arith.constant 5.000000e-01 : f32
    %mul3A_215 = vector.broadcast %mul3A_214 : f32 to vector<2000x1xf32>
    %mul3A_216 = arith.mulf %mul3A_215, %add3A_213 : vector<2000x1xf32>
    %div3A_217 = arith.constant 1.000000e+00 : f32
    %div3A_218 = vector.broadcast %div3A_217 : f32 to vector<2000x1xf32>
    %div3A_219 = arith.divf %div3A_218, %exp3A_209 : vector<2000x1xf32>
    %sub3A_220 = arith.subf %exp3A_209, %div3A_219 : vector<2000x1xf32>
    %mul3A_221 = arith.constant 5.000000e-01 : f32
    %mul3A_222 = vector.broadcast %mul3A_221 : f32 to vector<2000x1xf32>
    %mul3A_223 = arith.mulf %mul3A_222, %sub3A_220 : vector<2000x1xf32>
    %ge3A_224 = arith.constant 1 : i32
    %ge3A_225 = vector.broadcast %ge3A_224 : i32 to vector<1x128xi32>
    %ge3A_226 = arith.cmpi sge, %iota3A_192, %ge3A_225 : vector<1x128xi32>
    %mul3A_227 = vector.broadcast %mul3A_223 : vector<2000x1xf32> to vector<2000x128xf32>
    %mul3A_228 = arith.mulf %mul3A_227, %select_n3A_200 : vector<2000x128xf32>
    %div3A_229 = vector.broadcast %max3A_208 : vector<2000x1xf32> to vector<2000x128xf32>
    %div3A_230 = arith.divf %mul3A_228, %div3A_229 : vector<2000x128xf32>
    %broadcast_in_dim3A_231 = vector.shape_cast %ge3A_226 : vector<1x128xi1> to vector<1x128xi1>
    %broadcast_in_dim3A_232 = vector.broadcast %broadcast_in_dim3A_231 : vector<1x128xi1> to vector<2000x128xi1>
    %broadcast_in_dim3A_233 = vector.shape_cast %mul3A_216 : vector<2000x1xf32> to vector<2000x1xf32>
    %broadcast_in_dim3A_234 = vector.broadcast %broadcast_in_dim3A_233 : vector<2000x1xf32> to vector<2000x128xf32>
    %select_n3A_235 = arith.select %broadcast_in_dim3A_232, %div3A_230, %broadcast_in_dim3A_234 : vector<2000x128xi1>, vector<2000x128xf32>
    %iota3A_236 = tpu.iota {dimensions = array<i32: 1>} : vector<1x128xi32>
    %ge3A_237 = arith.constant 1 : i32
    %ge3A_238 = vector.broadcast %ge3A_237 : i32 to vector<1x128xi32>
    %ge3A_239 = arith.cmpi sge, %iota3A_236, %ge3A_238 : vector<1x128xi32>
    %jit3A_240 = arith.constant 0.000000e+00 : f32
    %broadcast_in_dim3A_241 = vector.shape_cast %ge3A_239 : vector<1x128xi1> to vector<1x128xi1>
    %broadcast_in_dim3A_242 = vector.broadcast %broadcast_in_dim3A_241 : vector<1x128xi1> to vector<2000x128xi1>
    %broadcast_in_dim3A_243 = vector.broadcast %jit3A_240 : f32 to vector<2000x128xf32>
    %select_n3A_244 = arith.select %broadcast_in_dim3A_242, %select_n3A_235, %broadcast_in_dim3A_243 : vector<2000x128xi1>, vector<2000x128xf32>
    %mul3A_245 = arith.mulf %select_n3A_244, %select_n3A_244 : vector<2000x128xf32>
    %reduce_sum3A_246 = arith.constant dense<0.000000e+00> : vector<2000xf32>
    %reduce_sum3A_247 = vector.multi_reduction <add>, %mul3A_245, %reduce_sum3A_246 [1] : vector<2000x128xf32> to vector<2000xf32>
    %broadcast_in_dim3A_248 = vector.shape_cast %reduce_sum3A_247 : vector<2000xf32> to vector<2000x1xf32>
    %sqrt3A_249 = math.sqrt %broadcast_in_dim3A_248 : vector<2000x1xf32>
    %max3A_250 = arith.constant 1.000000e-15 : f32
    %max3A_251 = vector.broadcast %max3A_250 : f32 to vector<2000x1xf32>
    %max3A_252 = arith.maximumf %sqrt3A_249, %max3A_251 : vector<2000x1xf32>
    %slice3A_253 = vector.extract_strided_slice %select_n3A_235 {offsets = [0, 0], sizes = [2000, 1], strides = [1, 1]} : vector<2000x128xf32> to vector<2000x1xf32>
    %max3A_254 = arith.constant 1.00000012 : f32
    %max3A_255 = vector.broadcast %max3A_254 : f32 to vector<2000x1xf32>
    %max3A_256 = arith.maximumf %slice3A_253, %max3A_255 : vector<2000x1xf32>
    %ge3A_257 = arith.constant 1 : i32
    %ge3A_258 = vector.broadcast %ge3A_257 : i32 to vector<1x128xi32>
    %ge3A_259 = arith.cmpi sge, %iota3A_236, %ge3A_258 : vector<1x128xi32>
    %mul3A_260 = arith.mulf %max3A_256, %max3A_256 : vector<2000x1xf32>
    %sub3A_261 = arith.constant 1.000000e+00 : f32
    %sub3A_262 = vector.broadcast %sub3A_261 : f32 to vector<2000x1xf32>
    %sub3A_263 = arith.subf %mul3A_260, %sub3A_262 : vector<2000x1xf32>
    %max3A_264 = arith.constant 1.000000e-15 : f32
    %max3A_265 = vector.broadcast %max3A_264 : f32 to vector<2000x1xf32>
    %max3A_266 = arith.maximumf %sub3A_263, %max3A_265 : vector<2000x1xf32>
    %sqrt3A_267 = math.sqrt %max3A_266 : vector<2000x1xf32>
    %add3A_268 = arith.addf %max3A_256, %sqrt3A_267 : vector<2000x1xf32>
    %log3A_269 = math.log %add3A_268 : vector<2000x1xf32>
    %mul3A_270 = vector.broadcast %log3A_269 : vector<2000x1xf32> to vector<2000x128xf32>
    %mul3A_271 = arith.mulf %mul3A_270, %select_n3A_244 : vector<2000x128xf32>
    %div3A_272 = vector.broadcast %max3A_252 : vector<2000x1xf32> to vector<2000x128xf32>
    %div3A_273 = arith.divf %mul3A_271, %div3A_272 : vector<2000x128xf32>
    %jit3A_274 = arith.constant 0.000000e+00 : f32
    %broadcast_in_dim3A_275 = vector.shape_cast %ge3A_259 : vector<1x128xi1> to vector<1x128xi1>
    %broadcast_in_dim3A_276 = vector.broadcast %broadcast_in_dim3A_275 : vector<1x128xi1> to vector<2000x128xi1>
    %broadcast_in_dim3A_277 = vector.broadcast %jit3A_274 : f32 to vector<2000x128xf32>
    %select_n3A_278 = arith.select %broadcast_in_dim3A_276, %div3A_273, %broadcast_in_dim3A_277 : vector<2000x128xi1>, vector<2000x128xf32>
    %get3A_279 = arith.constant 0 : index
    %get3A_280 = arith.constant 0 : index
    %get3A_281 = vector.load %arg6[%get3A_279, %get3A_280] : memref<128x128xf32, #tpu.memory_space<vmem>>, vector<128x128xf32>
    %dot_general3A_282 = arith.constant dense<0.000000e+00> : vector<2000x128xf32>
    %dot_general3A_283 = tpu.matmul %select_n3A_278, %get3A_281, %dot_general3A_282 {dimension_numbers = #tpu.dot_dimension_numbers<[1], [0], [0], [1], [0, 0, 1, 1], [], []>, transpose_lhs_hint = false} : vector<2000x128xf32>, vector<128x128xf32>, vector<2000x128xf32> -> vector<2000x128xf32>
    %get3A_284 = arith.constant 0 : index
    %get3A_285 = arith.constant 0 : index
    %get3A_286 = vector.load %arg7[%get3A_284, %get3A_285] : memref<1x128xf32, #tpu.memory_space<vmem>>, vector<1x128xf32>
    %add3A_287 = vector.broadcast %get3A_286 : vector<1x128xf32> to vector<2000x128xf32>
    %add3A_288 = arith.addf %dot_general3A_283, %add3A_287 : vector<2000x128xf32>
    %iota3A_289 = tpu.iota {dimensions = array<i32: 1>} : vector<1x128xi32>
    %ge3A_290 = arith.constant 1 : i32
    %ge3A_291 = vector.broadcast %ge3A_290 : i32 to vector<1x128xi32>
    %ge3A_292 = arith.cmpi sge, %iota3A_289, %ge3A_291 : vector<1x128xi32>
    %jit3A_293 = arith.constant 0.000000e+00 : f32
    %broadcast_in_dim3A_294 = vector.shape_cast %ge3A_292 : vector<1x128xi1> to vector<1x128xi1>
    %broadcast_in_dim3A_295 = vector.broadcast %broadcast_in_dim3A_294 : vector<1x128xi1> to vector<2000x128xi1>
    %broadcast_in_dim3A_296 = vector.broadcast %jit3A_293 : f32 to vector<2000x128xf32>
    %select_n3A_297 = arith.select %broadcast_in_dim3A_295, %add3A_288, %broadcast_in_dim3A_296 : vector<2000x128xi1>, vector<2000x128xf32>
    %mul3A_298 = arith.mulf %select_n3A_297, %select_n3A_297 : vector<2000x128xf32>
    %reduce_sum3A_299 = arith.constant dense<0.000000e+00> : vector<2000xf32>
    %reduce_sum3A_300 = vector.multi_reduction <add>, %mul3A_298, %reduce_sum3A_299 [1] : vector<2000x128xf32> to vector<2000xf32>
    %broadcast_in_dim3A_301 = vector.shape_cast %reduce_sum3A_300 : vector<2000xf32> to vector<2000x1xf32>
    %sqrt3A_302 = math.sqrt %broadcast_in_dim3A_301 : vector<2000x1xf32>
    %max3A_303 = arith.constant 1.000000e-15 : f32
    %max3A_304 = vector.broadcast %max3A_303 : f32 to vector<2000x1xf32>
    %max3A_305 = arith.maximumf %sqrt3A_302, %max3A_304 : vector<2000x1xf32>
    %exp3A_306 = math.exp %max3A_305 : vector<2000x1xf32>
    %div3A_307 = arith.constant 1.000000e+00 : f32
    %div3A_308 = vector.broadcast %div3A_307 : f32 to vector<2000x1xf32>
    %div3A_309 = arith.divf %div3A_308, %exp3A_306 : vector<2000x1xf32>
    %add3A_310 = arith.addf %exp3A_306, %div3A_309 : vector<2000x1xf32>
    %mul3A_311 = arith.constant 5.000000e-01 : f32
    %mul3A_312 = vector.broadcast %mul3A_311 : f32 to vector<2000x1xf32>
    %mul3A_313 = arith.mulf %mul3A_312, %add3A_310 : vector<2000x1xf32>
    %div3A_314 = arith.constant 1.000000e+00 : f32
    %div3A_315 = vector.broadcast %div3A_314 : f32 to vector<2000x1xf32>
    %div3A_316 = arith.divf %div3A_315, %exp3A_306 : vector<2000x1xf32>
    %sub3A_317 = arith.subf %exp3A_306, %div3A_316 : vector<2000x1xf32>
    %mul3A_318 = arith.constant 5.000000e-01 : f32
    %mul3A_319 = vector.broadcast %mul3A_318 : f32 to vector<2000x1xf32>
    %mul3A_320 = arith.mulf %mul3A_319, %sub3A_317 : vector<2000x1xf32>
    %ge3A_321 = arith.constant 1 : i32
    %ge3A_322 = vector.broadcast %ge3A_321 : i32 to vector<1x128xi32>
    %ge3A_323 = arith.cmpi sge, %iota3A_289, %ge3A_322 : vector<1x128xi32>
    %mul3A_324 = vector.broadcast %mul3A_320 : vector<2000x1xf32> to vector<2000x128xf32>
    %mul3A_325 = arith.mulf %mul3A_324, %select_n3A_297 : vector<2000x128xf32>
    %div3A_326 = vector.broadcast %max3A_305 : vector<2000x1xf32> to vector<2000x128xf32>
    %div3A_327 = arith.divf %mul3A_325, %div3A_326 : vector<2000x128xf32>
    %broadcast_in_dim3A_328 = vector.shape_cast %ge3A_323 : vector<1x128xi1> to vector<1x128xi1>
    %broadcast_in_dim3A_329 = vector.broadcast %broadcast_in_dim3A_328 : vector<1x128xi1> to vector<2000x128xi1>
    %broadcast_in_dim3A_330 = vector.shape_cast %mul3A_313 : vector<2000x1xf32> to vector<2000x1xf32>
    %broadcast_in_dim3A_331 = vector.broadcast %broadcast_in_dim3A_330 : vector<2000x1xf32> to vector<2000x128xf32>
    %select_n3A_332 = arith.select %broadcast_in_dim3A_329, %div3A_327, %broadcast_in_dim3A_331 : vector<2000x128xi1>, vector<2000x128xf32>
    %iota3A_333 = tpu.iota {dimensions = array<i32: 1>} : vector<1x128xi32>
    %ge3A_334 = arith.constant 1 : i32
    %ge3A_335 = vector.broadcast %ge3A_334 : i32 to vector<1x128xi32>
    %ge3A_336 = arith.cmpi sge, %iota3A_333, %ge3A_335 : vector<1x128xi32>
    %jit3A_337 = arith.constant 0.000000e+00 : f32
    %broadcast_in_dim3A_338 = vector.shape_cast %ge3A_336 : vector<1x128xi1> to vector<1x128xi1>
    %broadcast_in_dim3A_339 = vector.broadcast %broadcast_in_dim3A_338 : vector<1x128xi1> to vector<2000x128xi1>
    %broadcast_in_dim3A_340 = vector.broadcast %jit3A_337 : f32 to vector<2000x128xf32>
    %select_n3A_341 = arith.select %broadcast_in_dim3A_339, %select_n3A_332, %broadcast_in_dim3A_340 : vector<2000x128xi1>, vector<2000x128xf32>
    %mul3A_342 = arith.mulf %select_n3A_341, %select_n3A_341 : vector<2000x128xf32>
    %reduce_sum3A_343 = arith.constant dense<0.000000e+00> : vector<2000xf32>
    %reduce_sum3A_344 = vector.multi_reduction <add>, %mul3A_342, %reduce_sum3A_343 [1] : vector<2000x128xf32> to vector<2000xf32>
    %broadcast_in_dim3A_345 = vector.shape_cast %reduce_sum3A_344 : vector<2000xf32> to vector<2000x1xf32>
    %sqrt3A_346 = math.sqrt %broadcast_in_dim3A_345 : vector<2000x1xf32>
    %max3A_347 = arith.constant 1.000000e-15 : f32
    %max3A_348 = vector.broadcast %max3A_347 : f32 to vector<2000x1xf32>
    %max3A_349 = arith.maximumf %sqrt3A_346, %max3A_348 : vector<2000x1xf32>
    %slice3A_350 = vector.extract_strided_slice %select_n3A_332 {offsets = [0, 0], sizes = [2000, 1], strides = [1, 1]} : vector<2000x128xf32> to vector<2000x1xf32>
    %max3A_351 = arith.constant 1.00000012 : f32
    %max3A_352 = vector.broadcast %max3A_351 : f32 to vector<2000x1xf32>
    %max3A_353 = arith.maximumf %slice3A_350, %max3A_352 : vector<2000x1xf32>
    %ge3A_354 = arith.constant 1 : i32
    %ge3A_355 = vector.broadcast %ge3A_354 : i32 to vector<1x128xi32>
    %ge3A_356 = arith.cmpi sge, %iota3A_333, %ge3A_355 : vector<1x128xi32>
    %mul3A_357 = arith.mulf %max3A_353, %max3A_353 : vector<2000x1xf32>
    %sub3A_358 = arith.constant 1.000000e+00 : f32
    %sub3A_359 = vector.broadcast %sub3A_358 : f32 to vector<2000x1xf32>
    %sub3A_360 = arith.subf %mul3A_357, %sub3A_359 : vector<2000x1xf32>
    %max3A_361 = arith.constant 1.000000e-15 : f32
    %max3A_362 = vector.broadcast %max3A_361 : f32 to vector<2000x1xf32>
    %max3A_363 = arith.maximumf %sub3A_360, %max3A_362 : vector<2000x1xf32>
    %sqrt3A_364 = math.sqrt %max3A_363 : vector<2000x1xf32>
    %add3A_365 = arith.addf %max3A_353, %sqrt3A_364 : vector<2000x1xf32>
    %log3A_366 = math.log %add3A_365 : vector<2000x1xf32>
    %mul3A_367 = vector.broadcast %log3A_366 : vector<2000x1xf32> to vector<2000x128xf32>
    %mul3A_368 = arith.mulf %mul3A_367, %select_n3A_341 : vector<2000x128xf32>
    %div3A_369 = vector.broadcast %max3A_349 : vector<2000x1xf32> to vector<2000x128xf32>
    %div3A_370 = arith.divf %mul3A_368, %div3A_369 : vector<2000x128xf32>
    %jit3A_371 = arith.constant 0.000000e+00 : f32
    %broadcast_in_dim3A_372 = vector.shape_cast %ge3A_356 : vector<1x128xi1> to vector<1x128xi1>
    %broadcast_in_dim3A_373 = vector.broadcast %broadcast_in_dim3A_372 : vector<1x128xi1> to vector<2000x128xi1>
    %broadcast_in_dim3A_374 = vector.broadcast %jit3A_371 : f32 to vector<2000x128xf32>
    %select_n3A_375 = arith.select %broadcast_in_dim3A_373, %div3A_370, %broadcast_in_dim3A_374 : vector<2000x128xi1>, vector<2000x128xf32>
    %max3A_376 = arith.constant 0.000000e+00 : f32
    %max3A_377 = vector.broadcast %max3A_376 : f32 to vector<2000x128xf32>
    %max3A_378 = arith.maximumf %select_n3A_375, %max3A_377 : vector<2000x128xf32>
    %iota3A_379 = tpu.iota {dimensions = array<i32: 1>} : vector<1x128xi32>
    %ge3A_380 = arith.constant 1 : i32
    %ge3A_381 = vector.broadcast %ge3A_380 : i32 to vector<1x128xi32>
    %ge3A_382 = arith.cmpi sge, %iota3A_379, %ge3A_381 : vector<1x128xi32>
    %jit3A_383 = arith.constant 0.000000e+00 : f32
    %broadcast_in_dim3A_384 = vector.shape_cast %ge3A_382 : vector<1x128xi1> to vector<1x128xi1>
    %broadcast_in_dim3A_385 = vector.broadcast %broadcast_in_dim3A_384 : vector<1x128xi1> to vector<2000x128xi1>
    %broadcast_in_dim3A_386 = vector.broadcast %jit3A_383 : f32 to vector<2000x128xf32>
    %select_n3A_387 = arith.select %broadcast_in_dim3A_385, %max3A_378, %broadcast_in_dim3A_386 : vector<2000x128xi1>, vector<2000x128xf32>
    %mul3A_388 = arith.mulf %select_n3A_387, %select_n3A_387 : vector<2000x128xf32>
    %reduce_sum3A_389 = arith.constant dense<0.000000e+00> : vector<2000xf32>
    %reduce_sum3A_390 = vector.multi_reduction <add>, %mul3A_388, %reduce_sum3A_389 [1] : vector<2000x128xf32> to vector<2000xf32>
    %broadcast_in_dim3A_391 = vector.shape_cast %reduce_sum3A_390 : vector<2000xf32> to vector<2000x1xf32>
    %sqrt3A_392 = math.sqrt %broadcast_in_dim3A_391 : vector<2000x1xf32>
    %max3A_393 = arith.constant 1.000000e-15 : f32
    %max3A_394 = vector.broadcast %max3A_393 : f32 to vector<2000x1xf32>
    %max3A_395 = arith.maximumf %sqrt3A_392, %max3A_394 : vector<2000x1xf32>
    %exp3A_396 = math.exp %max3A_395 : vector<2000x1xf32>
    %div3A_397 = arith.constant 1.000000e+00 : f32
    %div3A_398 = vector.broadcast %div3A_397 : f32 to vector<2000x1xf32>
    %div3A_399 = arith.divf %div3A_398, %exp3A_396 : vector<2000x1xf32>
    %add3A_400 = arith.addf %exp3A_396, %div3A_399 : vector<2000x1xf32>
    %mul3A_401 = arith.constant 5.000000e-01 : f32
    %mul3A_402 = vector.broadcast %mul3A_401 : f32 to vector<2000x1xf32>
    %mul3A_403 = arith.mulf %mul3A_402, %add3A_400 : vector<2000x1xf32>
    %div3A_404 = arith.constant 1.000000e+00 : f32
    %div3A_405 = vector.broadcast %div3A_404 : f32 to vector<2000x1xf32>
    %div3A_406 = arith.divf %div3A_405, %exp3A_396 : vector<2000x1xf32>
    %sub3A_407 = arith.subf %exp3A_396, %div3A_406 : vector<2000x1xf32>
    %mul3A_408 = arith.constant 5.000000e-01 : f32
    %mul3A_409 = vector.broadcast %mul3A_408 : f32 to vector<2000x1xf32>
    %mul3A_410 = arith.mulf %mul3A_409, %sub3A_407 : vector<2000x1xf32>
    %ge3A_411 = arith.constant 1 : i32
    %ge3A_412 = vector.broadcast %ge3A_411 : i32 to vector<1x128xi32>
    %ge3A_413 = arith.cmpi sge, %iota3A_379, %ge3A_412 : vector<1x128xi32>
    %mul3A_414 = vector.broadcast %mul3A_410 : vector<2000x1xf32> to vector<2000x128xf32>
    %mul3A_415 = arith.mulf %mul3A_414, %select_n3A_387 : vector<2000x128xf32>
    %div3A_416 = vector.broadcast %max3A_395 : vector<2000x1xf32> to vector<2000x128xf32>
    %div3A_417 = arith.divf %mul3A_415, %div3A_416 : vector<2000x128xf32>
    %broadcast_in_dim3A_418 = vector.shape_cast %ge3A_413 : vector<1x128xi1> to vector<1x128xi1>
    %broadcast_in_dim3A_419 = vector.broadcast %broadcast_in_dim3A_418 : vector<1x128xi1> to vector<2000x128xi1>
    %broadcast_in_dim3A_420 = vector.shape_cast %mul3A_403 : vector<2000x1xf32> to vector<2000x1xf32>
    %broadcast_in_dim3A_421 = vector.broadcast %broadcast_in_dim3A_420 : vector<2000x1xf32> to vector<2000x128xf32>
    %select_n3A_422 = arith.select %broadcast_in_dim3A_419, %div3A_417, %broadcast_in_dim3A_421 : vector<2000x128xi1>, vector<2000x128xf32>
    %iota3A_423 = tpu.iota {dimensions = array<i32: 1>} : vector<1x128xi32>
    %ge3A_424 = arith.constant 1 : i32
    %ge3A_425 = vector.broadcast %ge3A_424 : i32 to vector<1x128xi32>
    %ge3A_426 = arith.cmpi sge, %iota3A_423, %ge3A_425 : vector<1x128xi32>
    %jit3A_427 = arith.constant 0.000000e+00 : f32
    %broadcast_in_dim3A_428 = vector.shape_cast %ge3A_426 : vector<1x128xi1> to vector<1x128xi1>
    %broadcast_in_dim3A_429 = vector.broadcast %broadcast_in_dim3A_428 : vector<1x128xi1> to vector<2000x128xi1>
    %broadcast_in_dim3A_430 = vector.broadcast %jit3A_427 : f32 to vector<2000x128xf32>
    %select_n3A_431 = arith.select %broadcast_in_dim3A_429, %select_n3A_422, %broadcast_in_dim3A_430 : vector<2000x128xi1>, vector<2000x128xf32>
    %mul3A_432 = arith.mulf %select_n3A_431, %select_n3A_431 : vector<2000x128xf32>
    %reduce_sum3A_433 = arith.constant dense<0.000000e+00> : vector<2000xf32>
    %reduce_sum3A_434 = vector.multi_reduction <add>, %mul3A_432, %reduce_sum3A_433 [1] : vector<2000x128xf32> to vector<2000xf32>
    %broadcast_in_dim3A_435 = vector.shape_cast %reduce_sum3A_434 : vector<2000xf32> to vector<2000x1xf32>
    %sqrt3A_436 = math.sqrt %broadcast_in_dim3A_435 : vector<2000x1xf32>
    %max3A_437 = arith.constant 1.000000e-15 : f32
    %max3A_438 = vector.broadcast %max3A_437 : f32 to vector<2000x1xf32>
    %max3A_439 = arith.maximumf %sqrt3A_436, %max3A_438 : vector<2000x1xf32>
    %slice3A_440 = vector.extract_strided_slice %select_n3A_422 {offsets = [0, 0], sizes = [2000, 1], strides = [1, 1]} : vector<2000x128xf32> to vector<2000x1xf32>
    %max3A_441 = arith.constant 1.00000012 : f32
    %max3A_442 = vector.broadcast %max3A_441 : f32 to vector<2000x1xf32>
    %max3A_443 = arith.maximumf %slice3A_440, %max3A_442 : vector<2000x1xf32>
    %ge3A_444 = arith.constant 1 : i32
    %ge3A_445 = vector.broadcast %ge3A_444 : i32 to vector<1x128xi32>
    %ge3A_446 = arith.cmpi sge, %iota3A_423, %ge3A_445 : vector<1x128xi32>
    %mul3A_447 = arith.mulf %max3A_443, %max3A_443 : vector<2000x1xf32>
    %sub3A_448 = arith.constant 1.000000e+00 : f32
    %sub3A_449 = vector.broadcast %sub3A_448 : f32 to vector<2000x1xf32>
    %sub3A_450 = arith.subf %mul3A_447, %sub3A_449 : vector<2000x1xf32>
    %max3A_451 = arith.constant 1.000000e-15 : f32
    %max3A_452 = vector.broadcast %max3A_451 : f32 to vector<2000x1xf32>
    %max3A_453 = arith.maximumf %sub3A_450, %max3A_452 : vector<2000x1xf32>
    %sqrt3A_454 = math.sqrt %max3A_453 : vector<2000x1xf32>
    %add3A_455 = arith.addf %max3A_443, %sqrt3A_454 : vector<2000x1xf32>
    %log3A_456 = math.log %add3A_455 : vector<2000x1xf32>
    %mul3A_457 = vector.broadcast %log3A_456 : vector<2000x1xf32> to vector<2000x128xf32>
    %mul3A_458 = arith.mulf %mul3A_457, %select_n3A_431 : vector<2000x128xf32>
    %div3A_459 = vector.broadcast %max3A_439 : vector<2000x1xf32> to vector<2000x128xf32>
    %div3A_460 = arith.divf %mul3A_458, %div3A_459 : vector<2000x128xf32>
    %jit3A_461 = arith.constant 0.000000e+00 : f32
    %broadcast_in_dim3A_462 = vector.shape_cast %ge3A_446 : vector<1x128xi1> to vector<1x128xi1>
    %broadcast_in_dim3A_463 = vector.broadcast %broadcast_in_dim3A_462 : vector<1x128xi1> to vector<2000x128xi1>
    %broadcast_in_dim3A_464 = vector.broadcast %jit3A_461 : f32 to vector<2000x128xf32>
    %select_n3A_465 = arith.select %broadcast_in_dim3A_463, %div3A_460, %broadcast_in_dim3A_464 : vector<2000x128xi1>, vector<2000x128xf32>
    %get3A_466 = arith.constant 0 : index
    %get3A_467 = arith.constant 0 : index
    %get3A_468 = arith.constant 0 : index
    %get3A_469 = vector.load %arg3[%get3A_466, %get3A_467, %get3A_468] : memref<1x1x2000xi32, #tpu.memory_space<vmem>>, vector<1x1x2000xi32>
    %get3A_470 = vector.shape_cast %get3A_469 : vector<1x1x2000xi32> to vector<1x2000xi32>
    %iota3A_471 = tpu.iota {dimensions = array<i32: 0>} : vector<128x1xi32>
    %eq3A = vector.broadcast %iota3A_471 : vector<128x1xi32> to vector<128x2000xi32>
    %eq3A_472 = vector.broadcast %get3A_470 : vector<1x2000xi32> to vector<128x2000xi32>
    %eq3A_473 = arith.cmpi eq, %eq3A, %eq3A_472 : vector<128x2000xi32>
    %jit3A_474 = arith.constant 1.000000e+00 : f32
    %jit3A_475 = arith.constant 0.000000e+00 : f32
    %broadcast_in_dim3A_476 = vector.broadcast %jit3A_474 : f32 to vector<128x2000xf32>
    %broadcast_in_dim3A_477 = vector.broadcast %jit3A_475 : f32 to vector<128x2000xf32>
    %select_n3A_478 = arith.select %eq3A_473, %broadcast_in_dim3A_476, %broadcast_in_dim3A_477 : vector<128x2000xi1>, vector<128x2000xf32>
    %dot_general3A_479 = arith.constant dense<0.000000e+00> : vector<128x128xf32>
    %dot_general3A_480 = tpu.matmul %select_n3A_478, %select_n3A_465, %dot_general3A_479 {dimension_numbers = #tpu.dot_dimension_numbers<[1], [0], [0], [1], [0, 0, 1, 1], [], []>, transpose_lhs_hint = false} : vector<128x2000xf32>, vector<2000x128xf32>, vector<128x128xf32> -> vector<128x128xf32>
    %eq3A_481 = arith.constant 0 : i32
    %eq3A_482 = arith.cmpi eq, %arg0, %eq3A_481 : i32
    %convert_element_type3A = arith.extui %eq3A_482 : i1 to i32
    %cond3A = arith.constant 0 : i32
    %cond3A_483 = arith.cmpi ne, %convert_element_type3A, %cond3A : i32
    scf.if %cond3A_483 {
      %swap3A = arith.constant 0 : index
      %swap3A_493 = arith.constant 0 : index
      %swap3A_494 = vector.load %arg12[%swap3A, %swap3A_493] : memref<128x128xf32, #tpu.memory_space<vmem>>, vector<128x128xf32>
      tpu.vector_store %arg12[%swap3A, %swap3A_493], %dot_general3A_480 {strides = array<i32>} : memref<128x128xf32, #tpu.memory_space<vmem>>, vector<128x128xf32>,
    } else {
    }
    %gt3A = arith.constant 0 : i32
    %gt3A_484 = arith.cmpi sgt, %arg0, %gt3A : i32
    %convert_element_type3A_485 = arith.extui %gt3A_484 : i1 to i32
    %cond3A_486 = arith.constant 0 : i32
    %cond3A_487 = arith.cmpi ne, %convert_element_type3A_485, %cond3A_486 : i32
    scf.if %cond3A_487 {
      %get3A_493 = arith.constant 0 : index
      %get3A_494 = arith.constant 0 : index
      %get3A_495 = vector.load %arg12[%get3A_493, %get3A_494] : memref<128x128xf32, #tpu.memory_space<vmem>>, vector<128x128xf32>
      %add3A_496 = arith.addf %get3A_495, %dot_general3A_480 : vector<128x128xf32>
      %swap3A = arith.constant 0 : index
      %swap3A_497 = arith.constant 0 : index
      %swap3A_498 = vector.load %arg12[%swap3A, %swap3A_497] : memref<128x128xf32, #tpu.memory_space<vmem>>, vector<128x128xf32>
      tpu.vector_store %arg12[%swap3A, %swap3A_497], %add3A_496 {strides = array<i32>} : memref<128x128xf32, #tpu.memory_space<vmem>>, vector<128x128xf32>,
    } else {
    }
    %eq3A_488 = arith.constant 4 : i32
    %eq3A_489 = arith.cmpi eq, %arg0, %eq3A_488 : i32
    %convert_element_type3A_490 = arith.extui %eq3A_489 : i1 to i32
    %cond3A_491 = arith.constant 0 : i32
    %cond3A_492 = arith.cmpi ne, %convert_element_type3A_490, %cond3A_491 : i32
    scf.if %cond3A_492 {
      %get3A_493 = arith.constant 0 : index
      %get3A_494 = arith.constant 0 : index
      %get3A_495 = vector.load %arg12[%get3A_493, %get3A_494] : memref<128x128xf32, #tpu.memory_space<vmem>>, vector<128x128xf32>
      %iota3A_496 = tpu.iota {dimensions = array<i32: 1>} : vector<1x128xi32>
      %ge3A_497 = arith.constant 1 : i32
      %ge3A_498 = vector.broadcast %ge3A_497 : i32 to vector<1x128xi32>
      %ge3A_499 = arith.cmpi sge, %iota3A_496, %ge3A_498 : vector<1x128xi32>
      %jit3A_500 = arith.constant 0.000000e+00 : f32
      %broadcast_in_dim3A_501 = vector.shape_cast %ge3A_499 : vector<1x128xi1> to vector<1x128xi1>
      %broadcast_in_dim3A_502 = vector.broadcast %broadcast_in_dim3A_501 : vector<1x128xi1> to vector<128x128xi1>
      %broadcast_in_dim3A_503 = vector.broadcast %jit3A_500 : f32 to vector<128x128xf32>
      %select_n3A_504 = arith.select %broadcast_in_dim3A_502, %get3A_495, %broadcast_in_dim3A_503 : vector<128x128xi1>, vector<128x128xf32>
      %mul3A_505 = arith.mulf %select_n3A_504, %select_n3A_504 : vector<128x128xf32>
      %reduce_sum3A_506 = arith.constant dense<0.000000e+00> : vector<128xf32>
      %reduce_sum3A_507 = vector.multi_reduction <add>, %mul3A_505, %reduce_sum3A_506 [1] : vector<128x128xf32> to vector<128xf32>
      %broadcast_in_dim3A_508 = vector.shape_cast %reduce_sum3A_507 : vector<128xf32> to vector<128x1xf32>
      %sqrt3A_509 = math.sqrt %broadcast_in_dim3A_508 : vector<128x1xf32>
      %max3A_510 = arith.constant 1.000000e-15 : f32
      %max3A_511 = vector.broadcast %max3A_510 : f32 to vector<128x1xf32>
      %max3A_512 = arith.maximumf %sqrt3A_509, %max3A_511 : vector<128x1xf32>
      %exp3A_513 = math.exp %max3A_512 : vector<128x1xf32>
      %div3A_514 = arith.constant 1.000000e+00 : f32
      %div3A_515 = vector.broadcast %div3A_514 : f32 to vector<128x1xf32>
      %div3A_516 = arith.divf %div3A_515, %exp3A_513 : vector<128x1xf32>
      %add3A_517 = arith.addf %exp3A_513, %div3A_516 : vector<128x1xf32>
      %mul3A_518 = arith.constant 5.000000e-01 : f32
      %mul3A_519 = vector.broadcast %mul3A_518 : f32 to vector<128x1xf32>
      %mul3A_520 = arith.mulf %mul3A_519, %add3A_517 : vector<128x1xf32>
      %div3A_521 = arith.constant 1.000000e+00 : f32
      %div3A_522 = vector.broadcast %div3A_521 : f32 to vector<128x1xf32>
      %div3A_523 = arith.divf %div3A_522, %exp3A_513 : vector<128x1xf32>
      %sub3A_524 = arith.subf %exp3A_513, %div3A_523 : vector<128x1xf32>
      %mul3A_525 = arith.constant 5.000000e-01 : f32
      %mul3A_526 = vector.broadcast %mul3A_525 : f32 to vector<128x1xf32>
      %mul3A_527 = arith.mulf %mul3A_526, %sub3A_524 : vector<128x1xf32>
      %ge3A_528 = arith.constant 1 : i32
      %ge3A_529 = vector.broadcast %ge3A_528 : i32 to vector<1x128xi32>
      %ge3A_530 = arith.cmpi sge, %iota3A_496, %ge3A_529 : vector<1x128xi32>
      %mul3A_531 = vector.broadcast %mul3A_527 : vector<128x1xf32> to vector<128x128xf32>
      %mul3A_532 = arith.mulf %mul3A_531, %select_n3A_504 : vector<128x128xf32>
      %div3A_533 = vector.broadcast %max3A_512 : vector<128x1xf32> to vector<128x128xf32>
      %div3A_534 = arith.divf %mul3A_532, %div3A_533 : vector<128x128xf32>
      %broadcast_in_dim3A_535 = vector.shape_cast %ge3A_530 : vector<1x128xi1> to vector<1x128xi1>
      %broadcast_in_dim3A_536 = vector.broadcast %broadcast_in_dim3A_535 : vector<1x128xi1> to vector<128x128xi1>
      %broadcast_in_dim3A_537 = vector.shape_cast %mul3A_520 : vector<128x1xf32> to vector<128x1xf32>
      %broadcast_in_dim3A_538 = vector.broadcast %broadcast_in_dim3A_537 : vector<128x1xf32> to vector<128x128xf32>
      %select_n3A_539 = arith.select %broadcast_in_dim3A_536, %div3A_534, %broadcast_in_dim3A_538 : vector<128x128xi1>, vector<128x128xf32>
      %iota3A_540 = tpu.iota {dimensions = array<i32: 1>} : vector<1x128xi32>
      %ge3A_541 = arith.constant 1 : i32
      %ge3A_542 = vector.broadcast %ge3A_541 : i32 to vector<1x128xi32>
      %ge3A_543 = arith.cmpi sge, %iota3A_540, %ge3A_542 : vector<1x128xi32>
      %jit3A_544 = arith.constant 0.000000e+00 : f32
      %broadcast_in_dim3A_545 = vector.shape_cast %ge3A_543 : vector<1x128xi1> to vector<1x128xi1>
      %broadcast_in_dim3A_546 = vector.broadcast %broadcast_in_dim3A_545 : vector<1x128xi1> to vector<128x128xi1>
      %broadcast_in_dim3A_547 = vector.broadcast %jit3A_544 : f32 to vector<128x128xf32>
      %select_n3A_548 = arith.select %broadcast_in_dim3A_546, %select_n3A_539, %broadcast_in_dim3A_547 : vector<128x128xi1>, vector<128x128xf32>
      %mul3A_549 = arith.mulf %select_n3A_548, %select_n3A_548 : vector<128x128xf32>
      %reduce_sum3A_550 = arith.constant dense<0.000000e+00> : vector<128xf32>
      %reduce_sum3A_551 = vector.multi_reduction <add>, %mul3A_549, %reduce_sum3A_550 [1] : vector<128x128xf32> to vector<128xf32>
      %broadcast_in_dim3A_552 = vector.shape_cast %reduce_sum3A_551 : vector<128xf32> to vector<128x1xf32>
      %sqrt3A_553 = math.sqrt %broadcast_in_dim3A_552 : vector<128x1xf32>
      %max3A_554 = arith.constant 1.000000e-15 : f32
      %max3A_555 = vector.broadcast %max3A_554 : f32 to vector<128x1xf32>
      %max3A_556 = arith.maximumf %sqrt3A_553, %max3A_555 : vector<128x1xf32>
      %slice3A_557 = vector.extract_strided_slice %select_n3A_539 {offsets = [0, 0], sizes = [128, 1], strides = [1, 1]} : vector<128x128xf32> to vector<128x1xf32>
      %max3A_558 = arith.constant 1.00000012 : f32
      %max3A_559 = vector.broadcast %max3A_558 : f32 to vector<128x1xf32>
      %max3A_560 = arith.maximumf %slice3A_557, %max3A_559 : vector<128x1xf32>
      %ge3A_561 = arith.constant 1 : i32
      %ge3A_562 = vector.broadcast %ge3A_561 : i32 to vector<1x128xi32>
      %ge3A_563 = arith.cmpi sge, %iota3A_540, %ge3A_562 : vector<1x128xi32>
      %mul3A_564 = arith.mulf %max3A_560, %max3A_560 : vector<128x1xf32>
      %sub3A_565 = arith.constant 1.000000e+00 : f32
      %sub3A_566 = vector.broadcast %sub3A_565 : f32 to vector<128x1xf32>
      %sub3A_567 = arith.subf %mul3A_564, %sub3A_566 : vector<128x1xf32>
      %max3A_568 = arith.constant 1.000000e-15 : f32
      %max3A_569 = vector.broadcast %max3A_568 : f32 to vector<128x1xf32>
      %max3A_570 = arith.maximumf %sub3A_567, %max3A_569 : vector<128x1xf32>
      %sqrt3A_571 = math.sqrt %max3A_570 : vector<128x1xf32>
      %add3A_572 = arith.addf %max3A_560, %sqrt3A_571 : vector<128x1xf32>
      %log3A_573 = math.log %add3A_572 : vector<128x1xf32>
      %mul3A_574 = vector.broadcast %log3A_573 : vector<128x1xf32> to vector<128x128xf32>
      %mul3A_575 = arith.mulf %mul3A_574, %select_n3A_548 : vector<128x128xf32>
      %div3A_576 = vector.broadcast %max3A_556 : vector<128x1xf32> to vector<128x128xf32>
      %div3A_577 = arith.divf %mul3A_575, %div3A_576 : vector<128x128xf32>
      %jit3A_578 = arith.constant 0.000000e+00 : f32
      %broadcast_in_dim3A_579 = vector.shape_cast %ge3A_563 : vector<1x128xi1> to vector<1x128xi1>
      %broadcast_in_dim3A_580 = vector.broadcast %broadcast_in_dim3A_579 : vector<1x128xi1> to vector<128x128xi1>
      %broadcast_in_dim3A_581 = vector.broadcast %jit3A_578 : f32 to vector<128x128xf32>
      %select_n3A_582 = arith.select %broadcast_in_dim3A_580, %div3A_577, %broadcast_in_dim3A_581 : vector<128x128xi1>, vector<128x128xf32>
      %get3A_583 = arith.constant 0 : index
      %get3A_584 = arith.constant 0 : index
      %get3A_585 = vector.load %arg8[%get3A_583, %get3A_584] : memref<128x128xf32, #tpu.memory_space<vmem>>, vector<128x128xf32>
      %dot_general3A_586 = arith.constant dense<0.000000e+00> : vector<128x128xf32>
      %dot_general3A_587 = tpu.matmul %select_n3A_582, %get3A_585, %dot_general3A_586 {dimension_numbers = #tpu.dot_dimension_numbers<[1], [0], [0], [1], [0, 0, 1, 1], [], []>, transpose_lhs_hint = false} : vector<128x128xf32>, vector<128x128xf32>, vector<128x128xf32> -> vector<128x128xf32>
      %get3A_588 = arith.constant 0 : index
      %get3A_589 = arith.constant 0 : index
      %get3A_590 = vector.load %arg9[%get3A_588, %get3A_589] : memref<1x128xf32, #tpu.memory_space<vmem>>, vector<1x128xf32>
      %add3A_591 = vector.broadcast %get3A_590 : vector<1x128xf32> to vector<128x128xf32>
      %add3A_592 = arith.addf %dot_general3A_587, %add3A_591 : vector<128x128xf32>
      %iota3A_593 = tpu.iota {dimensions = array<i32: 1>} : vector<1x128xi32>
      %ge3A_594 = arith.constant 1 : i32
      %ge3A_595 = vector.broadcast %ge3A_594 : i32 to vector<1x128xi32>
      %ge3A_596 = arith.cmpi sge, %iota3A_593, %ge3A_595 : vector<1x128xi32>
      %jit3A_597 = arith.constant 0.000000e+00 : f32
      %broadcast_in_dim3A_598 = vector.shape_cast %ge3A_596 : vector<1x128xi1> to vector<1x128xi1>
      %broadcast_in_dim3A_599 = vector.broadcast %broadcast_in_dim3A_598 : vector<1x128xi1> to vector<128x128xi1>
      %broadcast_in_dim3A_600 = vector.broadcast %jit3A_597 : f32 to vector<128x128xf32>
      %select_n3A_601 = arith.select %broadcast_in_dim3A_599, %add3A_592, %broadcast_in_dim3A_600 : vector<128x128xi1>, vector<128x128xf32>
      %mul3A_602 = arith.mulf %select_n3A_601, %select_n3A_601 : vector<128x128xf32>
      %reduce_sum3A_603 = arith.constant dense<0.000000e+00> : vector<128xf32>
      %reduce_sum3A_604 = vector.multi_reduction <add>, %mul3A_602, %reduce_sum3A_603 [1] : vector<128x128xf32> to vector<128xf32>
      %broadcast_in_dim3A_605 = vector.shape_cast %reduce_sum3A_604 : vector<128xf32> to vector<128x1xf32>
      %sqrt3A_606 = math.sqrt %broadcast_in_dim3A_605 : vector<128x1xf32>
      %max3A_607 = arith.constant 1.000000e-15 : f32
      %max3A_608 = vector.broadcast %max3A_607 : f32 to vector<128x1xf32>
      %max3A_609 = arith.maximumf %sqrt3A_606, %max3A_608 : vector<128x1xf32>
      %exp3A_610 = math.exp %max3A_609 : vector<128x1xf32>
      %div3A_611 = arith.constant 1.000000e+00 : f32
      %div3A_612 = vector.broadcast %div3A_611 : f32 to vector<128x1xf32>
      %div3A_613 = arith.divf %div3A_612, %exp3A_610 : vector<128x1xf32>
      %add3A_614 = arith.addf %exp3A_610, %div3A_613 : vector<128x1xf32>
      %mul3A_615 = arith.constant 5.000000e-01 : f32
      %mul3A_616 = vector.broadcast %mul3A_615 : f32 to vector<128x1xf32>
      %mul3A_617 = arith.mulf %mul3A_616, %add3A_614 : vector<128x1xf32>
      %div3A_618 = arith.constant 1.000000e+00 : f32
      %div3A_619 = vector.broadcast %div3A_618 : f32 to vector<128x1xf32>
      %div3A_620 = arith.divf %div3A_619, %exp3A_610 : vector<128x1xf32>
      %sub3A_621 = arith.subf %exp3A_610, %div3A_620 : vector<128x1xf32>
      %mul3A_622 = arith.constant 5.000000e-01 : f32
      %mul3A_623 = vector.broadcast %mul3A_622 : f32 to vector<128x1xf32>
      %mul3A_624 = arith.mulf %mul3A_623, %sub3A_621 : vector<128x1xf32>
      %ge3A_625 = arith.constant 1 : i32
      %ge3A_626 = vector.broadcast %ge3A_625 : i32 to vector<1x128xi32>
      %ge3A_627 = arith.cmpi sge, %iota3A_593, %ge3A_626 : vector<1x128xi32>
      %mul3A_628 = vector.broadcast %mul3A_624 : vector<128x1xf32> to vector<128x128xf32>
      %mul3A_629 = arith.mulf %mul3A_628, %select_n3A_601 : vector<128x128xf32>
      %div3A_630 = vector.broadcast %max3A_609 : vector<128x1xf32> to vector<128x128xf32>
      %div3A_631 = arith.divf %mul3A_629, %div3A_630 : vector<128x128xf32>
      %broadcast_in_dim3A_632 = vector.shape_cast %ge3A_627 : vector<1x128xi1> to vector<1x128xi1>
      %broadcast_in_dim3A_633 = vector.broadcast %broadcast_in_dim3A_632 : vector<1x128xi1> to vector<128x128xi1>
      %broadcast_in_dim3A_634 = vector.shape_cast %mul3A_617 : vector<128x1xf32> to vector<128x1xf32>
      %broadcast_in_dim3A_635 = vector.broadcast %broadcast_in_dim3A_634 : vector<128x1xf32> to vector<128x128xf32>
      %select_n3A_636 = arith.select %broadcast_in_dim3A_633, %div3A_631, %broadcast_in_dim3A_635 : vector<128x128xi1>, vector<128x128xf32>
      %iota3A_637 = tpu.iota {dimensions = array<i32: 1>} : vector<1x128xi32>
      %ge3A_638 = arith.constant 1 : i32
      %ge3A_639 = vector.broadcast %ge3A_638 : i32 to vector<1x128xi32>
      %ge3A_640 = arith.cmpi sge, %iota3A_637, %ge3A_639 : vector<1x128xi32>
      %jit3A_641 = arith.constant 0.000000e+00 : f32
      %broadcast_in_dim3A_642 = vector.shape_cast %ge3A_640 : vector<1x128xi1> to vector<1x128xi1>
      %broadcast_in_dim3A_643 = vector.broadcast %broadcast_in_dim3A_642 : vector<1x128xi1> to vector<128x128xi1>
      %broadcast_in_dim3A_644 = vector.broadcast %jit3A_641 : f32 to vector<128x128xf32>
      %select_n3A_645 = arith.select %broadcast_in_dim3A_643, %select_n3A_636, %broadcast_in_dim3A_644 : vector<128x128xi1>, vector<128x128xf32>
      %mul3A_646 = arith.mulf %select_n3A_645, %select_n3A_645 : vector<128x128xf32>
      %reduce_sum3A_647 = arith.constant dense<0.000000e+00> : vector<128xf32>
      %reduce_sum3A_648 = vector.multi_reduction <add>, %mul3A_646, %reduce_sum3A_647 [1] : vector<128x128xf32> to vector<128xf32>
      %broadcast_in_dim3A_649 = vector.shape_cast %reduce_sum3A_648 : vector<128xf32> to vector<128x1xf32>
      %sqrt3A_650 = math.sqrt %broadcast_in_dim3A_649 : vector<128x1xf32>
      %max3A_651 = arith.constant 1.000000e-15 : f32
      %max3A_652 = vector.broadcast %max3A_651 : f32 to vector<128x1xf32>
      %max3A_653 = arith.maximumf %sqrt3A_650, %max3A_652 : vector<128x1xf32>
      %slice3A_654 = vector.extract_strided_slice %select_n3A_636 {offsets = [0, 0], sizes = [128, 1], strides = [1, 1]} : vector<128x128xf32> to vector<128x1xf32>
      %max3A_655 = arith.constant 1.00000012 : f32
      %max3A_656 = vector.broadcast %max3A_655 : f32 to vector<128x1xf32>
      %max3A_657 = arith.maximumf %slice3A_654, %max3A_656 : vector<128x1xf32>
      %ge3A_658 = arith.constant 1 : i32
      %ge3A_659 = vector.broadcast %ge3A_658 : i32 to vector<1x128xi32>
      %ge3A_660 = arith.cmpi sge, %iota3A_637, %ge3A_659 : vector<1x128xi32>
      %mul3A_661 = arith.mulf %max3A_657, %max3A_657 : vector<128x1xf32>
      %sub3A_662 = arith.constant 1.000000e+00 : f32
      %sub3A_663 = vector.broadcast %sub3A_662 : f32 to vector<128x1xf32>
      %sub3A_664 = arith.subf %mul3A_661, %sub3A_663 : vector<128x1xf32>
      %max3A_665 = arith.constant 1.000000e-15 : f32
      %max3A_666 = vector.broadcast %max3A_665 : f32 to vector<128x1xf32>
      %max3A_667 = arith.maximumf %sub3A_664, %max3A_666 : vector<128x1xf32>
      %sqrt3A_668 = math.sqrt %max3A_667 : vector<128x1xf32>
      %add3A_669 = arith.addf %max3A_657, %sqrt3A_668 : vector<128x1xf32>
      %log3A_670 = math.log %add3A_669 : vector<128x1xf32>
      %mul3A_671 = vector.broadcast %log3A_670 : vector<128x1xf32> to vector<128x128xf32>
      %mul3A_672 = arith.mulf %mul3A_671, %select_n3A_645 : vector<128x128xf32>
      %div3A_673 = vector.broadcast %max3A_653 : vector<128x1xf32> to vector<128x128xf32>
      %div3A_674 = arith.divf %mul3A_672, %div3A_673 : vector<128x128xf32>
      %jit3A_675 = arith.constant 0.000000e+00 : f32
      %broadcast_in_dim3A_676 = vector.shape_cast %ge3A_660 : vector<1x128xi1> to vector<1x128xi1>
      %broadcast_in_dim3A_677 = vector.broadcast %broadcast_in_dim3A_676 : vector<1x128xi1> to vector<128x128xi1>
      %broadcast_in_dim3A_678 = vector.broadcast %jit3A_675 : f32 to vector<128x128xf32>
      %select_n3A_679 = arith.select %broadcast_in_dim3A_677, %div3A_674, %broadcast_in_dim3A_678 : vector<128x128xi1>, vector<128x128xf32>
      %slice3A_680 = vector.extract_strided_slice %select_n3A_679 {offsets = [0, 1], sizes = [128, 10], strides = [1, 1]} : vector<128x128xf32> to vector<128x10xf32>
      %swap3A = arith.constant 0 : index
      %swap3A_681 = arith.constant 0 : index
      %swap3A_682 = vector.load %arg10[%swap3A, %swap3A_681] : memref<128x10xf32, #tpu.memory_space<vmem>>, vector<128x10xf32>
      tpu.vector_store %arg10[%swap3A, %swap3A_681], %slice3A_680 {strides = array<i32>} : memref<128x10xf32, #tpu.memory_space<vmem>>, vector<128x10xf32>,
      %iota3A_683 = tpu.iota {dimensions = array<i32: 1>} : vector<1x128xi32>
      %lt3A = arith.constant 11 : i32
      %lt3A_684 = vector.broadcast %lt3A : i32 to vector<1x128xi32>
      %lt3A_685 = arith.cmpi slt, %iota3A_683, %lt3A_684 : vector<1x128xi32>
      %jit3A_686 = arith.constant 0xFF800000 : f32
      %broadcast_in_dim3A_687 = vector.shape_cast %lt3A_685 : vector<1x128xi1> to vector<1x128xi1>
      %broadcast_in_dim3A_688 = vector.broadcast %broadcast_in_dim3A_687 : vector<1x128xi1> to vector<128x128xi1>
      %broadcast_in_dim3A_689 = vector.broadcast %jit3A_686 : f32 to vector<128x128xf32>
      %select_n3A_690 = arith.select %broadcast_in_dim3A_688, %select_n3A_679, %broadcast_in_dim3A_689 : vector<128x128xi1>, vector<128x128xf32>
      %reduce_max3A = arith.constant dense<0xFF800000> : vector<128xf32>
      %reduce_max3A_691 = vector.multi_reduction <maximumf>, %select_n3A_690, %reduce_max3A [1] : vector<128x128xf32> to vector<128xf32>
      %broadcast_in_dim3A_692 = vector.shape_cast %reduce_max3A_691 : vector<128xf32> to vector<128x1xf32>
      %sub3A_693 = vector.broadcast %broadcast_in_dim3A_692 : vector<128x1xf32> to vector<128x128xf32>
      %sub3A_694 = arith.subf %select_n3A_679, %sub3A_693 : vector<128x128xf32>
      %exp3A_695 = math.exp %sub3A_694 : vector<128x128xf32>
      %jit3A_696 = arith.constant 0.000000e+00 : f32
      %broadcast_in_dim3A_697 = vector.shape_cast %lt3A_685 : vector<1x128xi1> to vector<1x128xi1>
      %broadcast_in_dim3A_698 = vector.broadcast %broadcast_in_dim3A_697 : vector<1x128xi1> to vector<128x128xi1>
      %broadcast_in_dim3A_699 = vector.broadcast %jit3A_696 : f32 to vector<128x128xf32>
      %select_n3A_700 = arith.select %broadcast_in_dim3A_698, %exp3A_695, %broadcast_in_dim3A_699 : vector<128x128xi1>, vector<128x128xf32>
      %reduce_sum3A_701 = arith.constant dense<0.000000e+00> : vector<128xf32>
      %reduce_sum3A_702 = vector.multi_reduction <add>, %select_n3A_700, %reduce_sum3A_701 [1] : vector<128x128xf32> to vector<128xf32>
      %broadcast_in_dim3A_703 = vector.shape_cast %reduce_sum3A_702 : vector<128xf32> to vector<128x1xf32>
      %div3A_704 = vector.broadcast %broadcast_in_dim3A_703 : vector<128x1xf32> to vector<128x128xf32>
      %div3A_705 = arith.divf %select_n3A_700, %div3A_704 : vector<128x128xf32>
      %ge3A_706 = arith.constant 1 : i32
      %ge3A_707 = vector.broadcast %ge3A_706 : i32 to vector<1x128xi32>
      %ge3A_708 = arith.cmpi sge, %iota3A_683, %ge3A_707 : vector<1x128xi32>
      %jit3A_709 = arith.constant 0.000000e+00 : f32
      %broadcast_in_dim3A_710 = vector.shape_cast %ge3A_708 : vector<1x128xi1> to vector<1x128xi1>
      %broadcast_in_dim3A_711 = vector.broadcast %broadcast_in_dim3A_710 : vector<1x128xi1> to vector<128x128xi1>
      %broadcast_in_dim3A_712 = vector.broadcast %jit3A_709 : f32 to vector<128x128xf32>
      %select_n3A_713 = arith.select %broadcast_in_dim3A_711, %div3A_705, %broadcast_in_dim3A_712 : vector<128x128xi1>, vector<128x128xf32>
      %iota3A_714 = tpu.iota {dimensions = array<i32: 1>} : vector<1x128xi32>
      %ge3A_715 = arith.constant 1 : i32
      %ge3A_716 = vector.broadcast %ge3A_715 : i32 to vector<1x128xi32>
      %ge3A_717 = arith.cmpi sge, %iota3A_714, %ge3A_716 : vector<1x128xi32>
      %jit3A_718 = arith.constant 0.000000e+00 : f32
      %broadcast_in_dim3A_719 = vector.shape_cast %ge3A_717 : vector<1x128xi1> to vector<1x128xi1>
      %broadcast_in_dim3A_720 = vector.broadcast %broadcast_in_dim3A_719 : vector<1x128xi1> to vector<128x128xi1>
      %broadcast_in_dim3A_721 = vector.broadcast %jit3A_718 : f32 to vector<128x128xf32>
      %select_n3A_722 = arith.select %broadcast_in_dim3A_720, %select_n3A_713, %broadcast_in_dim3A_721 : vector<128x128xi1>, vector<128x128xf32>
      %mul3A_723 = arith.mulf %select_n3A_722, %select_n3A_722 : vector<128x128xf32>
      %reduce_sum3A_724 = arith.constant dense<0.000000e+00> : vector<128xf32>
      %reduce_sum3A_725 = vector.multi_reduction <add>, %mul3A_723, %reduce_sum3A_724 [1] : vector<128x128xf32> to vector<128xf32>
      %broadcast_in_dim3A_726 = vector.shape_cast %reduce_sum3A_725 : vector<128xf32> to vector<128x1xf32>
      %sqrt3A_727 = math.sqrt %broadcast_in_dim3A_726 : vector<128x1xf32>
      %max3A_728 = arith.constant 1.000000e-15 : f32
      %max3A_729 = vector.broadcast %max3A_728 : f32 to vector<128x1xf32>
      %max3A_730 = arith.maximumf %sqrt3A_727, %max3A_729 : vector<128x1xf32>
      %exp3A_731 = math.exp %max3A_730 : vector<128x1xf32>
      %div3A_732 = arith.constant 1.000000e+00 : f32
      %div3A_733 = vector.broadcast %div3A_732 : f32 to vector<128x1xf32>
      %div3A_734 = arith.divf %div3A_733, %exp3A_731 : vector<128x1xf32>
      %add3A_735 = arith.addf %exp3A_731, %div3A_734 : vector<128x1xf32>
      %mul3A_736 = arith.constant 5.000000e-01 : f32
      %mul3A_737 = vector.broadcast %mul3A_736 : f32 to vector<128x1xf32>
      %mul3A_738 = arith.mulf %mul3A_737, %add3A_735 : vector<128x1xf32>
      %div3A_739 = arith.constant 1.000000e+00 : f32
      %div3A_740 = vector.broadcast %div3A_739 : f32 to vector<128x1xf32>
      %div3A_741 = arith.divf %div3A_740, %exp3A_731 : vector<128x1xf32>
      %sub3A_742 = arith.subf %exp3A_731, %div3A_741 : vector<128x1xf32>
      %mul3A_743 = arith.constant 5.000000e-01 : f32
      %mul3A_744 = vector.broadcast %mul3A_743 : f32 to vector<128x1xf32>
      %mul3A_745 = arith.mulf %mul3A_744, %sub3A_742 : vector<128x1xf32>
      %ge3A_746 = arith.constant 1 : i32
      %ge3A_747 = vector.broadcast %ge3A_746 : i32 to vector<1x128xi32>
      %ge3A_748 = arith.cmpi sge, %iota3A_714, %ge3A_747 : vector<1x128xi32>
      %mul3A_749 = vector.broadcast %mul3A_745 : vector<128x1xf32> to vector<128x128xf32>
      %mul3A_750 = arith.mulf %mul3A_749, %select_n3A_722 : vector<128x128xf32>
      %div3A_751 = vector.broadcast %max3A_730 : vector<128x1xf32> to vector<128x128xf32>
      %div3A_752 = arith.divf %mul3A_750, %div3A_751 : vector<128x128xf32>
      %broadcast_in_dim3A_753 = vector.shape_cast %ge3A_748 : vector<1x128xi1> to vector<1x128xi1>
      %broadcast_in_dim3A_754 = vector.broadcast %broadcast_in_dim3A_753 : vector<1x128xi1> to vector<128x128xi1>
      %broadcast_in_dim3A_755 = vector.shape_cast %mul3A_738 : vector<128x1xf32> to vector<128x1xf32>
      %broadcast_in_dim3A_756 = vector.broadcast %broadcast_in_dim3A_755 : vector<128x1xf32> to vector<128x128xf32>
      %select_n3A_757 = arith.select %broadcast_in_dim3A_754, %div3A_752, %broadcast_in_dim3A_756 : vector<128x128xi1>, vector<128x128xf32>
      %slice3A_758 = vector.extract_strided_slice %select_n3A_757 {offsets = [0, 1], sizes = [128, 10], strides = [1, 1]} : vector<128x128xf32> to vector<128x10xf32>
      %swap3A_759 = arith.constant 0 : index
      %swap3A_760 = arith.constant 0 : index
      %swap3A_761 = vector.load %arg11[%swap3A_759, %swap3A_760] : memref<128x10xf32, #tpu.memory_space<vmem>>, vector<128x10xf32>
      tpu.vector_store %arg11[%swap3A_759, %swap3A_760], %slice3A_758 {strides = array<i32>} : memref<128x10xf32, #tpu.memory_space<vmem>>, vector<128x10xf32>,
    } else {
    }
    return
  }
  func.func @transform_0(%arg0: i32) -> (i32, i32, i32) {
    %c0_i32 = arith.constant 0 : i32
    %c0_i32_0 = arith.constant 0 : i32
    %c0_i32_1 = arith.constant 0 : i32
    return %c0_i32, %arg0, %c0_i32_0 : i32, i32, i32
  }
  func.func @transform_1(%arg0: i32) -> (i32, i32, i32) {
    %c0_i32 = arith.constant 0 : i32
    %c0_i32_0 = arith.constant 0 : i32
    %c0_i32_1 = arith.constant 0 : i32
    return %c0_i32, %arg0, %c0_i32_0 : i32, i32, i32
  }
  func.func @transform_2(%arg0: i32) -> (i32, i32, i32) {
    %c0_i32 = arith.constant 0 : i32
    %c0_i32_0 = arith.constant 0 : i32
    %c0_i32_1 = arith.constant 0 : i32
    return %arg0, %c0_i32, %c0_i32_0 : i32, i32, i32
  }
  func.func @transform_3(%arg0: i32) -> (i32, i32) {
    %c0_i32 = arith.constant 0 : i32
    %c0_i32_0 = arith.constant 0 : i32
    %c0_i32_1 = arith.constant 0 : i32
    return %c0_i32, %c0_i32_0 : i32, i32
  }
  func.func @transform_4(%arg0: i32) -> (i32, i32) {
    %c0_i32 = arith.constant 0 : i32
    %c0_i32_0 = arith.constant 0 : i32
    %c0_i32_1 = arith.constant 0 : i32
    return %c0_i32, %c0_i32_0 : i32, i32
  }
  func.func @transform_5(%arg0: i32) -> (i32, i32) {
    %c0_i32 = arith.constant 0 : i32
    %c0_i32_0 = arith.constant 0 : i32
    %c0_i32_1 = arith.constant 0 : i32
    return %c0_i32, %c0_i32_0 : i32, i32
  }
  func.func @transform_6(%arg0: i32) -> (i32, i32) {
    %c0_i32 = arith.constant 0 : i32
    %c0_i32_0 = arith.constant 0 : i32
    %c0_i32_1 = arith.constant 0 : i32
    return %c0_i32, %c0_i32_0 : i32, i32
  }
  func.func @transform_7(%arg0: i32) -> (i32, i32) {
    %c0_i32 = arith.constant 0 : i32
    %c0_i32_0 = arith.constant 0 : i32
    %c0_i32_1 = arith.constant 0 : i32
    return %c0_i32, %c0_i32_0 : i32, i32
  }
  func.func @transform_8(%arg0: i32) -> (i32, i32) {
    %c0_i32 = arith.constant 0 : i32
    %c0_i32_0 = arith.constant 0 : i32
    %c0_i32_1 = arith.constant 0 : i32
    return %c0_i32, %c0_i32_0 : i32, i32
  }
  func.func @transform_9(%arg0: i32) -> (i32, i32) {
    %c0_i32 = arith.constant 0 : i32
    %c0_i32_0 = arith.constant 0 : i32
    %c0_i32_1 = arith.constant 0 : i32
    return %c0_i32, %c0_i32_0 : i32, i32
  }
  func.func @transform_10(%arg0: i32) -> (i32, i32) {
    %c0_i32 = arith.constant 0 : i32
    %c0_i32_0 = arith.constant 0 : i32
    %c0_i32_1 = arith.constant 0 : i32
    return %c0_i32, %c0_i32_0 : i32, i32
  }
}

</mosaic_0001>

<sc_bundles>
// kernel: kernel.5.cloned.1.call-start
scs
__scs_entry_jumppad:
0x0: {  	(pc) =	sbr.rel $0x88, $3  }
0x1: {  	(tag) =	ssettag $0x0;
	lr =	simm.s32 $0x1  }
0x2: {  	[smem:$0x3F98] =	sst lr;
	_ =	strace $0xD0000000  }
0x3: {  	_ = 	snop  }
0x4: {  	_ = 	snop  }
0x5: {  	_ = 	snop  }
0x6: {  	_ = 	snop  }
0x7: {  	_ = 	snop  }
__scs_overlays_trampoline_lowered:
0x8: {  	[smem:$0x3FA7] =	sst s0  }
0x9: {  	[smem:$0x3FA8] =	sst s1  }
0xa: {  	[smem:$0x3FA9] =	sst s2  }
0xb: {  	[smem:$0x3FAA] =	sst s3  }
0xc: {  	[smem:$0x3FAB] =	sst s4  }
0xd: {  	[smem:$0x3FAC] =	sst s5  }
0xe: {  	[smem:$0x3FAD] =	sst s6  }
0xf: {  	[smem:$0x3FAE] =	sst s7  }
0x10: {  	[smem:$0x3FAF] =	sst s8  }
0x11: {  	[smem:$0x3FB0] =	sst s9;
	s0 =	simm.s32 @!p0 $0x0  }
0x12: {  	s1 =	sld [smem:$0x3F96];
	s0 =	simm.s32 @p0 $0x1  }
0x13: {  	[smem:$0x3FB1] =	sst s0;
	s0 =	simm.s32 @!p1 $0x0  }
0x14: {  	s2 =	sld [smem:$0x3F95];
	s0 =	simm.s32 @p1 $0x1  }
0x15: {  	[smem:$0x3FB2] =	sst s0;
	s0 =	simm.s32 @!p2 $0x0  }
0x16: {  	s3 =	sld [smem:$0x3FDB];
	s0 =	simm.s32 @p2 $0x1  }
0x17: {  	s4 =	simm.s32 $0x1BF5;
	[smem:$0x3FB4] =	sst s0  }
0x18: {  	s0 =	sld [smem:$0x3F97];
	_ =	swait.ge [sflag:s4], $0x0  }
0x19: {  	s7 =	sld [smem:$0x3F98]  }
0x1a: {  	s8 =	sadd.s32 $0xFFFFE003, lr  }
0x1b: {  	s9 =	sadd.s32 $0xFFFFFEF7, lr;
	s5 =	simm.s32 $0xFFFFFFFF;
	p2 =	slt.u32 s8, $0xFFFFF086  }
0x1c: {  	p1 =	slt.u32 s9, $0xF7A;
	s5 =	simm.s32 @!p2 $0x0  }
0x1d: {  	s5 =	simm.s32 @p1 $0x1;
	p0 =	seq.s32 s7, s2  }
0x1e: {  	s7 =	smul.u32 @!p0 $0xF7A, s2;
	p2 =	seq.s32 @!p0 s5, $0x0  }
0x1f: {  	s9 =	smul.u32 $0xF7A, s1;
	s8 =	simm.s32 @!p0 $0x1BF5;
	p2 =	por !p2, p0  }
0x20: {  	[sflag:s8] =	ssyncset.s32 @!p0 $0xFFFFF086;
	s6 =	sadd.s32 @!p0 s3, s7;
	s7 =	simm.s32 @!p0 $0x108  }
0x21: {  	s3 =	sadd.s32 s3, s9;
	s6 =	sadd.s32 @!p0 $0x88, s6;
	s7 =	simm.s32 @p2 $0x1082  }
0x22: {  	[simem:s7], [sflag:s8] =	dma.local @!p0 [hbm:s6], $0xF7A  }
0x23: {  	s9 =	sor.u32 $0xD0000000, s2;
	s6 =	simm.s32 $0x108;
	_ =	swait.ge @!p0 [sflag:s8], $0x0  }
0x24: {  	s3 =	sadd.s32 $0x88, s3;
	s6 =	simm.s32 @!p1 $0x1082;
	[sflag:s4] =	ssyncset.s32 $0xFFFFF086  }
0x25: {  	[simem:s6], [sflag:s4] =	dma.local [hbm:s3], $0xF7A  }
0x26: {  	[smem:$0x3F98] =	sst s1;
	(tag) =	ssettag s2;
	_ =	strace s9  }
0x27: {  	s1 =	sld [smem:$0x3FA8]  }
0x28: {  	s2 =	sld [smem:$0x3FA9]  }
0x29: {  	s4 =	sld [smem:$0x3FAB]  }
0x2a: {  	p0 =	seq.s32 s5, $0x0;
	s5 =	sld [smem:$0x3FAC]  }
0x2b: {  	s6 =	sld [smem:$0x3FAD]  }
0x2c: {  	s7 =	sld [smem:$0x3FAE]  }
0x2d: {  	s3 =	simm.s32 $0x108;
	s8 =	sld [smem:$0x3FAF]  }
0x2e: {  	s3 =	simm.s32 @!p0 $0x1082;
	s9 =	sld [smem:$0x3FB0]  }
0x2f: {  	lr =	sadd.s32 s0, s3;
	s0 =	sld [smem:$0x3FA7]  }
0x30: {  	s3 =	sld [smem:$0x3FAA]  }
0x31: {  	[smem:$0x3FB3] =	sst s10  }
0x32: {  	s10 =	sld [smem:$0x3FB1];
	_ =	sdelay $0x3  }
0x33: {  	p0 =	seq.s32 s10, $0x1;
	s10 =	sld [smem:$0x3FB3];
	_ =	sdelay $0x3  }
0x34: {  	[smem:$0x3FB3] =	sst s10  }
0x35: {  	s10 =	sld [smem:$0x3FB2];
	_ =	sdelay $0x3  }
0x36: {  	p1 =	seq.s32 s10, $0x1;
	s10 =	sld [smem:$0x3FB3];
	_ =	sdelay $0x3  }
0x37: {  	[smem:$0x3FB3] =	sst s10  }
0x38: {  	s10 =	sld [smem:$0x3FB4]  }
0x39: {  	_ = 	snop;
	(pc) =	sbr.ind lr, $3  }
0x3a: {  	_ = 	snop  }
0x3b: {  	_ = 	snop  }
0x3c: {  	p2 =	seq.s32 s10, $0x1;
	s10 =	sld [smem:$0x3FB3]  }
0x3d: {  	_ =	shalt  }
0x3e: {  	_ =	shalt  }
0x3f: {  	_ =	shalt  }
0x40: {  	_ =	shalt  }
0x41: {  	_ =	shalt  }
0x42: {  	_ =	shalt  }
0x43: {  	_ =	shalt  }
0x44: {  	_ =	shalt  }
0x45: {  	_ =	shalt  }
0x46: {  	_ =	shalt  }
0x47: {  	_ =	shalt  }
0x48: {  	_ =	shalt  }
0x49: {  	_ =	shalt  }
0x4a: {  	_ =	shalt  }
0x4b: {  	_ =	shalt  }
0x4c: {  	_ =	shalt  }
0x4d: {  	_ =	shalt  }
0x4e: {  	_ =	shalt  }
0x4f: {  	_ =	shalt  }
0x50: {  	_ =	shalt  }
0x51: {  	_ =	shalt  }
0x52: {  	_ =	shalt  }
0x53: {  	_ =	shalt  }
0x54: {  	_ =	shalt  }
0x55: {  	_ =	shalt  }
0x56: {  	_ =	shalt  }
0x57: {  	_ =	shalt  }
0x58: {  	_ =	shalt  }
0x59: {  	_ =	shalt  }
0x5a: {  	_ =	shalt  }
0x5b: {  	_ =	shalt  }
0x5c: {  	_ =	shalt  }
0x5d: {  	_ =	shalt  }
0x5e: {  	_ =	shalt  }
0x5f: {  	_ =	shalt  }
0x60: {  	_ =	shalt  }
0x61: {  	_ =	shalt  }
0x62: {  	_ =	shalt  }
0x63: {  	_ =	shalt  }
0x64: {  	_ =	shalt  }
0x65: {  	_ =	shalt  }
0x66: {  	_ =	shalt  }
0x67: {  	_ =	shalt  }
0x68: {  	_ =	shalt  }
0x69: {  	_ =	shalt  }
0x6a: {  	_ =	shalt  }
0x6b: {  	_ =	shalt  }
0x6c: {  	_ =	shalt  }
0x6d: {  	_ =	shalt  }
0x6e: {  	_ =	shalt  }
0x6f: {  	_ =	shalt  }
0x70: {  	_ =	shalt  }
0x71: {  	_ =	shalt  }
0x72: {  	_ =	shalt  }
0x73: {  	_ =	shalt  }
0x74: {  	_ =	shalt  }
0x75: {  	_ =	shalt  }
0x76: {  	_ =	shalt  }
0x77: {  	_ =	shalt  }
0x78: {  	_ =	shalt  }
0x79: {  	_ =	shalt  }
0x7a: {  	_ =	shalt  }
0x7b: {  	_ =	shalt  }
0x7c: {  	_ =	shalt  }
0x7d: {  	_ =	shalt  }
0x7e: {  	_ =	shalt  }
0x7f: {  	_ =	shalt  }
0x80: {  	_ =	shalt  }
0x81: {  	_ =	shalt  }
0x82: {  	_ =	shalt  }
0x83: {  	_ =	shalt  }
0x84: {  	_ =	shalt  }
0x85: {  	_ =	shalt  }
0x86: {  	_ =	shalt  }
0x87: {  	_ =	shalt  }
.Lfunc_end0:
.L_simem_size_0:
called_computation_lowered:
.L_overlay_start_0:
0x88: {  	s2 =	sld [smem:$0x3FD9]  }
0x89: {  	s3 =	sld [smem:$0x3FFE];
	_ =	sdelay $0x1  }
0x8a: {  	s1 =	srdreg.scid  }
0x8b: {  	s0 =	sand.u32 $0x1, s1  }
0x8c: {  	s16 =	sshll.u32 s0, $0xA;
	s2 =	sadd.s32 s3, s2  }
0x8d: {  	s2 =	sadd.s32 s2, s16  }
0x8e: {  	[smem:$0x3FBF] =	sst s2  }
0x8f: {  	_ = 	snop  }
0x90: {  	(tm) =	ssettm $0x1  }
0x91: {  	s17 =	sld [smem:$0x3FFB];
	_ =	sdelay $0x3  }
0x92: {  	_ =	strace s17  }
0x93: {  	s2 =	sld [smem:$0x3FFC];
	_ =	sdelay $0x3  }
0x94: {  	_ =	strace s2  }
0x95: {  	s2 =	sld [smem:$0x3FFD];
	_ =	sdelay $0x3  }
0x96: {  	_ =	strace s2  }
0x97: {  	_ =	strace $0x8FFFFFFF  }
0x98: {  	s18 =	sld [smem:$0x3FDB];
	_ =	sdelay $0x1  }
0x99: {  	s19 =	simm.s32 $_scs_section_size  }
0x9a: {  	s4 =	simm.s32 $_size__tile_overlayer_lowered;
	s5 =	simm.s32 $_tile_overlayer_lowered  }
0x9b: {  	s22 =	simm.s32 $0x1BFF;
	s21 =	sshll.u32 s5, $0x1;
	s2 =	sadd.s32 s19, s18  }
0x9c: {  	s6 =	simm.s32 $0x0;
	s20 =	sshll.u32 s4, $0x1;
	s4 =	sadd.s32 s21, s2  }
0x9d: {  	[timem:s6], [sflag:s22] =	dma.local [hbm:s4], s20  }
0x9e: {  	_ =	swait.ge [sflag:s22], s20  }
0x9f: {  	s3 =	ssub.s32 $0x0, s20;
	[sflag:s22] =	ssyncset.done $0x0  }
0xa0: {  	[sflag:s22] =	ssyncadd.s32 s3;
	_ =	sdelay $0x1  }
0xa1: {  	s23 =	simm.s32 $0x1B8B  }
0xa2: {  	_ =	swait.ge [sflag:s23], $0x1  }
0xa3: {  	[sflag:s23] =	ssyncset.done $0x0  }
0xa4: {  	s25 =	simm.s32 $0x1B8E;
	s24 =	sld [smem:$0x3FFE];
	[sflag:s23] =	ssyncadd.s32 $0xFFFFFFFF  }
0xa5: {  	s26 =	simm.s32 $execute0_lowered;
	[smem:$0x3FD2] =	sst s25  }
0xa6: {  	s4 =	sshll.u32 s26, $0x1;
	_ =	strace $0x80000046;
	[dreg:$0x1] =	wrdreg $0xFFFFFFFF  }
0xa7: {  	s28 =	simm.s32 $_size_execute0_lowered;
	s2 =	sadd.s32 s2, s4;
	[dreg:$0x0] =	wrdreg $0x0  }
0xa8: {  	s4 =	sshll.u32 s28, $0x1;
	[dreg:$0x2] =	wrdreg s2  }
0xa9: {  	[dreg:$0x3] =	wrdreg s4  }
0xaa: {  	[dreg:$0x4] =	wrdreg $0xC0  }
0xab: {  	_ =	task [dreg:s6], $0x5FFFF  }
0xac: {  	[dreg:$0x1] =	wrdreg $0xFFFFFFFF  }
0xad: {  	[dreg:$0x0] =	wrdreg $0x60  }
0xae: {  	[dreg:$0x2] =	wrdreg s24  }
0xaf: {  	[dreg:$0x3] =	wrdreg $0x90000  }
0xb0: {  	[dreg:$0x4] =	wrdreg $0x9  }
0xb1: {  	_ =	task.clear_ibuf [dreg:s6], $0x5FFFF;
	_ =	strace $0x90000046  }
0xb2: {  	s29 =	simm.s32 $0x9;
	_ =	strace $0x80000048  }
0xb3: {  	_ =	swait.ge [sflag:s29], $0x1  }
0xb4: {  	[sflag:s29] =	ssyncadd.s32 $0xFFFFFFFF  }
0xb5: {  	_ =	strace $0x90000048  }
0xb6: {  	_ =	sfence  }
0xb7: {  	s30 =	sld [smem:$0x0];
	_ =	sdelay $0x2  }
0xb8: {  	s31 =	sshll.u32 s1, $0xD;
	s1 =	sshrl.u32 s1, $0x2  }
0xb9: {  	s3 =	sand.u32 $0x4000, s31;
	s1 =	sadd.s32 s1, s30  }
0xba: {  	s0 =	sor.u32 s3, s0;
	s1 =	sshll.u32 s1, $0x11  }
0xbb: {  	s0 =	sor.u32 s1, s0  }
0xbc: {  	s0 =	sadd.s32 $0x8F2B, s0  }
0xbd: {  	[sflag:s0] =	ssyncadd.remote.s32 $0x1  }
0xbe: {  	_ =	sfence.sel $0xFFFF  }
0xbf: {  	[dreg:$0x0] =	wrdreg $0xFFFFFFFF;
	(pc) =	sbr.abs _section_cstart, $3  }
0xc0: {  	[dreg:$0x1] =	wrdreg $0xFFFFFFFF  }
0xc1: {  	_ =	task.clear_ibuf [dreg:s6], $0x2FFFF;
	_ =	strace $0x9FFFFFFF  }
0xc2: {  	(tm) =	ssettm $0x7FFFFFFF  }
0xc3: {  	_ =	shalt  }
tec
execute0_lowered:
.L_overlay_start_1:
0x0: {  	(tag) =	ssettag $0x1  }
0x1: {  	s0 =	rddreg [dreg:$0x0]  }
0x2: {  	s2 =	rddreg [dreg:$0x1]  }
0x3: {  	s3 =	simm.s32 $0x0;
	s11 =	stileid.u32;
	s1 =	srdreg.scid  }
0x4: {  	s12 =	simm.s32 $0x180;
	s28 =	simm.s32 $0x5000;
	s29 =	simm.s32 $0x1  }
0x5: {  	s30 =	simm.s32 $0x3;
	s31 =	simm.s32 $0x2;
	[smem:$0x7FF] =	sst s3  }
0x6: {  	s5 =	smul.u32 $0x500, s11;
	s6 =	sand.u32 $0x1, s1;
	s4 =	sadd.s32 $0x1800, s0  }
0x7: {  	s9 =	smul.u32 $0x50000, s11;
	s10 =	sadd.s32 $0x138000, s2;
	s18 =	sshll.u32 s11, $0xE  }
0x8: {  	_ =	strace $0x80000047;
	s7 =	ssub.s32 $0x2, s6;
	s1 =	smul.u32 $0x138800, s6  }
0x9: {  	[dreg:$0x13] =	wrdreg s10;
	s19 =	sor.u32 $0x40000, s18;
	s20 =	sadd.s32 s18, s2  }
0xa: {  	s6 =	smul.u32 $0x5000, s6;
	s24 =	sor.u32 $0x80000, s18;
	[dreg:$0x7] =	wrdreg s12  }
0xb: {  	s13 =	sor.u32 $0xC0000, s18;
	[dreg:$0x1b] =	wrdreg s20;
	s26 =	sadd.s32 s24, s2  }
0xc: {  	s9 =	sshrl.u32 s9, $0x2;
	s20 =	simm.s32 $0x300;
	[dreg:$0x1f] =	wrdreg s26  }
0xd: {  	s5 =	sadd.s32 s5, s0;
	s15 =	sadd.s32 s9, s2;
	[dreg:$0xd] =	wrdreg s20  }
0xe: {  	s8 =	sshrl.u32 s7, $0x1;
	s25 =	sadd.s32 $0x4FA00, s5;
	[dreg:$0x16] =	wrdreg s15  }
0xf: {  	s21 =	sadd.s32 s1, s18;
	s18 =	simm.s32 $0xA00;
	[dreg:$0x3] =	wrdreg s25  }
0x10: {  	s7 =	ssub.s32 s7, s8;
	s26 =	simm.s32 $0xB80;
	[dreg:$0xc] =	wrdreg s18  }
0x11: {  	s12 =	simm.s32 $0xD80;
	s7 =	smax.u32 s7, $0x1;
	[dreg:$0x12] =	wrdreg s26  }
0x12: {  	s0 =	sadd.s32 $0x5EA00, s0;
	s16 =	sadd.s32 $0x4000, s15;
	[dreg:$0x15] =	wrdreg s7  }
0x13: {  	s14 =	sshrl.u32 s1, $0x3;
	s17 =	sadd.s32 $0x8000, s15;
	[dreg:$0x17] =	wrdreg s16  }
0x14: {  	s5 =	sadd.s32 s6, s5;
	s9 =	sadd.s32 $0xC000, s15;
	[dreg:$0x18] =	wrdreg s17  }
0x15: {  	s22 =	sadd.s32 s1, s19;
	s5 =	sadd.s32 $0x54A00, s5;
	[dreg:$0x19] =	wrdreg s9  }
0x16: {  	s8 =	sadd.s32 s0, s14;
	s14 =	simm.s32 $0x900;
	[dreg:$0x4] =	wrdreg s5  }
0x17: {  	s10 =	sshrl.u32 s22, $0x3;
	s22 =	simm.s32 $0xA80;
	[dreg:$0x8] =	wrdreg s14  }
0x18: {  	s25 =	simm.s32 $0x400;
	s26 =	simm.s32 $0x80;
	[dreg:$0xe] =	wrdreg s22  }
0x19: {  	s18 =	simm.s32 $0xF00;
	s8 =	sadd.s32 $0x27000, s8;
	[dreg:$0x11] =	wrdreg s25  }
0x1a: {  	s9 =	sshrl.u32 s21, $0x3;
	s23 =	sadd.s32 s0, s10;
	[dreg:$0x14] =	wrdreg s8  }
0x1b: {  	s10 =	simm.s32 $0x880;
	s7 =	sadd.s32 s13, s2;
	[dreg:$0x1e] =	wrdreg s23  }
0x1c: {  	s16 =	simm.s32 $0x980;
	s17 =	simm.s32 $0x280;
	[dreg:$0x6] =	wrdreg s10  }
0x1d: {  	s25 =	simm.s32 $0x800;
	s5 =	simm.s32 $0xC00;
	[smem:$0x7FA] =	sst s7  }
0x1e: {  	s14 =	simm.s32 $0xE00;
	s8 =	sadd.s32 $0x10000, s15;
	[dreg:$0xa] =	wrdreg s16  }
0x1f: {  	s9 =	sadd.s32 s0, s9;
	s15 =	simm.s32 $0x200;
	[dreg:$0xb] =	wrdreg s17  }
0x20: {  	s23 =	simm.s32 $0x380;
	s10 =	simm.s32 $0xD00;
	[dreg:$0x1a] =	wrdreg s8  }
0x21: {  	s16 =	simm.s32 $0xE80;
	s17 =	simm.s32 $0x780;
	[dreg:$0x1c] =	wrdreg s9  }
0x22: {  	s8 =	sadd.s32 s19, s2;
	s9 =	simm.s32 $0x100;
	[dreg:$0x9] =	wrdreg s15  }
0x23: {  	s19 =	sor.u32 $0x40, s11;
	[dreg:$0xf] =	wrdreg s23;
	s23 =	simm.s32 $0x1000  }
0x24: {  	s15 =	simm.s32 $0x700;
	[dreg:$0x1d] =	wrdreg s8;
	s8 =	sadd.s32 s1, s24  }
0x25: {  	[dreg:$0x5] =	wrdreg s9;
	s21 =	sshll.u32 s19, $0xE;
	s24 =	simm.s32 $0xB00  }
0x26: {  	p0 =	slt.u32 s19, $0x4E;
	s9 =	simm.s32 $0x580;
	s19 =	simm.s32 $0xF80  }
0x27: {  	s6 =	sshrl.u32 s8, $0x3;
	s7 =	sadd.s32 s21, s2;
	[dreg:$0x10] =	wrdreg s24  }
0x28: {  	s24 =	simm.s32 $0x5;
	p1 =	sne.s32 @!p0 s11, $0xE;
	s11 =	simm.s32 $0x600  }
0x29: {  	s6 =	sadd.s32 s0, s6;
	[smem:$0x7FC] =	sst s7;
	p1 =	por p1, p0  }
0x2a: {  	s7 =	simm.s32 $0xC80;
	[smem:$0x7F9] =	sst s6;
	s6 =	sadd.s32 s1, s13  }
0x2b: {  	s1 =	sadd.s32 s1, s21;
	s13 =	simm.s32 $0x680;
	s6 =	sshrl.u32 s6, $0x3  }
0x2c: {  	s21 =	simm.s32 $0x0;
	s1 =	sshrl.u32 s1, $0x3;
	s6 =	sadd.s32 s0, s6  }
0x2d: {  	s0 =	sadd.s32 s0, s1;
	s1 =	simm.s32 $0x480;
	[smem:$0x7FB] =	sst s6  }
0x2e: {  	v0 =	vimm.f32 $0.0e+00;
	[smem:$0x7FD] =	sst s0;
	s0 =	simm.s32 $0x4;
	s6 =	simm.s32 $0x500  }
.LBB2_1:
0x2f: {  	[smem:$0x7F8] =	sst s21;
	s8 =	simm.s32 $0x0;
	s22 =	simm.s32 $0x200  }
.LBB2_2:
0x30: {  	p2 =	sne.s32 s22, $0xFE00;
	[tilespmem:s8+$0x1070] =	vst v0  }
0x31: {  	[tilespmem:s8+$0x1000] =	vst v0  }
0x32: {  	[tilespmem:s8+$0x1010] =	vst v0  }
.Ltmp0:
0x33: {  	[tilespmem:s8+$0x1020] =	vst v0;
	(pc) =	sbr.rel @p2 .LBB2_2-.Ltmp0, $4  }
0x34: {  	[tilespmem:s8+$0x1030] =	vst v0  }
0x35: {  	[tilespmem:s8+$0x1040] =	vst v0  }
0x36: {  	[tilespmem:s8+$0x1050] =	vst v0  }
0x37: {  	[tilespmem:s8+$0x1060] =	vst v0;
	s8 =	sshra.s32 s22, $0x2;
	s22 =	sadd.s32 $0x200, s22  }
0x38: {  	[tilespmem:s8+$0x1070] =	vst v0  }
0x39: {  	[tilespmem:s8+$0x1000] =	vst v0  }
0x3a: {  	[tilespmem:s8+$0x1010] =	vst v0  }
0x3b: {  	[tilespmem:s8+$0x1020] =	vst v0  }
0x3c: {  	[tilespmem:s8+$0x1030] =	vst v0  }
0x3d: {  	[tilespmem:s8+$0x1040] =	vst v0  }
0x3e: {  	[tilespmem:s8+$0x1050] =	vst v0  }
0x3f: {  	[tilespmem:s8+$0x1060] =	vst v0;
	s20 =	rddreg [dreg:$0x16]  }
0x40: {  	[spmem:s20] =	stream.linear.scatter [tilespmem:s23], [sflag:$0x5], $0x4000, $0x38;
	[tilespmem:$0x1D000] =	vst v63  }
0x41: {  	_ =	swait.ge [sflag:s24], $0x4000  }
0x42: {  	[sflag:s24] =	ssyncset.done $0x0  }
0x43: {  	s21 =	rddreg [dreg:$0x17];
	[sflag:s24] =	ssyncadd.s32 $0xFFFFC000  }
0x44: {  	[spmem:s21] =	stream.linear.scatter [tilespmem:s23], [sflag:$0x5], $0x4000, $0x38;
	[tilespmem:$0x1D000] =	vst v63  }
0x45: {  	_ =	swait.ge [sflag:s24], $0x4000  }
0x46: {  	[sflag:s24] =	ssyncset.done $0x0  }
0x47: {  	s22 =	rddreg [dreg:$0x18];
	[sflag:s24] =	ssyncadd.s32 $0xFFFFC000  }
0x48: {  	[spmem:s22] =	stream.linear.scatter [tilespmem:s23], [sflag:$0x5], $0x4000, $0x38;
	[tilespmem:$0x1D000] =	vst v63  }
0x49: {  	_ =	swait.ge [sflag:s24], $0x4000  }
0x4a: {  	[sflag:s24] =	ssyncset.done $0x0  }
0x4b: {  	s20 =	rddreg [dreg:$0x19];
	[sflag:s24] =	ssyncadd.s32 $0xFFFFC000  }
0x4c: {  	[spmem:s20] =	stream.linear.scatter [tilespmem:s23], [sflag:$0x5], $0x4000, $0x38;
	[tilespmem:$0x1D000] =	vst v63  }
0x4d: {  	_ =	swait.ge [sflag:s24], $0x4000  }
0x4e: {  	[sflag:s24] =	ssyncset.done $0x0  }
0x4f: {  	s21 =	rddreg [dreg:$0x1a];
	[sflag:s24] =	ssyncadd.s32 $0xFFFFC000  }
0x50: {  	[spmem:s21] =	stream.linear.scatter [tilespmem:s23], [sflag:$0x5], $0x4000, $0x38;
	[tilespmem:$0x1D000] =	vst v63  }
0x51: {  	_ =	swait.ge [sflag:s24], $0x4000  }
0x52: {  	[sflag:s24] =	ssyncset.done $0x0  }
0x53: {  	[sflag:s24] =	ssyncadd.s32 $0xFFFFC000  }
0x54: {  	[bflag:$0x0] =	sbarrier.arrive $0xFFFF  }
0x55: {  	s22 =	rddreg [dreg:$0x4]  }
0x56: {  	s8 =	sadd.s32 $0x0, s22  }
0x57: {  	[tilespmem:s3], [sflag:$0x5] =	stream.linear.gather [hbm4b:s8+s3], $0x800, $0x38;
	[tilespmem:$0x1D000] =	vst v63  }
0x58: {  	_ =	swait.ge [sflag:s24], $0x800  }
0x59: {  	s20 =	rddreg [dreg:$0x3];
	[sflag:s24] =	ssyncset.done $0x0  }
0x5a: {  	[sflag:s24] =	ssyncadd.s32 $0xFFFFF800;
	s8 =	sadd.s32 $0x0, s20  }
0x5b: {  	[tilespmem:s25], [sflag:$0x5] =	stream.linear.gather [hbm4b:s8+s3], $0x800, $0x38;
	[tilespmem:$0x1D000] =	vst v63  }
0x5c: {  	_ =	swait.ge [sflag:s24], $0x800  }
0x5d: {  	[sflag:s24] =	ssyncset.done $0x0  }
0x5e: {  	[sflag:s24] =	ssyncadd.s32 $0xFFFFF800  }
0x5f: {  	[tilespmem:s23], [sflag:$0x1] =	stream.indirect.gather [hbm4b:s4+s26], $0x80, s3, s26, $0xb8;
	[tilespmem:$0x1D000] =	vst v63  }
0x60: {  	_ = 	snop  }
0x61: {  	[tilespmem:s28], [sflag:$0x2] =	stream.indirect.gather [hbm4b:s4+s26], $0x80, s26, s26, $0xb8;
	[tilespmem:$0x1D000] =	vst v63  }
0x62: {  	_ =	swait.ge [sflag:s29], $0x4000  }
0x63: {  	[sflag:s29] =	ssyncset.done $0x0  }
0x64: {  	[sflag:s29] =	ssyncadd.s32 $0xFFFFC000  }
0x65: {  	[spmem:s2] =	stream.indirect.scatter.add.f32 [tilespmem:s23], [sflag:$0x3], $0x80, s25, s26, $0xb8;
	[tilespmem:$0x1D000] =	vst v63  }
0x66: {  	_ =	swait.ge [sflag:s30], $0x4000  }
0x67: {  	[sflag:s30] =	ssyncset.done $0x0  }
0x68: {  	s21 =	rddreg [dreg:$0x5];
	[sflag:s30] =	ssyncadd.s32 $0xFFFFC000  }
0x69: {  	[tilespmem:s23], [sflag:$0x1] =	stream.indirect.gather [hbm4b:s4+s26], $0x80, s21, s26, $0xb8;
	[tilespmem:$0x1D000] =	vst v63  }
0x6a: {  	_ =	swait.ge [sflag:s31], $0x4000  }
0x6b: {  	[sflag:s31] =	ssyncset.done $0x0  }
0x6c: {  	s22 =	rddreg [dreg:$0x6];
	[sflag:s31] =	ssyncadd.s32 $0xFFFFC000  }
0x6d: {  	[spmem:s2] =	stream.indirect.scatter.add.f32 [tilespmem:s28], [sflag:$0x4], $0x80, s22, s26, $0xb8;
	[tilespmem:$0x1D000] =	vst v63  }
0x6e: {  	_ =	swait.ge [sflag:s0], $0x4000  }
0x6f: {  	[sflag:s0] =	ssyncset.done $0x0  }
0x70: {  	s20 =	rddreg [dreg:$0x7];
	[sflag:s0] =	ssyncadd.s32 $0xFFFFC000  }
0x71: {  	[tilespmem:s28], [sflag:$0x2] =	stream.indirect.gather [hbm4b:s4+s26], $0x80, s20, s26, $0xb8;
	[tilespmem:$0x1D000] =	vst v63  }
0x72: {  	_ =	swait.ge [sflag:s29], $0x4000  }
0x73: {  	[sflag:s29] =	ssyncset.done $0x0  }
0x74: {  	s21 =	rddreg [dreg:$0x8];
	[sflag:s29] =	ssyncadd.s32 $0xFFFFC000  }
0x75: {  	[spmem:s2] =	stream.indirect.scatter.add.f32 [tilespmem:s23], [sflag:$0x3], $0x80, s21, s26, $0xb8;
	[tilespmem:$0x1D000] =	vst v63  }
0x76: {  	_ =	swait.ge [sflag:s30], $0x4000  }
0x77: {  	[sflag:s30] =	ssyncset.done $0x0  }
0x78: {  	s22 =	rddreg [dreg:$0x9];
	[sflag:s30] =	ssyncadd.s32 $0xFFFFC000  }
0x79: {  	[tilespmem:s23], [sflag:$0x1] =	stream.indirect.gather [hbm4b:s4+s26], $0x80, s22, s26, $0xb8;
	[tilespmem:$0x1D000] =	vst v63  }
0x7a: {  	_ =	swait.ge [sflag:s31], $0x4000  }
0x7b: {  	[sflag:s31] =	ssyncset.done $0x0  }
0x7c: {  	s20 =	rddreg [dreg:$0xa];
	[sflag:s31] =	ssyncadd.s32 $0xFFFFC000  }
0x7d: {  	[spmem:s2] =	stream.indirect.scatter.add.f32 [tilespmem:s28], [sflag:$0x4], $0x80, s20, s26, $0xb8;
	[tilespmem:$0x1D000] =	vst v63  }
0x7e: {  	_ =	swait.ge [sflag:s0], $0x4000  }
0x7f: {  	[sflag:s0] =	ssyncset.done $0x0  }
0x80: {  	s21 =	rddreg [dreg:$0xb];
	[sflag:s0] =	ssyncadd.s32 $0xFFFFC000  }
0x81: {  	[tilespmem:s28], [sflag:$0x2] =	stream.indirect.gather [hbm4b:s4+s26], $0x80, s21, s26, $0xb8;
	[tilespmem:$0x1D000] =	vst v63  }
0x82: {  	_ =	swait.ge [sflag:s29], $0x4000  }
0x83: {  	[sflag:s29] =	ssyncset.done $0x0  }
0x84: {  	s22 =	rddreg [dreg:$0xc];
	[sflag:s29] =	ssyncadd.s32 $0xFFFFC000  }
0x85: {  	[spmem:s2] =	stream.indirect.scatter.add.f32 [tilespmem:s23], [sflag:$0x3], $0x80, s22, s26, $0xb8;
	[tilespmem:$0x1D000] =	vst v63  }
0x86: {  	_ =	swait.ge [sflag:s30], $0x4000  }
0x87: {  	[sflag:s30] =	ssyncset.done $0x0  }
0x88: {  	s20 =	rddreg [dreg:$0xd];
	[sflag:s30] =	ssyncadd.s32 $0xFFFFC000  }
0x89: {  	[tilespmem:s23], [sflag:$0x1] =	stream.indirect.gather [hbm4b:s4+s26], $0x80, s20, s26, $0xb8;
	[tilespmem:$0x1D000] =	vst v63  }
0x8a: {  	_ =	swait.ge [sflag:s31], $0x4000  }
0x8b: {  	[sflag:s31] =	ssyncset.done $0x0  }
0x8c: {  	s21 =	rddreg [dreg:$0xe];
	[sflag:s31] =	ssyncadd.s32 $0xFFFFC000  }
0x8d: {  	[spmem:s2] =	stream.indirect.scatter.add.f32 [tilespmem:s28], [sflag:$0x4], $0x80, s21, s26, $0xb8;
	[tilespmem:$0x1D000] =	vst v63  }
0x8e: {  	_ =	swait.ge [sflag:s0], $0x4000  }
0x8f: {  	[sflag:s0] =	ssyncset.done $0x0  }
0x90: {  	s22 =	rddreg [dreg:$0xf];
	[sflag:s0] =	ssyncadd.s32 $0xFFFFC000  }
0x91: {  	[tilespmem:s28], [sflag:$0x2] =	stream.indirect.gather [hbm4b:s4+s26], $0x80, s22, s26, $0xb8;
	[tilespmem:$0x1D000] =	vst v63  }
0x92: {  	_ =	swait.ge [sflag:s29], $0x4000  }
0x93: {  	[sflag:s29] =	ssyncset.done $0x0  }
0x94: {  	s20 =	rddreg [dreg:$0x10];
	[sflag:s29] =	ssyncadd.s32 $0xFFFFC000  }
0x95: {  	[spmem:s2] =	stream.indirect.scatter.add.f32 [tilespmem:s23], [sflag:$0x3], $0x80, s20, s26, $0xb8;
	[tilespmem:$0x1D000] =	vst v63  }
0x96: {  	_ =	swait.ge [sflag:s30], $0x4000  }
0x97: {  	[sflag:s30] =	ssyncset.done $0x0  }
0x98: {  	s21 =	rddreg [dreg:$0x11];
	[sflag:s30] =	ssyncadd.s32 $0xFFFFC000  }
0x99: {  	[tilespmem:s23], [sflag:$0x1] =	stream.indirect.gather [hbm4b:s4+s26], $0x80, s21, s26, $0xb8;
	[tilespmem:$0x1D000] =	vst v63  }
0x9a: {  	_ =	swait.ge [sflag:s31], $0x4000  }
0x9b: {  	[sflag:s31] =	ssyncset.done $0x0  }
0x9c: {  	s22 =	rddreg [dreg:$0x12];
	[sflag:s31] =	ssyncadd.s32 $0xFFFFC000  }
0x9d: {  	[spmem:s2] =	stream.indirect.scatter.add.f32 [tilespmem:s28], [sflag:$0x4], $0x80, s22, s26, $0xb8;
	[tilespmem:$0x1D000] =	vst v63  }
0x9e: {  	_ =	swait.ge [sflag:s0], $0x4000  }
0x9f: {  	[sflag:s0] =	ssyncset.done $0x0  }
0xa0: {  	[sflag:s0] =	ssyncadd.s32 $0xFFFFC000  }
0xa1: {  	[tilespmem:s28], [sflag:$0x2] =	stream.indirect.gather [hbm4b:s4+s26], $0x80, s1, s26, $0xb8;
	[tilespmem:$0x1D000] =	vst v63  }
0xa2: {  	_ =	swait.ge [sflag:s29], $0x4000  }
0xa3: {  	[sflag:s29] =	ssyncset.done $0x0  }
0xa4: {  	[sflag:s29] =	ssyncadd.s32 $0xFFFFC000  }
0xa5: {  	[spmem:s2] =	stream.indirect.scatter.add.f32 [tilespmem:s23], [sflag:$0x3], $0x80, s5, s26, $0xb8;
	[tilespmem:$0x1D000] =	vst v63  }
0xa6: {  	_ =	swait.ge [sflag:s30], $0x4000  }
0xa7: {  	[sflag:s30] =	ssyncset.done $0x0  }
0xa8: {  	[sflag:s30] =	ssyncadd.s32 $0xFFFFC000  }
0xa9: {  	[tilespmem:s23], [sflag:$0x1] =	stream.indirect.gather [hbm4b:s4+s26], $0x80, s6, s26, $0xb8;
	[tilespmem:$0x1D000] =	vst v63  }
0xaa: {  	_ =	swait.ge [sflag:s31], $0x4000  }
0xab: {  	[sflag:s31] =	ssyncset.done $0x0  }
0xac: {  	[sflag:s31] =	ssyncadd.s32 $0xFFFFC000  }
0xad: {  	[spmem:s2] =	stream.indirect.scatter.add.f32 [tilespmem:s28], [sflag:$0x4], $0x80, s7, s26, $0xb8;
	[tilespmem:$0x1D000] =	vst v63  }
0xae: {  	_ =	swait.ge [sflag:s0], $0x4000  }
0xaf: {  	[sflag:s0] =	ssyncset.done $0x0  }
0xb0: {  	[sflag:s0] =	ssyncadd.s32 $0xFFFFC000  }
0xb1: {  	[tilespmem:s28], [sflag:$0x2] =	stream.indirect.gather [hbm4b:s4+s26], $0x80, s9, s26, $0xb8;
	[tilespmem:$0x1D000] =	vst v63  }
0xb2: {  	_ =	swait.ge [sflag:s29], $0x4000  }
0xb3: {  	[sflag:s29] =	ssyncset.done $0x0  }
0xb4: {  	[sflag:s29] =	ssyncadd.s32 $0xFFFFC000  }
0xb5: {  	[spmem:s2] =	stream.indirect.scatter.add.f32 [tilespmem:s23], [sflag:$0x3], $0x80, s10, s26, $0xb8;
	[tilespmem:$0x1D000] =	vst v63  }
0xb6: {  	_ =	swait.ge [sflag:s30], $0x4000  }
0xb7: {  	[sflag:s30] =	ssyncset.done $0x0  }
0xb8: {  	[sflag:s30] =	ssyncadd.s32 $0xFFFFC000  }
0xb9: {  	[tilespmem:s23], [sflag:$0x1] =	stream.indirect.gather [hbm4b:s4+s26], $0x80, s11, s26, $0xb8;
	[tilespmem:$0x1D000] =	vst v63  }
0xba: {  	_ =	swait.ge [sflag:s31], $0x4000  }
0xbb: {  	[sflag:s31] =	ssyncset.done $0x0  }
0xbc: {  	[sflag:s31] =	ssyncadd.s32 $0xFFFFC000  }
0xbd: {  	[spmem:s2] =	stream.indirect.scatter.add.f32 [tilespmem:s28], [sflag:$0x4], $0x80, s12, s26, $0xb8;
	[tilespmem:$0x1D000] =	vst v63  }
0xbe: {  	_ =	swait.ge [sflag:s0], $0x4000  }
0xbf: {  	[sflag:s0] =	ssyncset.done $0x0  }
0xc0: {  	[sflag:s0] =	ssyncadd.s32 $0xFFFFC000  }
0xc1: {  	[tilespmem:s28], [sflag:$0x2] =	stream.indirect.gather [hbm4b:s4+s26], $0x80, s13, s26, $0xb8;
	[tilespmem:$0x1D000] =	vst v63  }
0xc2: {  	_ =	swait.ge [sflag:s29], $0x4000  }
0xc3: {  	[sflag:s29] =	ssyncset.done $0x0  }
0xc4: {  	[sflag:s29] =	ssyncadd.s32 $0xFFFFC000  }
0xc5: {  	[spmem:s2] =	stream.indirect.scatter.add.f32 [tilespmem:s23], [sflag:$0x3], $0x80, s14, s26, $0xb8;
	[tilespmem:$0x1D000] =	vst v63  }
0xc6: {  	_ =	swait.ge [sflag:s30], $0x4000  }
0xc7: {  	[sflag:s30] =	ssyncset.done $0x0  }
0xc8: {  	[sflag:s30] =	ssyncadd.s32 $0xFFFFC000  }
0xc9: {  	[tilespmem:s23], [sflag:$0x1] =	stream.indirect.gather [hbm4b:s4+s26], $0x80, s15, s26, $0xb8;
	[tilespmem:$0x1D000] =	vst v63  }
0xca: {  	_ =	swait.ge [sflag:s31], $0x4000  }
0xcb: {  	[sflag:s31] =	ssyncset.done $0x0  }
0xcc: {  	[sflag:s31] =	ssyncadd.s32 $0xFFFFC000  }
0xcd: {  	[spmem:s2] =	stream.indirect.scatter.add.f32 [tilespmem:s28], [sflag:$0x4], $0x80, s16, s26, $0xb8;
	[tilespmem:$0x1D000] =	vst v63  }
0xce: {  	_ =	swait.ge [sflag:s0], $0x4000  }
0xcf: {  	[sflag:s0] =	ssyncset.done $0x0  }
0xd0: {  	[sflag:s0] =	ssyncadd.s32 $0xFFFFC000  }
0xd1: {  	[tilespmem:s28], [sflag:$0x2] =	stream.indirect.gather [hbm4b:s4+s26], $0x80, s17, s26, $0xb8;
	[tilespmem:$0x1D000] =	vst v63  }
0xd2: {  	_ =	swait.ge [sflag:s29], $0x4000  }
0xd3: {  	[sflag:s29] =	ssyncset.done $0x0  }
0xd4: {  	[sflag:s29] =	ssyncadd.s32 $0xFFFFC000  }
0xd5: {  	[spmem:s2] =	stream.indirect.scatter.add.f32 [tilespmem:s23], [sflag:$0x3], $0x80, s18, s26, $0xb8;
	[tilespmem:$0x1D000] =	vst v63  }
0xd6: {  	_ =	swait.ge [sflag:s30], $0x4000  }
0xd7: {  	[sflag:s30] =	ssyncset.done $0x0  }
0xd8: {  	[sflag:s30] =	ssyncadd.s32 $0xFFFFC000  }
0xd9: {  	_ =	swait.ge [sflag:s31], $0x4000  }
0xda: {  	[sflag:s31] =	ssyncset.done $0x0  }
0xdb: {  	[sflag:s31] =	ssyncadd.s32 $0xFFFFC000  }
0xdc: {  	[spmem:s2] =	stream.indirect.scatter.add.f32 [tilespmem:s28], [sflag:$0x4], $0x80, s19, s26, $0xb8;
	[tilespmem:$0x1D000] =	vst v63  }
0xdd: {  	s8 =	simm.s32 $0x200;
	_ =	swait.ge [sflag:s0], $0x4000  }
0xde: {  	s22 =	simm.s32 $0x100;
	s21 =	rddreg [dreg:$0x4];
	[sflag:s0] =	ssyncset.done $0x0  }
.LBB2_4:
0xdf: {  	[sflag:s0] =	ssyncadd.s32 $0xFFFFC000;
	s21 =	sadd.s32 s22, s21  }
0xe0: {  	[tilespmem:s3], [sflag:$0x5] =	stream.linear.gather [hbm4b:s21+s3], $0x800, $0x38;
	[tilespmem:$0x1D000] =	vst v63  }
0xe1: {  	_ =	swait.ge [sflag:s24], $0x800  }
0xe2: {  	s21 =	rddreg [dreg:$0x3];
	[sflag:s24] =	ssyncset.done $0x0  }
0xe3: {  	[sflag:s24] =	ssyncadd.s32 $0xFFFFF800;
	s21 =	sadd.s32 s22, s21  }
0xe4: {  	[tilespmem:s25], [sflag:$0x5] =	stream.linear.gather [hbm4b:s21+s3], $0x800, $0x38;
	[tilespmem:$0x1D000] =	vst v63  }
0xe5: {  	_ =	swait.ge [sflag:s24], $0x800  }
0xe6: {  	[sflag:s24] =	ssyncset.done $0x0  }
0xe7: {  	[sflag:s24] =	ssyncadd.s32 $0xFFFFF800  }
0xe8: {  	[tilespmem:s23], [sflag:$0x1] =	stream.indirect.gather [hbm4b:s4+s26], $0x80, s3, s26, $0xb8;
	[tilespmem:$0x1D000] =	vst v63  }
0xe9: {  	_ = 	snop  }
0xea: {  	[tilespmem:s28], [sflag:$0x2] =	stream.indirect.gather [hbm4b:s4+s26], $0x80, s26, s26, $0xb8;
	[tilespmem:$0x1D000] =	vst v63  }
0xeb: {  	_ =	swait.ge [sflag:s29], $0x4000  }
0xec: {  	[sflag:s29] =	ssyncset.done $0x0  }
0xed: {  	[sflag:s29] =	ssyncadd.s32 $0xFFFFC000  }
0xee: {  	[spmem:s2] =	stream.indirect.scatter.add.f32 [tilespmem:s23], [sflag:$0x3], $0x80, s25, s26, $0xb8;
	[tilespmem:$0x1D000] =	vst v63  }
0xef: {  	_ =	swait.ge [sflag:s30], $0x4000  }
0xf0: {  	[sflag:s30] =	ssyncset.done $0x0  }
0xf1: {  	s21 =	rddreg [dreg:$0x5];
	[sflag:s30] =	ssyncadd.s32 $0xFFFFC000  }
0xf2: {  	[tilespmem:s23], [sflag:$0x1] =	stream.indirect.gather [hbm4b:s4+s26], $0x80, s21, s26, $0xb8;
	[tilespmem:$0x1D000] =	vst v63  }
0xf3: {  	_ =	swait.ge [sflag:s31], $0x4000  }
0xf4: {  	[sflag:s31] =	ssyncset.done $0x0  }
0xf5: {  	s21 =	rddreg [dreg:$0x6];
	[sflag:s31] =	ssyncadd.s32 $0xFFFFC000  }
0xf6: {  	[spmem:s2] =	stream.indirect.scatter.add.f32 [tilespmem:s28], [sflag:$0x4], $0x80, s21, s26, $0xb8;
	[tilespmem:$0x1D000] =	vst v63  }
0xf7: {  	_ =	swait.ge [sflag:s0], $0x4000  }
0xf8: {  	[sflag:s0] =	ssyncset.done $0x0  }
0xf9: {  	s21 =	rddreg [dreg:$0x7];
	[sflag:s0] =	ssyncadd.s32 $0xFFFFC000  }
0xfa: {  	[tilespmem:s28], [sflag:$0x2] =	stream.indirect.gather [hbm4b:s4+s26], $0x80, s21, s26, $0xb8;
	[tilespmem:$0x1D000] =	vst v63  }
0xfb: {  	_ =	swait.ge [sflag:s29], $0x4000  }
0xfc: {  	[sflag:s29] =	ssyncset.done $0x0  }
0xfd: {  	s21 =	rddreg [dreg:$0x8];
	[sflag:s29] =	ssyncadd.s32 $0xFFFFC000  }
0xfe: {  	[spmem:s2] =	stream.indirect.scatter.add.f32 [tilespmem:s23], [sflag:$0x3], $0x80, s21, s26, $0xb8;
	[tilespmem:$0x1D000] =	vst v63  }
0xff: {  	_ =	swait.ge [sflag:s30], $0x4000  }
0x100: {  	[sflag:s30] =	ssyncset.done $0x0  }
0x101: {  	s21 =	rddreg [dreg:$0x9];
	[sflag:s30] =	ssyncadd.s32 $0xFFFFC000  }
0x102: {  	[tilespmem:s23], [sflag:$0x1] =	stream.indirect.gather [hbm4b:s4+s26], $0x80, s21, s26, $0xb8;
	[tilespmem:$0x1D000] =	vst v63  }
0x103: {  	_ =	swait.ge [sflag:s31], $0x4000  }
0x104: {  	[sflag:s31] =	ssyncset.done $0x0  }
0x105: {  	s21 =	rddreg [dreg:$0xa];
	[sflag:s31] =	ssyncadd.s32 $0xFFFFC000  }
0x106: {  	[spmem:s2] =	stream.indirect.scatter.add.f32 [tilespmem:s28], [sflag:$0x4], $0x80, s21, s26, $0xb8;
	[tilespmem:$0x1D000] =	vst v63  }
0x107: {  	_ =	swait.ge [sflag:s0], $0x4000  }
0x108: {  	[sflag:s0] =	ssyncset.done $0x0  }
0x109: {  	s21 =	rddreg [dreg:$0xb];
	[sflag:s0] =	ssyncadd.s32 $0xFFFFC000  }
0x10a: {  	[tilespmem:s28], [sflag:$0x2] =	stream.indirect.gather [hbm4b:s4+s26], $0x80, s21, s26, $0xb8;
	[tilespmem:$0x1D000] =	vst v63  }
0x10b: {  	_ =	swait.ge [sflag:s29], $0x4000  }
0x10c: {  	[sflag:s29] =	ssyncset.done $0x0  }
0x10d: {  	s21 =	rddreg [dreg:$0xc];
	[sflag:s29] =	ssyncadd.s32 $0xFFFFC000  }
0x10e: {  	[spmem:s2] =	stream.indirect.scatter.add.f32 [tilespmem:s23], [sflag:$0x3], $0x80, s21, s26, $0xb8;
	[tilespmem:$0x1D000] =	vst v63  }
0x10f: {  	_ =	swait.ge [sflag:s30], $0x4000  }
0x110: {  	[sflag:s30] =	ssyncset.done $0x0  }
0x111: {  	s21 =	rddreg [dreg:$0xd];
	[sflag:s30] =	ssyncadd.s32 $0xFFFFC000  }
0x112: {  	[tilespmem:s23], [sflag:$0x1] =	stream.indirect.gather [hbm4b:s4+s26], $0x80, s21, s26, $0xb8;
	[tilespmem:$0x1D000] =	vst v63  }
0x113: {  	_ =	swait.ge [sflag:s31], $0x4000  }
0x114: {  	[sflag:s31] =	ssyncset.done $0x0  }
0x115: {  	s21 =	rddreg [dreg:$0xe];
	[sflag:s31] =	ssyncadd.s32 $0xFFFFC000  }
0x116: {  	[spmem:s2] =	stream.indirect.scatter.add.f32 [tilespmem:s28], [sflag:$0x4], $0x80, s21, s26, $0xb8;
	[tilespmem:$0x1D000] =	vst v63  }
0x117: {  	_ =	swait.ge [sflag:s0], $0x4000  }
0x118: {  	[sflag:s0] =	ssyncset.done $0x0  }
0x119: {  	s21 =	rddreg [dreg:$0xf];
	[sflag:s0] =	ssyncadd.s32 $0xFFFFC000  }
0x11a: {  	[tilespmem:s28], [sflag:$0x2] =	stream.indirect.gather [hbm4b:s4+s26], $0x80, s21, s26, $0xb8;
	[tilespmem:$0x1D000] =	vst v63  }
0x11b: {  	_ =	swait.ge [sflag:s29], $0x4000  }
0x11c: {  	[sflag:s29] =	ssyncset.done $0x0  }
0x11d: {  	s21 =	rddreg [dreg:$0x10];
	[sflag:s29] =	ssyncadd.s32 $0xFFFFC000  }
0x11e: {  	[spmem:s2] =	stream.indirect.scatter.add.f32 [tilespmem:s23], [sflag:$0x3], $0x80, s21, s26, $0xb8;
	[tilespmem:$0x1D000] =	vst v63  }
0x11f: {  	_ =	swait.ge [sflag:s30], $0x4000  }
0x120: {  	[sflag:s30] =	ssyncset.done $0x0  }
0x121: {  	s21 =	rddreg [dreg:$0x11];
	[sflag:s30] =	ssyncadd.s32 $0xFFFFC000  }
0x122: {  	[tilespmem:s23], [sflag:$0x1] =	stream.indirect.gather [hbm4b:s4+s26], $0x80, s21, s26, $0xb8;
	[tilespmem:$0x1D000] =	vst v63  }
0x123: {  	_ =	swait.ge [sflag:s31], $0x4000  }
0x124: {  	[sflag:s31] =	ssyncset.done $0x0  }
0x125: {  	s21 =	rddreg [dreg:$0x12];
	[sflag:s31] =	ssyncadd.s32 $0xFFFFC000  }
0x126: {  	[spmem:s2] =	stream.indirect.scatter.add.f32 [tilespmem:s28], [sflag:$0x4], $0x80, s21, s26, $0xb8;
	[tilespmem:$0x1D000] =	vst v63  }
0x127: {  	_ =	swait.ge [sflag:s0], $0x4000  }
0x128: {  	[sflag:s0] =	ssyncset.done $0x0  }
0x129: {  	[sflag:s0] =	ssyncadd.s32 $0xFFFFC000  }
0x12a: {  	[tilespmem:s28], [sflag:$0x2] =	stream.indirect.gather [hbm4b:s4+s26], $0x80, s1, s26, $0xb8;
	[tilespmem:$0x1D000] =	vst v63  }
0x12b: {  	_ =	swait.ge [sflag:s29], $0x4000  }
0x12c: {  	[sflag:s29] =	ssyncset.done $0x0  }
0x12d: {  	[sflag:s29] =	ssyncadd.s32 $0xFFFFC000  }
0x12e: {  	[spmem:s2] =	stream.indirect.scatter.add.f32 [tilespmem:s23], [sflag:$0x3], $0x80, s5, s26, $0xb8;
	[tilespmem:$0x1D000] =	vst v63  }
0x12f: {  	_ =	swait.ge [sflag:s30], $0x4000  }
0x130: {  	[sflag:s30] =	ssyncset.done $0x0  }
0x131: {  	[sflag:s30] =	ssyncadd.s32 $0xFFFFC000  }
0x132: {  	[tilespmem:s23], [sflag:$0x1] =	stream.indirect.gather [hbm4b:s4+s26], $0x80, s6, s26, $0xb8;
	[tilespmem:$0x1D000] =	vst v63  }
0x133: {  	_ =	swait.ge [sflag:s31], $0x4000  }
0x134: {  	[sflag:s31] =	ssyncset.done $0x0  }
0x135: {  	[sflag:s31] =	ssyncadd.s32 $0xFFFFC000  }
0x136: {  	[spmem:s2] =	stream.indirect.scatter.add.f32 [tilespmem:s28], [sflag:$0x4], $0x80, s7, s26, $0xb8;
	[tilespmem:$0x1D000] =	vst v63  }
0x137: {  	_ =	swait.ge [sflag:s0], $0x4000  }
0x138: {  	[sflag:s0] =	ssyncset.done $0x0  }
0x139: {  	[sflag:s0] =	ssyncadd.s32 $0xFFFFC000  }
0x13a: {  	[tilespmem:s28], [sflag:$0x2] =	stream.indirect.gather [hbm4b:s4+s26], $0x80, s9, s26, $0xb8;
	[tilespmem:$0x1D000] =	vst v63  }
0x13b: {  	_ =	swait.ge [sflag:s29], $0x4000  }
0x13c: {  	[sflag:s29] =	ssyncset.done $0x0  }
0x13d: {  	[sflag:s29] =	ssyncadd.s32 $0xFFFFC000  }
0x13e: {  	[spmem:s2] =	stream.indirect.scatter.add.f32 [tilespmem:s23], [sflag:$0x3], $0x80, s10, s26, $0xb8;
	[tilespmem:$0x1D000] =	vst v63  }
0x13f: {  	_ =	swait.ge [sflag:s30], $0x4000  }
0x140: {  	[sflag:s30] =	ssyncset.done $0x0  }
0x141: {  	[sflag:s30] =	ssyncadd.s32 $0xFFFFC000  }
0x142: {  	[tilespmem:s23], [sflag:$0x1] =	stream.indirect.gather [hbm4b:s4+s26], $0x80, s11, s26, $0xb8;
	[tilespmem:$0x1D000] =	vst v63  }
0x143: {  	_ =	swait.ge [sflag:s31], $0x4000  }
0x144: {  	[sflag:s31] =	ssyncset.done $0x0  }
0x145: {  	[sflag:s31] =	ssyncadd.s32 $0xFFFFC000  }
0x146: {  	[spmem:s2] =	stream.indirect.scatter.add.f32 [tilespmem:s28], [sflag:$0x4], $0x80, s12, s26, $0xb8;
	[tilespmem:$0x1D000] =	vst v63  }
0x147: {  	_ =	swait.ge [sflag:s0], $0x4000  }
0x148: {  	[sflag:s0] =	ssyncset.done $0x0  }
0x149: {  	[sflag:s0] =	ssyncadd.s32 $0xFFFFC000  }
0x14a: {  	[tilespmem:s28], [sflag:$0x2] =	stream.indirect.gather [hbm4b:s4+s26], $0x80, s13, s26, $0xb8;
	[tilespmem:$0x1D000] =	vst v63  }
0x14b: {  	_ =	swait.ge [sflag:s29], $0x4000  }
0x14c: {  	[sflag:s29] =	ssyncset.done $0x0  }
0x14d: {  	[sflag:s29] =	ssyncadd.s32 $0xFFFFC000  }
0x14e: {  	[spmem:s2] =	stream.indirect.scatter.add.f32 [tilespmem:s23], [sflag:$0x3], $0x80, s14, s26, $0xb8;
	[tilespmem:$0x1D000] =	vst v63  }
0x14f: {  	_ =	swait.ge [sflag:s30], $0x4000  }
0x150: {  	[sflag:s30] =	ssyncset.done $0x0  }
0x151: {  	[sflag:s30] =	ssyncadd.s32 $0xFFFFC000  }
0x152: {  	[tilespmem:s23], [sflag:$0x1] =	stream.indirect.gather [hbm4b:s4+s26], $0x80, s15, s26, $0xb8;
	[tilespmem:$0x1D000] =	vst v63  }
0x153: {  	_ =	swait.ge [sflag:s31], $0x4000  }
0x154: {  	[sflag:s31] =	ssyncset.done $0x0  }
0x155: {  	[sflag:s31] =	ssyncadd.s32 $0xFFFFC000  }
0x156: {  	[spmem:s2] =	stream.indirect.scatter.add.f32 [tilespmem:s28], [sflag:$0x4], $0x80, s16, s26, $0xb8;
	[tilespmem:$0x1D000] =	vst v63  }
0x157: {  	_ =	swait.ge [sflag:s0], $0x4000  }
0x158: {  	[sflag:s0] =	ssyncset.done $0x0  }
0x159: {  	[sflag:s0] =	ssyncadd.s32 $0xFFFFC000  }
0x15a: {  	[tilespmem:s28], [sflag:$0x2] =	stream.indirect.gather [hbm4b:s4+s26], $0x80, s17, s26, $0xb8;
	[tilespmem:$0x1D000] =	vst v63  }
0x15b: {  	_ =	swait.ge [sflag:s29], $0x4000  }
0x15c: {  	[sflag:s29] =	ssyncset.done $0x0  }
0x15d: {  	[sflag:s29] =	ssyncadd.s32 $0xFFFFC000  }
0x15e: {  	[spmem:s2] =	stream.indirect.scatter.add.f32 [tilespmem:s23], [sflag:$0x3], $0x80, s18, s26, $0xb8;
	[tilespmem:$0x1D000] =	vst v63  }
0x15f: {  	_ =	swait.ge [sflag:s30], $0x4000  }
0x160: {  	[sflag:s30] =	ssyncset.done $0x0  }
0x161: {  	[sflag:s30] =	ssyncadd.s32 $0xFFFFC000  }
0x162: {  	p2 =	sne.s32 s8, $0x400;
	_ =	swait.ge [sflag:s31], $0x4000  }
.Ltmp1:
0x163: {  	[sflag:s31] =	ssyncset.done $0x0;
	(pc) =	sbr.rel @p2 .LBB2_4-.Ltmp1, $4  }
0x164: {  	[sflag:s31] =	ssyncadd.s32 $0xFFFFC000  }
0x165: {  	[spmem:s2] =	stream.indirect.scatter.add.f32 [tilespmem:s28], [sflag:$0x4], $0x80, s19, s26, $0xb8;
	[tilespmem:$0x1D000] =	vst v63  }
0x166: {  	s20 =	smov.u32 s8;
	s8 =	sadd.s32 $0x100, s8;
	_ =	swait.ge [sflag:s0], $0x4000  }
0x167: {  	s22 =	smov.u32 s20;
	s21 =	rddreg [dreg:$0x4];
	[sflag:s0] =	ssyncset.done $0x0  }
0x168: {  	[sflag:s0] =	ssyncadd.s32 $0xFFFFC000;
	s8 =	sadd.s32 s22, s21  }
0x169: {  	[tilespmem:s3], [sflag:$0x5] =	stream.linear.gather [hbm4b:s8+s3], $0x800, $0x38;
	[tilespmem:$0x1D000] =	vst v63  }
0x16a: {  	_ =	swait.ge [sflag:s24], $0x800  }
0x16b: {  	s21 =	rddreg [dreg:$0x3];
	[sflag:s24] =	ssyncset.done $0x0  }
0x16c: {  	[sflag:s24] =	ssyncadd.s32 $0xFFFFF800;
	s8 =	sadd.s32 s22, s21  }
0x16d: {  	[tilespmem:s25], [sflag:$0x5] =	stream.linear.gather [hbm4b:s8+s3], $0x800, $0x38;
	[tilespmem:$0x1D000] =	vst v63  }
0x16e: {  	_ =	swait.ge [sflag:s24], $0x800  }
0x16f: {  	[sflag:s24] =	ssyncset.done $0x0  }
0x170: {  	[sflag:s24] =	ssyncadd.s32 $0xFFFFF800  }
0x171: {  	[tilespmem:s23], [sflag:$0x1] =	stream.indirect.gather [hbm4b:s4+s26], $0x80, s3, s26, $0xb8;
	[tilespmem:$0x1D000] =	vst v63  }
0x172: {  	_ = 	snop  }
0x173: {  	[tilespmem:s28], [sflag:$0x2] =	stream.indirect.gather [hbm4b:s4+s26], $0x80, s26, s26, $0xb8;
	[tilespmem:$0x1D000] =	vst v63  }
0x174: {  	_ =	swait.ge [sflag:s29], $0x4000  }
0x175: {  	[sflag:s29] =	ssyncset.done $0x0  }
0x176: {  	[sflag:s29] =	ssyncadd.s32 $0xFFFFC000  }
0x177: {  	[spmem:s2] =	stream.indirect.scatter.add.f32 [tilespmem:s23], [sflag:$0x3], $0x80, s25, s26, $0xb8;
	[tilespmem:$0x1D000] =	vst v63  }
0x178: {  	_ =	swait.ge [sflag:s30], $0x4000  }
0x179: {  	[sflag:s30] =	ssyncset.done $0x0  }
0x17a: {  	s22 =	rddreg [dreg:$0x5];
	[sflag:s30] =	ssyncadd.s32 $0xFFFFC000  }
0x17b: {  	[tilespmem:s23], [sflag:$0x1] =	stream.indirect.gather [hbm4b:s4+s26], $0x80, s22, s26, $0xb8;
	[tilespmem:$0x1D000] =	vst v63  }
0x17c: {  	_ =	swait.ge [sflag:s31], $0x4000  }
0x17d: {  	[sflag:s31] =	ssyncset.done $0x0  }
0x17e: {  	s20 =	rddreg [dreg:$0x6];
	[sflag:s31] =	ssyncadd.s32 $0xFFFFC000  }
0x17f: {  	[spmem:s2] =	stream.indirect.scatter.add.f32 [tilespmem:s28], [sflag:$0x4], $0x80, s20, s26, $0xb8;
	[tilespmem:$0x1D000] =	vst v63  }
0x180: {  	_ =	swait.ge [sflag:s0], $0x4000  }
0x181: {  	[sflag:s0] =	ssyncset.done $0x0  }
0x182: {  	s21 =	rddreg [dreg:$0x7];
	[sflag:s0] =	ssyncadd.s32 $0xFFFFC000  }
0x183: {  	[tilespmem:s28], [sflag:$0x2] =	stream.indirect.gather [hbm4b:s4+s26], $0x80, s21, s26, $0xb8;
	[tilespmem:$0x1D000] =	vst v63  }
0x184: {  	_ =	swait.ge [sflag:s29], $0x4000  }
0x185: {  	[sflag:s29] =	ssyncset.done $0x0  }
0x186: {  	s22 =	rddreg [dreg:$0x8];
	[sflag:s29] =	ssyncadd.s32 $0xFFFFC000  }
0x187: {  	[spmem:s2] =	stream.indirect.scatter.add.f32 [tilespmem:s23], [sflag:$0x3], $0x80, s22, s26, $0xb8;
	[tilespmem:$0x1D000] =	vst v63  }
0x188: {  	_ =	swait.ge [sflag:s30], $0x4000  }
0x189: {  	[sflag:s30] =	ssyncset.done $0x0  }
0x18a: {  	s20 =	rddreg [dreg:$0x9];
	[sflag:s30] =	ssyncadd.s32 $0xFFFFC000  }
0x18b: {  	[tilespmem:s23], [sflag:$0x1] =	stream.indirect.gather [hbm4b:s4+s26], $0x80, s20, s26, $0xb8;
	[tilespmem:$0x1D000] =	vst v63  }
0x18c: {  	_ =	swait.ge [sflag:s31], $0x4000  }
0x18d: {  	[sflag:s31] =	ssyncset.done $0x0  }
0x18e: {  	s21 =	rddreg [dreg:$0xa];
	[sflag:s31] =	ssyncadd.s32 $0xFFFFC000  }
0x18f: {  	[spmem:s2] =	stream.indirect.scatter.add.f32 [tilespmem:s28], [sflag:$0x4], $0x80, s21, s26, $0xb8;
	[tilespmem:$0x1D000] =	vst v63  }
0x190: {  	_ =	swait.ge [sflag:s0], $0x4000  }
0x191: {  	[sflag:s0] =	ssyncset.done $0x0  }
0x192: {  	s22 =	rddreg [dreg:$0xb];
	[sflag:s0] =	ssyncadd.s32 $0xFFFFC000  }
0x193: {  	[tilespmem:s28], [sflag:$0x2] =	stream.indirect.gather [hbm4b:s4+s26], $0x80, s22, s26, $0xb8;
	[tilespmem:$0x1D000] =	vst v63  }
0x194: {  	_ =	swait.ge [sflag:s29], $0x4000  }
0x195: {  	[sflag:s29] =	ssyncset.done $0x0  }
0x196: {  	s20 =	rddreg [dreg:$0xc];
	[sflag:s29] =	ssyncadd.s32 $0xFFFFC000  }
0x197: {  	[spmem:s2] =	stream.indirect.scatter.add.f32 [tilespmem:s23], [sflag:$0x3], $0x80, s20, s26, $0xb8;
	[tilespmem:$0x1D000] =	vst v63  }
0x198: {  	_ =	swait.ge [sflag:s30], $0x4000  }
0x199: {  	[sflag:s30] =	ssyncset.done $0x0  }
0x19a: {  	s21 =	rddreg [dreg:$0xd];
	[sflag:s30] =	ssyncadd.s32 $0xFFFFC000  }
0x19b: {  	[tilespmem:s23], [sflag:$0x1] =	stream.indirect.gather [hbm4b:s4+s26], $0x80, s21, s26, $0xb8;
	[tilespmem:$0x1D000] =	vst v63  }
0x19c: {  	_ =	swait.ge [sflag:s31], $0x4000  }
0x19d: {  	[sflag:s31] =	ssyncset.done $0x0  }
0x19e: {  	s22 =	rddreg [dreg:$0xe];
	[sflag:s31] =	ssyncadd.s32 $0xFFFFC000  }
0x19f: {  	[spmem:s2] =	stream.indirect.scatter.add.f32 [tilespmem:s28], [sflag:$0x4], $0x80, s22, s26, $0xb8;
	[tilespmem:$0x1D000] =	vst v63  }
0x1a0: {  	_ =	swait.ge [sflag:s0], $0x4000  }
0x1a1: {  	[sflag:s0] =	ssyncset.done $0x0  }
0x1a2: {  	s20 =	rddreg [dreg:$0xf];
	[sflag:s0] =	ssyncadd.s32 $0xFFFFC000  }
0x1a3: {  	[tilespmem:s28], [sflag:$0x2] =	stream.indirect.gather [hbm4b:s4+s26], $0x80, s20, s26, $0xb8;
	[tilespmem:$0x1D000] =	vst v63  }
0x1a4: {  	_ =	swait.ge [sflag:s29], $0x4000  }
0x1a5: {  	[sflag:s29] =	ssyncset.done $0x0  }
0x1a6: {  	s21 =	rddreg [dreg:$0x10];
	[sflag:s29] =	ssyncadd.s32 $0xFFFFC000  }
0x1a7: {  	[spmem:s2] =	stream.indirect.scatter.add.f32 [tilespmem:s23], [sflag:$0x3], $0x80, s21, s26, $0xb8;
	[tilespmem:$0x1D000] =	vst v63  }
0x1a8: {  	_ =	swait.ge [sflag:s30], $0x4000  }
0x1a9: {  	[sflag:s30] =	ssyncset.done $0x0  }
0x1aa: {  	s22 =	rddreg [dreg:$0x11];
	[sflag:s30] =	ssyncadd.s32 $0xFFFFC000  }
0x1ab: {  	[tilespmem:s23], [sflag:$0x1] =	stream.indirect.gather [hbm4b:s4+s26], $0x80, s22, s26, $0xb8;
	[tilespmem:$0x1D000] =	vst v63  }
0x1ac: {  	_ =	swait.ge [sflag:s31], $0x4000  }
0x1ad: {  	[sflag:s31] =	ssyncset.done $0x0  }
0x1ae: {  	s20 =	rddreg [dreg:$0x12];
	[sflag:s31] =	ssyncadd.s32 $0xFFFFC000  }
0x1af: {  	[spmem:s2] =	stream.indirect.scatter.add.f32 [tilespmem:s28], [sflag:$0x4], $0x80, s20, s26, $0xb8;
	[tilespmem:$0x1D000] =	vst v63  }
0x1b0: {  	_ =	swait.ge [sflag:s0], $0x4000  }
0x1b1: {  	[sflag:s0] =	ssyncset.done $0x0  }
0x1b2: {  	[sflag:s0] =	ssyncadd.s32 $0xFFFFC000  }
0x1b3: {  	[tilespmem:s28], [sflag:$0x2] =	stream.indirect.gather [hbm4b:s4+s26], $0x80, s1, s26, $0xb8;
	[tilespmem:$0x1D000] =	vst v63  }
0x1b4: {  	_ =	swait.ge [sflag:s29], $0x4000  }
0x1b5: {  	[sflag:s29] =	ssyncset.done $0x0  }
0x1b6: {  	[sflag:s29] =	ssyncadd.s32 $0xFFFFC000  }
0x1b7: {  	[spmem:s2] =	stream.indirect.scatter.add.f32 [tilespmem:s23], [sflag:$0x3], $0x80, s5, s26, $0xb8;
	[tilespmem:$0x1D000] =	vst v63  }
0x1b8: {  	_ =	swait.ge [sflag:s30], $0x4000  }
0x1b9: {  	[sflag:s30] =	ssyncset.done $0x0  }
0x1ba: {  	[sflag:s30] =	ssyncadd.s32 $0xFFFFC000  }
0x1bb: {  	[tilespmem:s23], [sflag:$0x1] =	stream.indirect.gather [hbm4b:s4+s26], $0x80, s6, s26, $0xb8;
	[tilespmem:$0x1D000] =	vst v63  }
0x1bc: {  	_ =	swait.ge [sflag:s31], $0x4000  }
0x1bd: {  	[sflag:s31] =	ssyncset.done $0x0  }
0x1be: {  	[sflag:s31] =	ssyncadd.s32 $0xFFFFC000  }
0x1bf: {  	[spmem:s2] =	stream.indirect.scatter.add.f32 [tilespmem:s28], [sflag:$0x4], $0x80, s7, s26, $0xb8;
	[tilespmem:$0x1D000] =	vst v63  }
0x1c0: {  	_ =	swait.ge [sflag:s0], $0x4000  }
0x1c1: {  	[sflag:s0] =	ssyncset.done $0x0  }
0x1c2: {  	[sflag:s0] =	ssyncadd.s32 $0xFFFFC000  }
0x1c3: {  	[tilespmem:s28], [sflag:$0x2] =	stream.indirect.gather [hbm4b:s4+s26], $0x80, s9, s26, $0xb8;
	[tilespmem:$0x1D000] =	vst v63  }
0x1c4: {  	_ =	swait.ge [sflag:s29], $0x4000  }
0x1c5: {  	[sflag:s29] =	ssyncset.done $0x0  }
0x1c6: {  	[sflag:s29] =	ssyncadd.s32 $0xFFFFC000  }
0x1c7: {  	[spmem:s2] =	stream.indirect.scatter.add.f32 [tilespmem:s23], [sflag:$0x3], $0x80, s10, s26, $0xb8;
	[tilespmem:$0x1D000] =	vst v63  }
0x1c8: {  	_ =	swait.ge [sflag:s30], $0x4000  }
0x1c9: {  	[sflag:s30] =	ssyncset.done $0x0  }
0x1ca: {  	[sflag:s30] =	ssyncadd.s32 $0xFFFFC000  }
0x1cb: {  	[tilespmem:s23], [sflag:$0x1] =	stream.indirect.gather [hbm4b:s4+s26], $0x80, s11, s26, $0xb8;
	[tilespmem:$0x1D000] =	vst v63  }
0x1cc: {  	_ =	swait.ge [sflag:s31], $0x4000  }
0x1cd: {  	[sflag:s31] =	ssyncset.done $0x0  }
0x1ce: {  	[sflag:s31] =	ssyncadd.s32 $0xFFFFC000  }
0x1cf: {  	[spmem:s2] =	stream.indirect.scatter.add.f32 [tilespmem:s28], [sflag:$0x4], $0x80, s12, s26, $0xb8;
	[tilespmem:$0x1D000] =	vst v63  }
0x1d0: {  	_ =	swait.ge [sflag:s0], $0x4000  }
0x1d1: {  	[sflag:s0] =	ssyncset.done $0x0  }
0x1d2: {  	[sflag:s0] =	ssyncadd.s32 $0xFFFFC000  }
0x1d3: {  	[tilespmem:s28], [sflag:$0x2] =	stream.indirect.gather [hbm4b:s4+s26], $0x80, s13, s26, $0xb8;
	[tilespmem:$0x1D000] =	vst v63  }
0x1d4: {  	_ =	swait.ge [sflag:s29], $0x4000  }
0x1d5: {  	[sflag:s29] =	ssyncset.done $0x0  }
0x1d6: {  	[sflag:s29] =	ssyncadd.s32 $0xFFFFC000  }
0x1d7: {  	[spmem:s2] =	stream.indirect.scatter.add.f32 [tilespmem:s23], [sflag:$0x3], $0x80, s14, s26, $0xb8;
	[tilespmem:$0x1D000] =	vst v63  }
0x1d8: {  	_ =	swait.ge [sflag:s30], $0x4000  }
0x1d9: {  	[sflag:s30] =	ssyncset.done $0x0  }
0x1da: {  	[sflag:s30] =	ssyncadd.s32 $0xFFFFC000  }
0x1db: {  	[tilespmem:s23], [sflag:$0x1] =	stream.indirect.gather [hbm4b:s4+s26], $0x80, s15, s26, $0xb8;
	[tilespmem:$0x1D000] =	vst v63  }
0x1dc: {  	_ =	swait.ge [sflag:s31], $0x4000  }
0x1dd: {  	[sflag:s31] =	ssyncset.done $0x0  }
0x1de: {  	[sflag:s31] =	ssyncadd.s32 $0xFFFFC000  }
0x1df: {  	[spmem:s2] =	stream.indirect.scatter.add.f32 [tilespmem:s28], [sflag:$0x4], $0x80, s16, s26, $0xb8;
	[tilespmem:$0x1D000] =	vst v63  }
0x1e0: {  	_ =	swait.ge [sflag:s0], $0x4000  }
0x1e1: {  	[sflag:s0] =	ssyncset.done $0x0  }
0x1e2: {  	[sflag:s0] =	ssyncadd.s32 $0xFFFFC000  }
0x1e3: {  	[tilespmem:s28], [sflag:$0x2] =	stream.indirect.gather [hbm4b:s4+s26], $0x80, s17, s26, $0xb8;
	[tilespmem:$0x1D000] =	vst v63  }
0x1e4: {  	_ =	swait.ge [sflag:s29], $0x4000  }
0x1e5: {  	[sflag:s29] =	ssyncset.done $0x0  }
0x1e6: {  	[sflag:s29] =	ssyncadd.s32 $0xFFFFC000  }
0x1e7: {  	[spmem:s2] =	stream.indirect.scatter.add.f32 [tilespmem:s23], [sflag:$0x3], $0x80, s18, s26, $0xb8;
	[tilespmem:$0x1D000] =	vst v63  }
0x1e8: {  	_ =	swait.ge [sflag:s30], $0x4000  }
0x1e9: {  	[sflag:s30] =	ssyncset.done $0x0  }
0x1ea: {  	[sflag:s30] =	ssyncadd.s32 $0xFFFFC000  }
0x1eb: {  	_ =	swait.ge [sflag:s31], $0x4000  }
0x1ec: {  	[sflag:s31] =	ssyncset.done $0x0  }
0x1ed: {  	[sflag:s31] =	ssyncadd.s32 $0xFFFFC000  }
0x1ee: {  	[spmem:s2] =	stream.indirect.scatter.add.f32 [tilespmem:s28], [sflag:$0x4], $0x80, s19, s26, $0xb8;
	[tilespmem:$0x1D000] =	vst v63  }
0x1ef: {  	_ =	swait.ge [sflag:s0], $0x4000  }
0x1f0: {  	[sflag:s0] =	ssyncset.done $0x0  }
0x1f1: {  	[sflag:s0] =	ssyncadd.s32 $0xFFFFC000  }
0x1f2: {  	[bflag:$0x0] =	sbarrier.arrive $0xFFFF  }
0x1f3: {  	s20 =	simm.s32 $0x6;
	s21 =	rddreg [dreg:$0x1b]  }
0x1f4: {  	[tilespmem:s23], [sflag:$0x6] =	stream.linear.gather [spmem:s21], $0x4000, $0x38;
	[tilespmem:$0x1D000] =	vst v63  }
0x1f5: {  	_ =	swait.ge [sflag:s20], $0x4000  }
0x1f6: {  	[sflag:s20] =	ssyncset.done $0x0  }
0x1f7: {  	s22 =	rddreg [dreg:$0x1c];
	[sflag:s20] =	ssyncadd.s32 $0xFFFFC000  }
0x1f8: {  	[hbm4b:s22+s3] =	stream.linear.scatter [tilespmem:s23], [sflag:$0x6], $0x4000, $0x38;
	[tilespmem:$0x1D000] =	vst v63  }
0x1f9: {  	_ =	swait.ge [sflag:s20], $0x4000  }
0x1fa: {  	[sflag:s20] =	ssyncset.done $0x0  }
0x1fb: {  	s21 =	rddreg [dreg:$0x1d];
	[sflag:s20] =	ssyncadd.s32 $0xFFFFC000  }
0x1fc: {  	[tilespmem:s23], [sflag:$0x6] =	stream.linear.gather [spmem:s21], $0x4000, $0x38;
	[tilespmem:$0x1D000] =	vst v63  }
0x1fd: {  	_ =	swait.ge [sflag:s20], $0x4000  }
0x1fe: {  	[sflag:s20] =	ssyncset.done $0x0  }
0x1ff: {  	s22 =	rddreg [dreg:$0x1e];
	[sflag:s20] =	ssyncadd.s32 $0xFFFFC000  }
0x200: {  	[hbm4b:s22+s3] =	stream.linear.scatter [tilespmem:s23], [sflag:$0x6], $0x4000, $0x38;
	[tilespmem:$0x1D000] =	vst v63  }
0x201: {  	_ =	swait.ge [sflag:s20], $0x4000  }
0x202: {  	[sflag:s20] =	ssyncset.done $0x0  }
0x203: {  	s21 =	rddreg [dreg:$0x1f];
	[sflag:s20] =	ssyncadd.s32 $0xFFFFC000  }
0x204: {  	[tilespmem:s23], [sflag:$0x6] =	stream.linear.gather [spmem:s21], $0x4000, $0x38;
	[tilespmem:$0x1D000] =	vst v63  }
0x205: {  	_ =	swait.ge [sflag:s20], $0x4000  }
0x206: {  	s22 =	sld [smem:$0x7F9]  }
0x207: {  	[sflag:s20] =	ssyncset.done $0x0  }
0x208: {  	[sflag:s20] =	ssyncadd.s32 $0xFFFFC000  }
0x209: {  	[hbm4b:s22+s3] =	stream.linear.scatter [tilespmem:s23], [sflag:$0x6], $0x4000, $0x38;
	[tilespmem:$0x1D000] =	vst v63  }
0x20a: {  	_ =	swait.ge [sflag:s20], $0x4000  }
0x20b: {  	s21 =	sld [smem:$0x7FA]  }
0x20c: {  	[sflag:s20] =	ssyncset.done $0x0  }
0x20d: {  	[sflag:s20] =	ssyncadd.s32 $0xFFFFC000  }
0x20e: {  	[tilespmem:s23], [sflag:$0x6] =	stream.linear.gather [spmem:s21], $0x4000, $0x38;
	[tilespmem:$0x1D000] =	vst v63  }
0x20f: {  	_ =	swait.ge [sflag:s20], $0x4000  }
0x210: {  	s22 =	sld [smem:$0x7FB]  }
0x211: {  	[sflag:s20] =	ssyncset.done $0x0  }
0x212: {  	[sflag:s20] =	ssyncadd.s32 $0xFFFFC000  }
0x213: {  	[hbm4b:s22+s3] =	stream.linear.scatter [tilespmem:s23], [sflag:$0x6], $0x4000, $0x38;
	[tilespmem:$0x1D000] =	vst v63  }
0x214: {  	_ =	swait.ge [sflag:s20], $0x4000  }
0x215: {  	[sflag:s20] =	ssyncset.done $0x0  }
0x216: {  	[sflag:s20] =	ssyncadd.s32 $0xFFFFC000;
	s20 =	sld [smem:$0x7FC];
	_ =	sdelay $0x1  }
0x217: {  	s8 =	simm.s32 @p0 $0x1000  }
0x218: {  	[tilespmem:s8], [sflag:$0x6] =	stream.linear.gather @p0 [spmem:s20], $0x4000, $0x38;
	[tilespmem:$0x1D000] =	vst v63  }
0x219: {  	s20 =	simm.s32 @p0 $0x6  }
0x21a: {  	_ =	swait.ge @p0 [sflag:s20], $0x4000  }
0x21b: {  	s22 =	sld [smem:$0x7FD]  }
0x21c: {  	[sflag:s20] =	ssyncset.done @p0 $0x0  }
0x21d: {  	s21 =	simm.s32 @p0 $0x0;
	[sflag:s20] =	ssyncadd.s32 @p0 $0xFFFFC000  }
0x21e: {  	[hbm4b:s22+s21] =	stream.linear.scatter @p0 [tilespmem:s8], [sflag:$0x6], $0x4000, $0x38;
	[tilespmem:$0x1D000] =	vst v63  }
0x21f: {  	_ =	swait.ge @p0 [sflag:s20], $0x4000  }
0x220: {  	[sflag:s20] =	ssyncset.done @p0 $0x0  }
0x221: {  	s8 =	simm.s32 @!p1 $0x1000;
	[sflag:s20] =	ssyncadd.s32 @p0 $0xFFFFC000;
	s20 =	rddreg [dreg:$0x13]  }
0x222: {  	[tilespmem:s8], [sflag:$0x6] =	stream.linear.gather @!p1 [spmem:s20], $0x800, $0x38;
	[tilespmem:$0x1D000] =	vst v63  }
0x223: {  	s20 =	simm.s32 @!p1 $0x6  }
0x224: {  	_ =	swait.ge @!p1 [sflag:s20], $0x800  }
0x225: {  	[sflag:s20] =	ssyncset.done @!p1 $0x0  }
0x226: {  	s21 =	rddreg [dreg:$0x14];
	[sflag:s20] =	ssyncadd.s32 @!p1 $0xFFFFF800;
	s20 =	simm.s32 @!p1 $0x0  }
0x227: {  	[hbm4b:s21+s20] =	stream.linear.scatter @!p1 [tilespmem:s8], [sflag:$0x5], $0x800, $0x38;
	[tilespmem:$0x1D000] =	vst v63  }
0x228: {  	s8 =	simm.s32 @!p1 $0x5  }
0x229: {  	_ =	swait.ge @!p1 [sflag:s8], $0x800  }
0x22a: {  	s20 =	sld [smem:$0x7F8];
	_ =	sdelay $0x2  }
0x22b: {  	s22 =	rddreg [dreg:$0x15];
	s21 =	sadd.s32 $0x1, s20  }
0x22c: {  	p2 =	sne.s32 s21, s22  }
.Ltmp2:
0x22d: {  	_ = 	snop;
	(pc) =	sbr.rel @p2 .LBB2_1-.Ltmp2, $3  }
0x22e: {  	_ =	sdelay $0x1  }
0x22f: {  	[sflag:s8] =	ssyncset.done @!p1 $0x0  }
0x230: {  	[sflag:s8] =	ssyncadd.s32 @!p1 $0xFFFFF800  }
0x231: {  	_ =	sfence.sel $0x180000  }
0x232: {  	[bflag:$0x0] =	sbarrier.arrive $0xFFFF  }
0x233: {  	_ =	strace $0x90000047  }
0x234: {  	s0 =	stileid.u32;
	[bflag:$0x2] =	sbarrier.arrive $0xFFFF  }
0x235: {  	p0 =	sne.s32 s0, $0x0;
	s0 =	rddreg [dreg:$0x2]  }
0x236: {  	s0 =	sadd.s32 @!p0 $0x100000, s0  }
0x237: {  	[sflag:s0] =	ssyncadd.tile.s32 @!p0 $0x1;
	_ =	shalt  }
.Lfunc_end2:
_tile_overlayer_lowered:
.L_overlay_start_2:
0x238: {  	(tag) =	ssettag $0x2  }
0x239: {  	s0 =	rddreg [dreg:$0x0];
	s2 =	stileid.u32  }
0x23a: {  	s1 =	rddreg [dreg:$0x1];
	p0 =	sne.s32 s2, $0x0  }
0x23b: {  	s3 =	rddreg [dreg:$0x2];
	[bflag:$0x3] =	sbarrier.arrive $0xFFFF;
	s2 =	simm.s32 @!p0 $0x1C05  }
0x23c: {  	[timem:s3], [sflag:s2] =	dma.local @!p0 [hbm:s0], s1  }
0x23d: {  	s0 =	simm.s32 @!p0 $0x5  }
0x23e: {  	_ =	swait.ge @!p0 [sflag:s0], s1  }
0x23f: {  	s1 =	ssub.s32 @!p0 $0x0, s1;
	[sflag:s0] =	ssyncset.done @!p0 $0x0  }
0x240: {  	[sflag:s0] =	ssyncadd.s32 @!p0 s1  }
0x241: {  	[bflag:$0x3] =	sbarrier.arrive $0xFFFF  }
0x242: {  	_ =	shalt  }

</sc_bundles>
